<compile_context>
chip_gen: v7x
topology: tpu7x:2x2x1
jax: 0.10.2.dev20260603
libtpu: 0.0.44.dev20260713+nightly
codegen_flags: <defaults>
</compile_context>

<pallas_src>
import functools

import jax
import jax.numpy as jnp
from jax import lax
from jax.experimental import pallas as pl
from jax.experimental.pallas import tpu as pltpu
from jax.experimental.pallas import tpu_sc as plsc

_D_ID = 32
_D_T = 32
_D_OUT = _D_ID + _D_T
_BPAD = 129


def _table_body(idT_ref, t_ref, w1_ref, b1_ref, w2_ref, b2_ref, out_ref):
    t = t_ref[...].reshape(-1, 1)
    t_scale = jnp.max(t) + 1e-6
    ta = t / t_scale
    h = jnp.maximum(ta * w1_ref[...] + b1_ref[...], 0.0)
    e_t = jnp.dot(h, w2_ref[...].T, preferred_element_type=jnp.float32)
    e_t = e_t + b2_ref[...]
    out_ref[:, :_D_ID] = idT_ref[...].T
    out_ref[:, _D_ID:] = e_t


def _build_table(id_emb, t_from_A, W1, b1, W2, b2):
    n = id_emb.shape[0]
    return pl.pallas_call(
        _table_body,
        out_shape=jax.ShapeDtypeStruct((n, _D_OUT), jnp.float32),
    )(
        id_emb.T,
        t_from_A,
        W1.reshape(1, _D_T),
        b1.reshape(1, _D_T),
        W2,
        b2.reshape(1, _D_T),
    )


_NC = 2
_NS = 16
_NW = _NC * _NS
_LANES = 16
_NBUF = 4


def _gather_body(n_stations, L, table_hbm, ids4_hbm, out_hbm,
                 table_sh, ids_v, rows_v, blk_v, gsems, wsems):
    wid = lax.axis_index("s") * _NC + lax.axis_index("c")
    bt = wid

    @pl.when(lax.axis_index("s") == 0)
    def _():
        pltpu.sync_copy(table_hbm, table_sh)

    pltpu.sync_copy(ids4_hbm.at[:, bt], ids_v)
    plsc.subcore_barrier()

    def rg_start(l, rb):
        pltpu.async_copy(
            table_sh.at[ids_v.at[l // 8, l % 8]], rows_v.at[rb],
            gsems.at[rb])

    def rg_wait(l, rb):
        pltpu.make_async_copy(
            table_sh.at[ids_v.at[l // 8, l % 8]], rows_v.at[rb],
            gsems.at[rb]).wait()

    iota = lax.broadcasted_iota(jnp.int32, (_LANES,), 0)
    ft_vecs = [(iota + q * _LANES) // 8 for q in range(4)]
    fi_vecs = [(iota + q * _LANES) % 8 for q in range(4)]

    def transpose(rb, b):
        @plsc.parallel_loop(0, 128, 1, unroll=8)
        def _t(bb):
            b_vec = jnp.zeros((_LANES,), jnp.int32) + bb
            for q in range(4):
                v = rows_v[rb, bb, pl.ds(q * _LANES, _LANES)]
                plsc.store_scatter(
                    blk_v.at[b], [ft_vecs[q], fi_vecs[q], b_vec], v)

    def wb_start(l, b):
        pltpu.async_copy(
            blk_v.at[b, :, :, pl.ds(0, 128)], out_hbm.at[l, :, bt],
            wsems.at[b])

    def wb_wait(l, b):
        pltpu.make_async_copy(
            blk_v.at[b, :, :, pl.ds(0, 128)], out_hbm.at[l, :, bt],
            wsems.at[b]).wait()

    for i in range(_NBUF - 1):
        rg_start(i, i)

    @pl.loop(0, L, step=_NBUF)
    def _grp(l):
        for b in range(_NBUF):
            ll = l + b

            rg_wait(ll, b)

            def _next(ll=ll, b=b):
                rg_start(ll + _NBUF - 1, (b + _NBUF - 1) % _NBUF)

            if b == 0:
                _next()
            else:
                pl.when(ll + _NBUF - 1 < L)(_next)

            @pl.when(ll >= _NBUF)
            def _():
                wb_wait(ll - _NBUF, b)

            transpose(b, b)
            wb_start(ll, b)

    for b in range(_NBUF):
        wb_wait(L - _NBUF + b, b)


def _gather(table, ids4):
    n, d = table.shape
    L = ids4.shape[0] * 8
    assert d == _D_OUT and ids4.shape[1] == _NW and L % _NBUF == 0
    mesh = plsc.VectorSubcoreMesh(core_axis_name="c", subcore_axis_name="s")
    k = pl.kernel(
        functools.partial(_gather_body, n, L),
        out_type=jax.ShapeDtypeStruct((L, 8, _NW, 8, 128), jnp.float32),
        mesh=mesh,
        scratch_types=[
            pltpu.VMEM_SHARED((n, _D_OUT), jnp.float32),
            pltpu.VMEM((L // 8, 8, 128), jnp.int32),
            pltpu.VMEM((_NBUF, 128, _D_OUT), jnp.float32),
            pltpu.VMEM((_NBUF, 8, 8, _BPAD), jnp.float32),
            pltpu.SemaphoreType.DMA((_NBUF,)),
            pltpu.SemaphoreType.DMA((_NBUF,)),
        ],
        compiler_params=pltpu.CompilerParams(
            use_tc_tiling_on_sc=False, needs_layout_passes=False),
    )
    return k(table, ids4)


@jax.jit
def kernel(station_ids, id_emb, t_from_A, W1, b1, W2, b2):
    B, L = station_ids.shape
    table = _build_table(id_emb, t_from_A, W1, b1, W2, b2)
    ids4 = station_ids.reshape(_NW, 128, L // 8, 8).transpose(2, 0, 3, 1)
    out5 = _gather(table, ids4)
    return out5.transpose(2, 4, 0, 1, 3).reshape(B, L, _D_OUT)

# --- scband reference (transcript-rebuilt; emitter-appended) ---
"""Pipeline reference for scband-station-embedding-63694365000501 (READ-ONLY COPY).

The authoritative reference and input builder live on the scoring server;
editing this copy changes nothing except your own understanding.
"""

import jax, jax.numpy as jnp
import numpy as np

NUM_STATIONS = 1000
D_ID = 32
D_T = 32
B = 4096
L = 200


def setup_inputs(seed: int = 0) -> dict:
    key = jax.random.key(seed)
    k1, k2, k3, k4, k5 = jax.random.split(key, 5)
    station_ids = jax.random.randint(k1, (B, L), 0, NUM_STATIONS, dtype=jnp.int32)
    id_emb = jax.random.normal(k2, (NUM_STATIONS, D_ID), dtype=jnp.float32)
    t_from_A = jax.random.uniform(k3, (NUM_STATIONS,), dtype=jnp.float32) * 240.0
    W1 = jax.random.normal(k4, (D_T, 1), dtype=jnp.float32) * 1.0
    b1 = jnp.zeros((D_T,), dtype=jnp.float32)
    W2 = jax.random.normal(k5, (D_T, D_T), dtype=jnp.float32) * (1.0 / np.sqrt(D_T))
    b2 = jnp.zeros((D_T,), dtype=jnp.float32)
    return {
        "station_ids": station_ids,
        "id_emb": id_emb,
        "t_from_A": t_from_A,
        "W1": W1,
        "b1": b1,
        "W2": W2,
        "b2": b2,
    }


def reference(station_ids, id_emb, t_from_A, W1, b1, W2, b2):
    # t_scale is a python-float constant captured at module init in torch
    t_scale = jnp.max(t_from_A) + 1e-06
    # embedding gather
    e_id = jnp.take(id_emb, station_ids, axis=0)          # [B, L, D_ID]
    tA = jnp.take(t_from_A, station_ids, axis=0) / t_scale  # [B, L]
    # Linear(1, d_timepos) -> ReLU -> Linear(d_timepos, d_timepos)
    h = tA[..., None] @ W1.T + b1                          # [B, L, D_T]
    h = jax.nn.relu(h)
    e_t = h @ W2.T + b2                                    # [B, L, D_T]
    return jnp.concatenate([e_id, e_t], axis=-1)           # [B, L, D_ID + D_T]

if __name__ == "__main__":
    import jax
    _d = setup_inputs()
    print(jax.jit(kernel)(*tuple(_d.values())))

</pallas_src>

<mosaic_0001>
#map = affine_map<(d0, d1) -> (0, 0)>
#map1 = affine_map<(d0, d1) -> (0, 0, 0, 0)>
#map2 = affine_map<(d0, d1) -> (0, 0, 0, 0, 0)>
module attributes {stable_mosaic.version = 14 : i64} {
  func.func @_gather_body(%arg0: i32, %arg1: i32, %arg2: memref<1000x64xf32, #tpu.memory_space<hbm>>, %arg3: memref<25x32x8x128xi32, #tpu.memory_space<hbm>>, %arg4: memref<200x8x32x8x128xf32, #tpu.memory_space<hbm>>, %arg5: memref<1000x64xf32, #tpu.memory_space<vmem_shared>>, %arg6: memref<25x8x128xi32, #tpu.memory_space<vmem>>, %arg7: memref<4x128x64xf32, #tpu.memory_space<vmem>>, %arg8: memref<4x8x8x129xf32, #tpu.memory_space<vmem>>, %arg9: memref<4x!tpu.dma_semaphore, #tpu.memory_space<semaphore_mem>>, %arg10: memref<4x!tpu.dma_semaphore, #tpu.memory_space<semaphore_mem>>) attributes {dimension_semantics = [#tpu.dimension_semantics<core_parallel>, #tpu.dimension_semantics<subcore_parallel>], iteration_bounds = array<i64: 2, 16>, scalar_prefetch = 0 : i64, scratch_operands = 6 : i64, tpu.core_type = #tpu.core_type<sc_vector_subcore>, window_params = [{transform_indices = #map}, {transform_indices = #map1}, {transform_indices = #map2}]} {
    %mul3A = arith.constant 2 : i32
    %mul3A_0 = arith.muli %arg1, %mul3A : i32
    %add3A = arith.addi %mul3A_0, %arg0 : i32
    %eq3A = arith.constant 0 : i32
    %eq3A_1 = arith.cmpi eq, %arg1, %eq3A : i32
    %convert_element_type3A = arith.extui %eq3A_1 : i1 to i32
    %cond3A = arith.constant 0 : i32
    %cond3A_2 = arith.cmpi ne, %convert_element_type3A, %cond3A : i32
    scf.if %cond3A_2 {
      "tpu.region"() ({
        %run_scoped3A = tpu.sem_alloc : memref<!tpu.dma_semaphore, #tpu.memory_space<semaphore_mem>>
        tpu.enqueue_dma source(%arg2 : memref<1000x64xf32, #tpu.memory_space<hbm>>) target(%arg5 : memref<1000x64xf32, #tpu.memory_space<vmem_shared>>) target_semaphore(%run_scoped3A : memref<!tpu.dma_semaphore, #tpu.memory_space<semaphore_mem>>)
        tpu.wait_dma2 semaphore(%run_scoped3A : memref<!tpu.dma_semaphore, #tpu.memory_space<semaphore_mem>>) src(%arg2 : memref<1000x64xf32, #tpu.memory_space<hbm>>) dst(%arg5 : memref<1000x64xf32, #tpu.memory_space<vmem_shared>>)
        tpu.yield
      }) : () -> ()
    } else {
    }
    "tpu.region"() ({
      %run_scoped3A = tpu.sem_alloc : memref<!tpu.dma_semaphore, #tpu.memory_space<semaphore_mem>>
      %dma_start3A_380 = arith.constant 0 : i32
      %dma_start3A_381 = arith.constant 0 : i32
      %dma_start3A_382 = arith.constant 0 : i32
      %dma_start3A_383 = tpu.memref_slice %arg3[%dma_start3A_380, %add3A, %dma_start3A_381, %dma_start3A_382] : memref<25x32x8x128xi32, #tpu.memory_space<hbm>> -> memref<25x1x8x128xi32, #tpu.memory_space<hbm>>
      %dma_start3A_384 = tpu.memref_squeeze %dma_start3A_383 : memref<25x1x8x128xi32, #tpu.memory_space<hbm>> -> memref<25x8x128xi32, #tpu.memory_space<hbm>>
      %dma_start3A_385 = arith.constant 0 : i32
      %dma_start3A_386 = arith.constant 0 : i32
      %dma_start3A_387 = arith.constant 0 : i32
      %dma_start3A_388 = tpu.memref_slice %arg3[%dma_start3A_385, %add3A, %dma_start3A_386, %dma_start3A_387] : memref<25x32x8x128xi32, #tpu.memory_space<hbm>> -> memref<25x1x8x128xi32, #tpu.memory_space<hbm>>
      %dma_start3A_389 = tpu.memref_squeeze %dma_start3A_388 : memref<25x1x8x128xi32, #tpu.memory_space<hbm>> -> memref<25x8x128xi32, #tpu.memory_space<hbm>>
      tpu.enqueue_dma source(%dma_start3A_389 : memref<25x8x128xi32, #tpu.memory_space<hbm>>) target(%arg6 : memref<25x8x128xi32, #tpu.memory_space<vmem>>) target_semaphore(%run_scoped3A : memref<!tpu.dma_semaphore, #tpu.memory_space<semaphore_mem>>)
      %dma_wait3A_390 = arith.constant 0 : i32
      %dma_wait3A_391 = arith.constant 0 : i32
      %dma_wait3A_392 = arith.constant 0 : i32
      %dma_wait3A_393 = tpu.memref_slice %arg3[%dma_wait3A_390, %add3A, %dma_wait3A_391, %dma_wait3A_392] : memref<25x32x8x128xi32, #tpu.memory_space<hbm>> -> memref<25x1x8x128xi32, #tpu.memory_space<hbm>>
      %dma_wait3A_394 = tpu.memref_squeeze %dma_wait3A_393 : memref<25x1x8x128xi32, #tpu.memory_space<hbm>> -> memref<25x8x128xi32, #tpu.memory_space<hbm>>
      %dma_wait3A_395 = arith.constant 0 : i32
      %dma_wait3A_396 = arith.constant 0 : i32
      %dma_wait3A_397 = arith.constant 0 : i32
      %dma_wait3A_398 = tpu.memref_slice %arg3[%dma_wait3A_395, %add3A, %dma_wait3A_396, %dma_wait3A_397] : memref<25x32x8x128xi32, #tpu.memory_space<hbm>> -> memref<25x1x8x128xi32, #tpu.memory_space<hbm>>
      %dma_wait3A_399 = tpu.memref_squeeze %dma_wait3A_398 : memref<25x1x8x128xi32, #tpu.memory_space<hbm>> -> memref<25x8x128xi32, #tpu.memory_space<hbm>>
      tpu.wait_dma2 semaphore(%run_scoped3A : memref<!tpu.dma_semaphore, #tpu.memory_space<semaphore_mem>>) src(%dma_wait3A_399 : memref<25x8x128xi32, #tpu.memory_space<hbm>>) dst(%arg6 : memref<25x8x128xi32, #tpu.memory_space<vmem>>)
      tpu.yield
    }) : () -> ()
    %barrier3A = arith.constant 0 : index
    tpu.barrier barrier_id(%barrier3A)
    %iota3A = tpu.iota {dimensions = array<i32: 0>} : vector<16xi32>
    %add3A_3 = arith.constant 0 : i32
    %add3A_4 = vector.broadcast %add3A_3 : i32 to vector<16xi32>
    %add3A_5 = arith.addi %iota3A, %add3A_4 : vector<16xi32>
    %jit3A = arith.constant 8 : i32
    %div3A = vector.broadcast %jit3A : i32 to vector<16xi32>
    %div3A_6 = arith.divsi %add3A_5, %div3A : vector<16xi32>
    %sign3A = arith.constant 0 : i32
    %sign3A_7 = vector.broadcast %sign3A : i32 to vector<16xi32>
    %sign3A_8 = arith.cmpi sgt, %add3A_5, %sign3A_7 : vector<16xi32>
    %sign3A_9 = arith.extui %sign3A_8 : vector<16xi1> to vector<16xi32>
    %sign3A_10 = arith.constant 0 : i32
    %sign3A_11 = vector.broadcast %sign3A_10 : i32 to vector<16xi32>
    %sign3A_12 = arith.cmpi slt, %add3A_5, %sign3A_11 : vector<16xi32>
    %sign3A_13 = arith.extui %sign3A_12 : vector<16xi1> to vector<16xi32>
    %sign3A_14 = arith.subi %sign3A_9, %sign3A_13 : vector<16xi32>
    %sign3A_15 = arith.constant 0 : i32
    %sign3A_16 = arith.cmpi sgt, %jit3A, %sign3A_15 : i32
    %sign3A_17 = arith.extui %sign3A_16 : i1 to i32
    %sign3A_18 = arith.constant 0 : i32
    %sign3A_19 = arith.cmpi slt, %jit3A, %sign3A_18 : i32
    %sign3A_20 = arith.extui %sign3A_19 : i1 to i32
    %sign3A_21 = arith.subi %sign3A_17, %sign3A_20 : i32
    %ne3A = vector.broadcast %sign3A_21 : i32 to vector<16xi32>
    %ne3A_22 = arith.cmpi ne, %sign3A_14, %ne3A : vector<16xi32>
    %rem3A = vector.broadcast %jit3A : i32 to vector<16xi32>
    %rem3A_23 = arith.remsi %add3A_5, %rem3A : vector<16xi32>
    %ne3A_24 = arith.constant 0 : i32
    %ne3A_25 = vector.broadcast %ne3A_24 : i32 to vector<16xi32>
    %ne3A_26 = arith.cmpi ne, %rem3A_23, %ne3A_25 : vector<16xi32>
    %and3A = arith.andi %ne3A_22, %ne3A_26 : vector<16xi1>
    %sub3A = arith.constant 1 : i32
    %sub3A_27 = vector.broadcast %sub3A : i32 to vector<16xi32>
    %sub3A_28 = arith.subi %div3A_6, %sub3A_27 : vector<16xi32>
    %select_n3A = arith.select %and3A, %sub3A_28, %div3A_6 : vector<16xi1>, vector<16xi32>
    %add3A_29 = arith.constant 16 : i32
    %add3A_30 = vector.broadcast %add3A_29 : i32 to vector<16xi32>
    %add3A_31 = arith.addi %iota3A, %add3A_30 : vector<16xi32>
    %jit3A_32 = arith.constant 8 : i32
    %div3A_33 = vector.broadcast %jit3A_32 : i32 to vector<16xi32>
    %div3A_34 = arith.divsi %add3A_31, %div3A_33 : vector<16xi32>
    %sign3A_35 = arith.constant 0 : i32
    %sign3A_36 = vector.broadcast %sign3A_35 : i32 to vector<16xi32>
    %sign3A_37 = arith.cmpi sgt, %add3A_31, %sign3A_36 : vector<16xi32>
    %sign3A_38 = arith.extui %sign3A_37 : vector<16xi1> to vector<16xi32>
    %sign3A_39 = arith.constant 0 : i32
    %sign3A_40 = vector.broadcast %sign3A_39 : i32 to vector<16xi32>
    %sign3A_41 = arith.cmpi slt, %add3A_31, %sign3A_40 : vector<16xi32>
    %sign3A_42 = arith.extui %sign3A_41 : vector<16xi1> to vector<16xi32>
    %sign3A_43 = arith.subi %sign3A_38, %sign3A_42 : vector<16xi32>
    %sign3A_44 = arith.constant 0 : i32
    %sign3A_45 = arith.cmpi sgt, %jit3A_32, %sign3A_44 : i32
    %sign3A_46 = arith.extui %sign3A_45 : i1 to i32
    %sign3A_47 = arith.constant 0 : i32
    %sign3A_48 = arith.cmpi slt, %jit3A_32, %sign3A_47 : i32
    %sign3A_49 = arith.extui %sign3A_48 : i1 to i32
    %sign3A_50 = arith.subi %sign3A_46, %sign3A_49 : i32
    %ne3A_51 = vector.broadcast %sign3A_50 : i32 to vector<16xi32>
    %ne3A_52 = arith.cmpi ne, %sign3A_43, %ne3A_51 : vector<16xi32>
    %rem3A_53 = vector.broadcast %jit3A_32 : i32 to vector<16xi32>
    %rem3A_54 = arith.remsi %add3A_31, %rem3A_53 : vector<16xi32>
    %ne3A_55 = arith.constant 0 : i32
    %ne3A_56 = vector.broadcast %ne3A_55 : i32 to vector<16xi32>
    %ne3A_57 = arith.cmpi ne, %rem3A_54, %ne3A_56 : vector<16xi32>
    %and3A_58 = arith.andi %ne3A_52, %ne3A_57 : vector<16xi1>
    %sub3A_59 = arith.constant 1 : i32
    %sub3A_60 = vector.broadcast %sub3A_59 : i32 to vector<16xi32>
    %sub3A_61 = arith.subi %div3A_34, %sub3A_60 : vector<16xi32>
    %select_n3A_62 = arith.select %and3A_58, %sub3A_61, %div3A_34 : vector<16xi1>, vector<16xi32>
    %add3A_63 = arith.constant 32 : i32
    %add3A_64 = vector.broadcast %add3A_63 : i32 to vector<16xi32>
    %add3A_65 = arith.addi %iota3A, %add3A_64 : vector<16xi32>
    %jit3A_66 = arith.constant 8 : i32
    %div3A_67 = vector.broadcast %jit3A_66 : i32 to vector<16xi32>
    %div3A_68 = arith.divsi %add3A_65, %div3A_67 : vector<16xi32>
    %sign3A_69 = arith.constant 0 : i32
    %sign3A_70 = vector.broadcast %sign3A_69 : i32 to vector<16xi32>
    %sign3A_71 = arith.cmpi sgt, %add3A_65, %sign3A_70 : vector<16xi32>
    %sign3A_72 = arith.extui %sign3A_71 : vector<16xi1> to vector<16xi32>
    %sign3A_73 = arith.constant 0 : i32
    %sign3A_74 = vector.broadcast %sign3A_73 : i32 to vector<16xi32>
    %sign3A_75 = arith.cmpi slt, %add3A_65, %sign3A_74 : vector<16xi32>
    %sign3A_76 = arith.extui %sign3A_75 : vector<16xi1> to vector<16xi32>
    %sign3A_77 = arith.subi %sign3A_72, %sign3A_76 : vector<16xi32>
    %sign3A_78 = arith.constant 0 : i32
    %sign3A_79 = arith.cmpi sgt, %jit3A_66, %sign3A_78 : i32
    %sign3A_80 = arith.extui %sign3A_79 : i1 to i32
    %sign3A_81 = arith.constant 0 : i32
    %sign3A_82 = arith.cmpi slt, %jit3A_66, %sign3A_81 : i32
    %sign3A_83 = arith.extui %sign3A_82 : i1 to i32
    %sign3A_84 = arith.subi %sign3A_80, %sign3A_83 : i32
    %ne3A_85 = vector.broadcast %sign3A_84 : i32 to vector<16xi32>
    %ne3A_86 = arith.cmpi ne, %sign3A_77, %ne3A_85 : vector<16xi32>
    %rem3A_87 = vector.broadcast %jit3A_66 : i32 to vector<16xi32>
    %rem3A_88 = arith.remsi %add3A_65, %rem3A_87 : vector<16xi32>
    %ne3A_89 = arith.constant 0 : i32
    %ne3A_90 = vector.broadcast %ne3A_89 : i32 to vector<16xi32>
    %ne3A_91 = arith.cmpi ne, %rem3A_88, %ne3A_90 : vector<16xi32>
    %and3A_92 = arith.andi %ne3A_86, %ne3A_91 : vector<16xi1>
    %sub3A_93 = arith.constant 1 : i32
    %sub3A_94 = vector.broadcast %sub3A_93 : i32 to vector<16xi32>
    %sub3A_95 = arith.subi %div3A_68, %sub3A_94 : vector<16xi32>
    %select_n3A_96 = arith.select %and3A_92, %sub3A_95, %div3A_68 : vector<16xi1>, vector<16xi32>
    %add3A_97 = arith.constant 48 : i32
    %add3A_98 = vector.broadcast %add3A_97 : i32 to vector<16xi32>
    %add3A_99 = arith.addi %iota3A, %add3A_98 : vector<16xi32>
    %jit3A_100 = arith.constant 8 : i32
    %div3A_101 = vector.broadcast %jit3A_100 : i32 to vector<16xi32>
    %div3A_102 = arith.divsi %add3A_99, %div3A_101 : vector<16xi32>
    %sign3A_103 = arith.constant 0 : i32
    %sign3A_104 = vector.broadcast %sign3A_103 : i32 to vector<16xi32>
    %sign3A_105 = arith.cmpi sgt, %add3A_99, %sign3A_104 : vector<16xi32>
    %sign3A_106 = arith.extui %sign3A_105 : vector<16xi1> to vector<16xi32>
    %sign3A_107 = arith.constant 0 : i32
    %sign3A_108 = vector.broadcast %sign3A_107 : i32 to vector<16xi32>
    %sign3A_109 = arith.cmpi slt, %add3A_99, %sign3A_108 : vector<16xi32>
    %sign3A_110 = arith.extui %sign3A_109 : vector<16xi1> to vector<16xi32>
    %sign3A_111 = arith.subi %sign3A_106, %sign3A_110 : vector<16xi32>
    %sign3A_112 = arith.constant 0 : i32
    %sign3A_113 = arith.cmpi sgt, %jit3A_100, %sign3A_112 : i32
    %sign3A_114 = arith.extui %sign3A_113 : i1 to i32
    %sign3A_115 = arith.constant 0 : i32
    %sign3A_116 = arith.cmpi slt, %jit3A_100, %sign3A_115 : i32
    %sign3A_117 = arith.extui %sign3A_116 : i1 to i32
    %sign3A_118 = arith.subi %sign3A_114, %sign3A_117 : i32
    %ne3A_119 = vector.broadcast %sign3A_118 : i32 to vector<16xi32>
    %ne3A_120 = arith.cmpi ne, %sign3A_111, %ne3A_119 : vector<16xi32>
    %rem3A_121 = vector.broadcast %jit3A_100 : i32 to vector<16xi32>
    %rem3A_122 = arith.remsi %add3A_99, %rem3A_121 : vector<16xi32>
    %ne3A_123 = arith.constant 0 : i32
    %ne3A_124 = vector.broadcast %ne3A_123 : i32 to vector<16xi32>
    %ne3A_125 = arith.cmpi ne, %rem3A_122, %ne3A_124 : vector<16xi32>
    %and3A_126 = arith.andi %ne3A_120, %ne3A_125 : vector<16xi1>
    %sub3A_127 = arith.constant 1 : i32
    %sub3A_128 = vector.broadcast %sub3A_127 : i32 to vector<16xi32>
    %sub3A_129 = arith.subi %div3A_102, %sub3A_128 : vector<16xi32>
    %select_n3A_130 = arith.select %and3A_126, %sub3A_129, %div3A_102 : vector<16xi1>, vector<16xi32>
    %add3A_131 = arith.constant 0 : i32
    %add3A_132 = vector.broadcast %add3A_131 : i32 to vector<16xi32>
    %add3A_133 = arith.addi %iota3A, %add3A_132 : vector<16xi32>
    %jit3A_134 = arith.constant 8 : i32
    %eq3A_135 = arith.constant 0 : i32
    %eq3A_136 = arith.cmpi eq, %jit3A_134, %eq3A_135 : i32
    %jit3A_137 = arith.constant 1 : i32
    %select_n3A_138 = arith.select %eq3A_136, %jit3A_137, %jit3A_134 : i32
    %rem3A_139 = vector.broadcast %select_n3A_138 : i32 to vector<16xi32>
    %rem3A_140 = arith.remsi %add3A_133, %rem3A_139 : vector<16xi32>
    %ne3A_141 = arith.constant 0 : i32
    %ne3A_142 = vector.broadcast %ne3A_141 : i32 to vector<16xi32>
    %ne3A_143 = arith.cmpi ne, %rem3A_140, %ne3A_142 : vector<16xi32>
    %lt3A = arith.constant 0 : i32
    %lt3A_144 = vector.broadcast %lt3A : i32 to vector<16xi32>
    %lt3A_145 = arith.cmpi slt, %rem3A_140, %lt3A_144 : vector<16xi32>
    %lt3A_146 = arith.constant 0 : i32
    %lt3A_147 = arith.cmpi slt, %select_n3A_138, %lt3A_146 : i32
    %ne3A_148 = vector.broadcast %lt3A_147 : i1 to vector<16xi1>
    %ne3A_149 = vector.broadcast %ne3A_148 : vector<16xi1> to vector<16xi1>
    %ne3A_150 = arith.xori %lt3A_145, %ne3A_149 : vector<16xi1>
    %and3A_151 = arith.andi %ne3A_150, %ne3A_143 : vector<16xi1>
    %add3A_152 = vector.broadcast %select_n3A_138 : i32 to vector<16xi32>
    %add3A_153 = arith.addi %rem3A_140, %add3A_152 : vector<16xi32>
    %select_n3A_154 = arith.select %and3A_151, %add3A_153, %rem3A_140 : vector<16xi1>, vector<16xi32>
    %add3A_155 = arith.constant 16 : i32
    %add3A_156 = vector.broadcast %add3A_155 : i32 to vector<16xi32>
    %add3A_157 = arith.addi %iota3A, %add3A_156 : vector<16xi32>
    %jit3A_158 = arith.constant 8 : i32
    %eq3A_159 = arith.constant 0 : i32
    %eq3A_160 = arith.cmpi eq, %jit3A_158, %eq3A_159 : i32
    %jit3A_161 = arith.constant 1 : i32
    %select_n3A_162 = arith.select %eq3A_160, %jit3A_161, %jit3A_158 : i32
    %rem3A_163 = vector.broadcast %select_n3A_162 : i32 to vector<16xi32>
    %rem3A_164 = arith.remsi %add3A_157, %rem3A_163 : vector<16xi32>
    %ne3A_165 = arith.constant 0 : i32
    %ne3A_166 = vector.broadcast %ne3A_165 : i32 to vector<16xi32>
    %ne3A_167 = arith.cmpi ne, %rem3A_164, %ne3A_166 : vector<16xi32>
    %lt3A_168 = arith.constant 0 : i32
    %lt3A_169 = vector.broadcast %lt3A_168 : i32 to vector<16xi32>
    %lt3A_170 = arith.cmpi slt, %rem3A_164, %lt3A_169 : vector<16xi32>
    %lt3A_171 = arith.constant 0 : i32
    %lt3A_172 = arith.cmpi slt, %select_n3A_162, %lt3A_171 : i32
    %ne3A_173 = vector.broadcast %lt3A_172 : i1 to vector<16xi1>
    %ne3A_174 = vector.broadcast %ne3A_173 : vector<16xi1> to vector<16xi1>
    %ne3A_175 = arith.xori %lt3A_170, %ne3A_174 : vector<16xi1>
    %and3A_176 = arith.andi %ne3A_175, %ne3A_167 : vector<16xi1>
    %add3A_177 = vector.broadcast %select_n3A_162 : i32 to vector<16xi32>
    %add3A_178 = arith.addi %rem3A_164, %add3A_177 : vector<16xi32>
    %select_n3A_179 = arith.select %and3A_176, %add3A_178, %rem3A_164 : vector<16xi1>, vector<16xi32>
    %add3A_180 = arith.constant 32 : i32
    %add3A_181 = vector.broadcast %add3A_180 : i32 to vector<16xi32>
    %add3A_182 = arith.addi %iota3A, %add3A_181 : vector<16xi32>
    %jit3A_183 = arith.constant 8 : i32
    %eq3A_184 = arith.constant 0 : i32
    %eq3A_185 = arith.cmpi eq, %jit3A_183, %eq3A_184 : i32
    %jit3A_186 = arith.constant 1 : i32
    %select_n3A_187 = arith.select %eq3A_185, %jit3A_186, %jit3A_183 : i32
    %rem3A_188 = vector.broadcast %select_n3A_187 : i32 to vector<16xi32>
    %rem3A_189 = arith.remsi %add3A_182, %rem3A_188 : vector<16xi32>
    %ne3A_190 = arith.constant 0 : i32
    %ne3A_191 = vector.broadcast %ne3A_190 : i32 to vector<16xi32>
    %ne3A_192 = arith.cmpi ne, %rem3A_189, %ne3A_191 : vector<16xi32>
    %lt3A_193 = arith.constant 0 : i32
    %lt3A_194 = vector.broadcast %lt3A_193 : i32 to vector<16xi32>
    %lt3A_195 = arith.cmpi slt, %rem3A_189, %lt3A_194 : vector<16xi32>
    %lt3A_196 = arith.constant 0 : i32
    %lt3A_197 = arith.cmpi slt, %select_n3A_187, %lt3A_196 : i32
    %ne3A_198 = vector.broadcast %lt3A_197 : i1 to vector<16xi1>
    %ne3A_199 = vector.broadcast %ne3A_198 : vector<16xi1> to vector<16xi1>
    %ne3A_200 = arith.xori %lt3A_195, %ne3A_199 : vector<16xi1>
    %and3A_201 = arith.andi %ne3A_200, %ne3A_192 : vector<16xi1>
    %add3A_202 = vector.broadcast %select_n3A_187 : i32 to vector<16xi32>
    %add3A_203 = arith.addi %rem3A_189, %add3A_202 : vector<16xi32>
    %select_n3A_204 = arith.select %and3A_201, %add3A_203, %rem3A_189 : vector<16xi1>, vector<16xi32>
    %add3A_205 = arith.constant 48 : i32
    %add3A_206 = vector.broadcast %add3A_205 : i32 to vector<16xi32>
    %add3A_207 = arith.addi %iota3A, %add3A_206 : vector<16xi32>
    %jit3A_208 = arith.constant 8 : i32
    %eq3A_209 = arith.constant 0 : i32
    %eq3A_210 = arith.cmpi eq, %jit3A_208, %eq3A_209 : i32
    %jit3A_211 = arith.constant 1 : i32
    %select_n3A_212 = arith.select %eq3A_210, %jit3A_211, %jit3A_208 : i32
    %rem3A_213 = vector.broadcast %select_n3A_212 : i32 to vector<16xi32>
    %rem3A_214 = arith.remsi %add3A_207, %rem3A_213 : vector<16xi32>
    %ne3A_215 = arith.constant 0 : i32
    %ne3A_216 = vector.broadcast %ne3A_215 : i32 to vector<16xi32>
    %ne3A_217 = arith.cmpi ne, %rem3A_214, %ne3A_216 : vector<16xi32>
    %lt3A_218 = arith.constant 0 : i32
    %lt3A_219 = vector.broadcast %lt3A_218 : i32 to vector<16xi32>
    %lt3A_220 = arith.cmpi slt, %rem3A_214, %lt3A_219 : vector<16xi32>
    %lt3A_221 = arith.constant 0 : i32
    %lt3A_222 = arith.cmpi slt, %select_n3A_212, %lt3A_221 : i32
    %ne3A_223 = vector.broadcast %lt3A_222 : i1 to vector<16xi1>
    %ne3A_224 = vector.broadcast %ne3A_223 : vector<16xi1> to vector<16xi1>
    %ne3A_225 = arith.xori %lt3A_220, %ne3A_224 : vector<16xi1>
    %and3A_226 = arith.andi %ne3A_225, %ne3A_217 : vector<16xi1>
    %add3A_227 = vector.broadcast %select_n3A_212 : i32 to vector<16xi32>
    %add3A_228 = arith.addi %rem3A_214, %add3A_227 : vector<16xi32>
    %select_n3A_229 = arith.select %and3A_226, %add3A_228, %rem3A_214 : vector<16xi1>, vector<16xi32>
    %dma_start3A = arith.constant 0 : i32
    %dma_start3A_230 = arith.constant 0 : i32
    %dma_start3A_231 = arith.constant 0 : i32
    %dma_start3A_232 = arith.constant 0 : i32
    %dma_start3A_233 = arith.constant 0 : i32
    %dma_start3A_234 = arith.constant 0 : i32
    %dma_start3A_235 = tpu.memref_slice %arg7[%dma_start3A_231, %dma_start3A_233, %dma_start3A_234] : memref<4x128x64xf32, #tpu.memory_space<vmem>> -> memref<1x128x64xf32, #tpu.memory_space<vmem>>
    %dma_start3A_236 = tpu.memref_squeeze %dma_start3A_235 : memref<1x128x64xf32, #tpu.memory_space<vmem>> -> memref<128x64xf32, #tpu.memory_space<vmem>>
    %dma_start3A_237 = arith.constant 0 : i32
    %dma_start3A_238 = tpu.memref_slice %arg6[%dma_start3A, %dma_start3A_230, %dma_start3A_237] : memref<25x8x128xi32, #tpu.memory_space<vmem>> -> memref<1x1x128xi32, #tpu.memory_space<vmem>>
    %dma_start3A_239 = tpu.memref_squeeze %dma_start3A_238 : memref<1x1x128xi32, #tpu.memory_space<vmem>> -> memref<128xi32, #tpu.memory_space<vmem>>
    %dma_start3A_240 = arith.constant 0 : i32
    %dma_start3A_241 = arith.constant 0 : i32
    %dma_start3A_242 = tpu.memref_slice %arg5[%dma_start3A_240, %dma_start3A_241] : memref<1000x64xf32, #tpu.memory_space<vmem_shared>> -> memref<1000x64xf32, #tpu.memory_space<vmem_shared>>
    %dma_start3A_243 = tpu.memref_slice %arg9[%dma_start3A_232] : memref<4x!tpu.dma_semaphore, #tpu.memory_space<semaphore_mem>> -> memref<1x!tpu.dma_semaphore, #tpu.memory_space<semaphore_mem>>
    %dma_start3A_244 = tpu.memref_squeeze %dma_start3A_243 : memref<1x!tpu.dma_semaphore, #tpu.memory_space<semaphore_mem>> -> memref<!tpu.dma_semaphore, #tpu.memory_space<semaphore_mem>>
    tpu.enqueue_indirect_dma source(%dma_start3A_242 : memref<1000x64xf32, #tpu.memory_space<vmem_shared>>) target(%dma_start3A_236 : memref<128x64xf32, #tpu.memory_space<vmem>>) offsets(%dma_start3A_239 : memref<128xi32, #tpu.memory_space<vmem>>) semaphore(%dma_start3A_244 : memref<!tpu.dma_semaphore, #tpu.memory_space<semaphore_mem>>)
    %dma_start3A_245 = arith.constant 0 : i32
    %dma_start3A_246 = arith.constant 1 : i32
    %dma_start3A_247 = arith.constant 1 : i32
    %dma_start3A_248 = arith.constant 1 : i32
    %dma_start3A_249 = arith.constant 0 : i32
    %dma_start3A_250 = arith.constant 0 : i32
    %dma_start3A_251 = tpu.memref_slice %arg7[%dma_start3A_247, %dma_start3A_249, %dma_start3A_250] : memref<4x128x64xf32, #tpu.memory_space<vmem>> -> memref<1x128x64xf32, #tpu.memory_space<vmem>>
    %dma_start3A_252 = tpu.memref_squeeze %dma_start3A_251 : memref<1x128x64xf32, #tpu.memory_space<vmem>> -> memref<128x64xf32, #tpu.memory_space<vmem>>
    %dma_start3A_253 = arith.constant 0 : i32
    %dma_start3A_254 = tpu.memref_slice %arg6[%dma_start3A_245, %dma_start3A_246, %dma_start3A_253] : memref<25x8x128xi32, #tpu.memory_space<vmem>> -> memref<1x1x128xi32, #tpu.memory_space<vmem>>
    %dma_start3A_255 = tpu.memref_squeeze %dma_start3A_254 : memref<1x1x128xi32, #tpu.memory_space<vmem>> -> memref<128xi32, #tpu.memory_space<vmem>>
    %dma_start3A_256 = arith.constant 0 : i32
    %dma_start3A_257 = arith.constant 0 : i32
    %dma_start3A_258 = tpu.memref_slice %arg5[%dma_start3A_256, %dma_start3A_257] : memref<1000x64xf32, #tpu.memory_space<vmem_shared>> -> memref<1000x64xf32, #tpu.memory_space<vmem_shared>>
    %dma_start3A_259 = tpu.memref_slice %arg9[%dma_start3A_248] : memref<4x!tpu.dma_semaphore, #tpu.memory_space<semaphore_mem>> -> memref<1x!tpu.dma_semaphore, #tpu.memory_space<semaphore_mem>>
    %dma_start3A_260 = tpu.memref_squeeze %dma_start3A_259 : memref<1x!tpu.dma_semaphore, #tpu.memory_space<semaphore_mem>> -> memref<!tpu.dma_semaphore, #tpu.memory_space<semaphore_mem>>
    tpu.enqueue_indirect_dma source(%dma_start3A_258 : memref<1000x64xf32, #tpu.memory_space<vmem_shared>>) target(%dma_start3A_252 : memref<128x64xf32, #tpu.memory_space<vmem>>) offsets(%dma_start3A_255 : memref<128xi32, #tpu.memory_space<vmem>>) semaphore(%dma_start3A_260 : memref<!tpu.dma_semaphore, #tpu.memory_space<semaphore_mem>>)
    %dma_start3A_261 = arith.constant 0 : i32
    %dma_start3A_262 = arith.constant 2 : i32
    %dma_start3A_263 = arith.constant 2 : i32
    %dma_start3A_264 = arith.constant 2 : i32
    %dma_start3A_265 = arith.constant 0 : i32
    %dma_start3A_266 = arith.constant 0 : i32
    %dma_start3A_267 = tpu.memref_slice %arg7[%dma_start3A_263, %dma_start3A_265, %dma_start3A_266] : memref<4x128x64xf32, #tpu.memory_space<vmem>> -> memref<1x128x64xf32, #tpu.memory_space<vmem>>
    %dma_start3A_268 = tpu.memref_squeeze %dma_start3A_267 : memref<1x128x64xf32, #tpu.memory_space<vmem>> -> memref<128x64xf32, #tpu.memory_space<vmem>>
    %dma_start3A_269 = arith.constant 0 : i32
    %dma_start3A_270 = tpu.memref_slice %arg6[%dma_start3A_261, %dma_start3A_262, %dma_start3A_269] : memref<25x8x128xi32, #tpu.memory_space<vmem>> -> memref<1x1x128xi32, #tpu.memory_space<vmem>>
    %dma_start3A_271 = tpu.memref_squeeze %dma_start3A_270 : memref<1x1x128xi32, #tpu.memory_space<vmem>> -> memref<128xi32, #tpu.memory_space<vmem>>
    %dma_start3A_272 = arith.constant 0 : i32
    %dma_start3A_273 = arith.constant 0 : i32
    %dma_start3A_274 = tpu.memref_slice %arg5[%dma_start3A_272, %dma_start3A_273] : memref<1000x64xf32, #tpu.memory_space<vmem_shared>> -> memref<1000x64xf32, #tpu.memory_space<vmem_shared>>
    %dma_start3A_275 = tpu.memref_slice %arg9[%dma_start3A_264] : memref<4x!tpu.dma_semaphore, #tpu.memory_space<semaphore_mem>> -> memref<1x!tpu.dma_semaphore, #tpu.memory_space<semaphore_mem>>
    %dma_start3A_276 = tpu.memref_squeeze %dma_start3A_275 : memref<1x!tpu.dma_semaphore, #tpu.memory_space<semaphore_mem>> -> memref<!tpu.dma_semaphore, #tpu.memory_space<semaphore_mem>>
    tpu.enqueue_indirect_dma source(%dma_start3A_274 : memref<1000x64xf32, #tpu.memory_space<vmem_shared>>) target(%dma_start3A_268 : memref<128x64xf32, #tpu.memory_space<vmem>>) offsets(%dma_start3A_271 : memref<128xi32, #tpu.memory_space<vmem>>) semaphore(%dma_start3A_276 : memref<!tpu.dma_semaphore, #tpu.memory_space<semaphore_mem>>)
    %scan3A = arith.constant 0 : i32
    %scan3A_277 = arith.constant 50 : i32
    %scan3A_278 = arith.addi %scan3A, %scan3A_277 : i32
    %scan3A_279 = arith.constant 1 : i32
    scf.for %scan3A_380 = %scan3A to %scan3A_278 step %scan3A_279  : i32 {
      %mul3A_381 = arith.constant 4 : i32
      %mul3A_382 = arith.muli %scan3A_380, %mul3A_381 : i32
      %add3A_383 = arith.constant 0 : i32
      %add3A_384 = arith.addi %add3A_383, %mul3A_382 : i32
      %add3A_385 = arith.constant 0 : i32
      %add3A_386 = arith.addi %add3A_384, %add3A_385 : i32
      %jit3A_387 = arith.constant 8 : i32
      %div3A_388 = arith.divsi %add3A_386, %jit3A_387 : i32
      %sign3A_389 = arith.constant 0 : i32
      %sign3A_390 = arith.cmpi sgt, %add3A_386, %sign3A_389 : i32
      %sign3A_391 = arith.extui %sign3A_390 : i1 to i32
      %sign3A_392 = arith.constant 0 : i32
      %sign3A_393 = arith.cmpi slt, %add3A_386, %sign3A_392 : i32
      %sign3A_394 = arith.extui %sign3A_393 : i1 to i32
      %sign3A_395 = arith.subi %sign3A_391, %sign3A_394 : i32
      %sign3A_396 = arith.constant 0 : i32
      %sign3A_397 = arith.cmpi sgt, %jit3A_387, %sign3A_396 : i32
      %sign3A_398 = arith.extui %sign3A_397 : i1 to i32
      %sign3A_399 = arith.constant 0 : i32
      %sign3A_400 = arith.cmpi slt, %jit3A_387, %sign3A_399 : i32
      %sign3A_401 = arith.extui %sign3A_400 : i1 to i32
      %sign3A_402 = arith.subi %sign3A_398, %sign3A_401 : i32
      %ne3A_403 = arith.cmpi ne, %sign3A_395, %sign3A_402 : i32
      %rem3A_404 = arith.remsi %add3A_386, %jit3A_387 : i32
      %ne3A_405 = arith.constant 0 : i32
      %ne3A_406 = arith.cmpi ne, %rem3A_404, %ne3A_405 : i32
      %and3A_407 = arith.andi %ne3A_403, %ne3A_406 : i1
      %sub3A_408 = arith.constant 1 : i32
      %sub3A_409 = arith.subi %div3A_388, %sub3A_408 : i32
      %select_n3A_410 = arith.select %and3A_407, %sub3A_409, %div3A_388 : i32
      %jit3A_411 = arith.constant 8 : i32
      %eq3A_412 = arith.constant 0 : i32
      %eq3A_413 = arith.cmpi eq, %jit3A_411, %eq3A_412 : i32
      %jit3A_414 = arith.constant 1 : i32
      %select_n3A_415 = arith.select %eq3A_413, %jit3A_414, %jit3A_411 : i32
      %rem3A_416 = arith.remsi %add3A_386, %select_n3A_415 : i32
      %ne3A_417 = arith.constant 0 : i32
      %ne3A_418 = arith.cmpi ne, %rem3A_416, %ne3A_417 : i32
      %lt3A_419 = arith.constant 0 : i32
      %lt3A_420 = arith.cmpi slt, %rem3A_416, %lt3A_419 : i32
      %lt3A_421 = arith.constant 0 : i32
      %lt3A_422 = arith.cmpi slt, %select_n3A_415, %lt3A_421 : i32
      %ne3A_423 = arith.xori %lt3A_420, %lt3A_422 : i1
      %and3A_424 = arith.andi %ne3A_423, %ne3A_418 : i1
      %add3A_425 = arith.addi %rem3A_416, %select_n3A_415 : i32
      %select_n3A_426 = arith.select %and3A_424, %add3A_425, %rem3A_416 : i32
      %dma_wait3A_427 = arith.constant 0 : i32
      %dma_wait3A_428 = arith.constant 0 : i32
      %dma_wait3A_429 = arith.constant 0 : i32
      %dma_wait3A_430 = arith.constant 0 : i32
      %dma_wait3A_431 = tpu.memref_slice %arg7[%dma_wait3A_427, %dma_wait3A_429, %dma_wait3A_430] : memref<4x128x64xf32, #tpu.memory_space<vmem>> -> memref<1x128x64xf32, #tpu.memory_space<vmem>>
      %dma_wait3A_432 = tpu.memref_squeeze %dma_wait3A_431 : memref<1x128x64xf32, #tpu.memory_space<vmem>> -> memref<128x64xf32, #tpu.memory_space<vmem>>
      %dma_wait3A_433 = arith.constant 0 : i32
      %dma_wait3A_434 = tpu.memref_slice %arg6[%select_n3A_410, %select_n3A_426, %dma_wait3A_433] : memref<25x8x128xi32, #tpu.memory_space<vmem>> -> memref<1x1x128xi32, #tpu.memory_space<vmem>>
      %dma_wait3A_435 = tpu.memref_squeeze %dma_wait3A_434 : memref<1x1x128xi32, #tpu.memory_space<vmem>> -> memref<128xi32, #tpu.memory_space<vmem>>
      %dma_wait3A_436 = arith.constant 0 : i32
      %dma_wait3A_437 = arith.constant 0 : i32
      %dma_wait3A_438 = tpu.memref_slice %arg5[%dma_wait3A_436, %dma_wait3A_437] : memref<1000x64xf32, #tpu.memory_space<vmem_shared>> -> memref<1000x64xf32, #tpu.memory_space<vmem_shared>>
      %dma_wait3A_439 = tpu.memref_slice %arg9[%dma_wait3A_428] : memref<4x!tpu.dma_semaphore, #tpu.memory_space<semaphore_mem>> -> memref<1x!tpu.dma_semaphore, #tpu.memory_space<semaphore_mem>>
      %dma_wait3A_440 = tpu.memref_squeeze %dma_wait3A_439 : memref<1x!tpu.dma_semaphore, #tpu.memory_space<semaphore_mem>> -> memref<!tpu.dma_semaphore, #tpu.memory_space<semaphore_mem>>
      tpu.wait_indirect_dma semaphore(%dma_wait3A_440 : memref<!tpu.dma_semaphore, #tpu.memory_space<semaphore_mem>>) src(%dma_wait3A_438 : memref<1000x64xf32, #tpu.memory_space<vmem_shared>>) dst(%dma_wait3A_432 : memref<128x64xf32, #tpu.memory_space<vmem>>)
      %add3A_441 = arith.constant 4 : i32
      %add3A_442 = arith.addi %add3A_386, %add3A_441 : i32
      %sub3A_443 = arith.constant 1 : i32
      %sub3A_444 = arith.subi %add3A_442, %sub3A_443 : i32
      %jit3A_445 = arith.constant 8 : i32
      %div3A_446 = arith.divsi %sub3A_444, %jit3A_445 : i32
      %sign3A_447 = arith.constant 0 : i32
      %sign3A_448 = arith.cmpi sgt, %sub3A_444, %sign3A_447 : i32
      %sign3A_449 = arith.extui %sign3A_448 : i1 to i32
      %sign3A_450 = arith.constant 0 : i32
      %sign3A_451 = arith.cmpi slt, %sub3A_444, %sign3A_450 : i32
      %sign3A_452 = arith.extui %sign3A_451 : i1 to i32
      %sign3A_453 = arith.subi %sign3A_449, %sign3A_452 : i32
      %sign3A_454 = arith.constant 0 : i32
      %sign3A_455 = arith.cmpi sgt, %jit3A_445, %sign3A_454 : i32
      %sign3A_456 = arith.extui %sign3A_455 : i1 to i32
      %sign3A_457 = arith.constant 0 : i32
      %sign3A_458 = arith.cmpi slt, %jit3A_445, %sign3A_457 : i32
      %sign3A_459 = arith.extui %sign3A_458 : i1 to i32
      %sign3A_460 = arith.subi %sign3A_456, %sign3A_459 : i32
      %ne3A_461 = arith.cmpi ne, %sign3A_453, %sign3A_460 : i32
      %rem3A_462 = arith.remsi %sub3A_444, %jit3A_445 : i32
      %ne3A_463 = arith.constant 0 : i32
      %ne3A_464 = arith.cmpi ne, %rem3A_462, %ne3A_463 : i32
      %and3A_465 = arith.andi %ne3A_461, %ne3A_464 : i1
      %sub3A_466 = arith.constant 1 : i32
      %sub3A_467 = arith.subi %div3A_446, %sub3A_466 : i32
      %select_n3A_468 = arith.select %and3A_465, %sub3A_467, %div3A_446 : i32
      %jit3A_469 = arith.constant 8 : i32
      %eq3A_470 = arith.constant 0 : i32
      %eq3A_471 = arith.cmpi eq, %jit3A_469, %eq3A_470 : i32
      %jit3A_472 = arith.constant 1 : i32
      %select_n3A_473 = arith.select %eq3A_471, %jit3A_472, %jit3A_469 : i32
      %rem3A_474 = arith.remsi %sub3A_444, %select_n3A_473 : i32
      %ne3A_475 = arith.constant 0 : i32
      %ne3A_476 = arith.cmpi ne, %rem3A_474, %ne3A_475 : i32
      %lt3A_477 = arith.constant 0 : i32
      %lt3A_478 = arith.cmpi slt, %rem3A_474, %lt3A_477 : i32
      %lt3A_479 = arith.constant 0 : i32
      %lt3A_480 = arith.cmpi slt, %select_n3A_473, %lt3A_479 : i32
      %ne3A_481 = arith.xori %lt3A_478, %lt3A_480 : i1
      %and3A_482 = arith.andi %ne3A_481, %ne3A_476 : i1
      %add3A_483 = arith.addi %rem3A_474, %select_n3A_473 : i32
      %select_n3A_484 = arith.select %and3A_482, %add3A_483, %rem3A_474 : i32
      %dma_start3A_485 = arith.constant 3 : i32
      %dma_start3A_486 = arith.constant 3 : i32
      %dma_start3A_487 = arith.constant 0 : i32
      %dma_start3A_488 = arith.constant 0 : i32
      %dma_start3A_489 = tpu.memref_slice %arg7[%dma_start3A_485, %dma_start3A_487, %dma_start3A_488] : memref<4x128x64xf32, #tpu.memory_space<vmem>> -> memref<1x128x64xf32, #tpu.memory_space<vmem>>
      %dma_start3A_490 = tpu.memref_squeeze %dma_start3A_489 : memref<1x128x64xf32, #tpu.memory_space<vmem>> -> memref<128x64xf32, #tpu.memory_space<vmem>>
      %dma_start3A_491 = arith.constant 0 : i32
      %dma_start3A_492 = tpu.memref_slice %arg6[%select_n3A_468, %select_n3A_484, %dma_start3A_491] : memref<25x8x128xi32, #tpu.memory_space<vmem>> -> memref<1x1x128xi32, #tpu.memory_space<vmem>>
      %dma_start3A_493 = tpu.memref_squeeze %dma_start3A_492 : memref<1x1x128xi32, #tpu.memory_space<vmem>> -> memref<128xi32, #tpu.memory_space<vmem>>
      %dma_start3A_494 = arith.constant 0 : i32
      %dma_start3A_495 = arith.constant 0 : i32
      %dma_start3A_496 = tpu.memref_slice %arg5[%dma_start3A_494, %dma_start3A_495] : memref<1000x64xf32, #tpu.memory_space<vmem_shared>> -> memref<1000x64xf32, #tpu.memory_space<vmem_shared>>
      %dma_start3A_497 = tpu.memref_slice %arg9[%dma_start3A_486] : memref<4x!tpu.dma_semaphore, #tpu.memory_space<semaphore_mem>> -> memref<1x!tpu.dma_semaphore, #tpu.memory_space<semaphore_mem>>
      %dma_start3A_498 = tpu.memref_squeeze %dma_start3A_497 : memref<1x!tpu.dma_semaphore, #tpu.memory_space<semaphore_mem>> -> memref<!tpu.dma_semaphore, #tpu.memory_space<semaphore_mem>>
      tpu.enqueue_indirect_dma source(%dma_start3A_496 : memref<1000x64xf32, #tpu.memory_space<vmem_shared>>) target(%dma_start3A_490 : memref<128x64xf32, #tpu.memory_space<vmem>>) offsets(%dma_start3A_493 : memref<128xi32, #tpu.memory_space<vmem>>) semaphore(%dma_start3A_498 : memref<!tpu.dma_semaphore, #tpu.memory_space<semaphore_mem>>)
      %ge3A = arith.constant 4 : i32
      %ge3A_499 = arith.cmpi sge, %add3A_386, %ge3A : i32
      %convert_element_type3A_500 = arith.extui %ge3A_499 : i1 to i32
      %cond3A_501 = arith.constant 0 : i32
      %cond3A_502 = arith.cmpi ne, %convert_element_type3A_500, %cond3A_501 : i32
      scf.if %cond3A_502 {
        %sub3A_820 = arith.constant 4 : i32
        %sub3A_821 = arith.subi %add3A_386, %sub3A_820 : i32
        %dma_wait3A_822 = arith.constant 0 : i32
        %dma_wait3A_823 = arith.constant 0 : i32
        %dma_wait3A_824 = arith.constant 0 : i32
        %dma_wait3A_825 = arith.constant 0 : i32
        %dma_wait3A_826 = arith.constant 0 : i32
        %dma_wait3A_827 = tpu.memref_slice %arg8[%dma_wait3A_822, %dma_wait3A_824, %dma_wait3A_825, %dma_wait3A_826] : memref<4x8x8x129xf32, #tpu.memory_space<vmem>> -> memref<1x8x8x128xf32, #tpu.memory_space<vmem>>
        %dma_wait3A_828 = tpu.memref_squeeze %dma_wait3A_827 : memref<1x8x8x128xf32, #tpu.memory_space<vmem>> -> memref<8x8x128xf32, #tpu.memory_space<vmem>>
        %dma_wait3A_829 = arith.constant 0 : i32
        %dma_wait3A_830 = arith.constant 0 : i32
        %dma_wait3A_831 = arith.constant 0 : i32
        %dma_wait3A_832 = tpu.memref_slice %arg4[%sub3A_821, %dma_wait3A_829, %add3A, %dma_wait3A_830, %dma_wait3A_831] : memref<200x8x32x8x128xf32, #tpu.memory_space<hbm>> -> memref<1x8x1x8x128xf32, #tpu.memory_space<hbm>>
        %dma_wait3A_833 = tpu.memref_squeeze %dma_wait3A_832 : memref<1x8x1x8x128xf32, #tpu.memory_space<hbm>> -> memref<8x8x128xf32, #tpu.memory_space<hbm>>
        %dma_wait3A_834 = tpu.memref_slice %arg10[%dma_wait3A_823] : memref<4x!tpu.dma_semaphore, #tpu.memory_space<semaphore_mem>> -> memref<1x!tpu.dma_semaphore, #tpu.memory_space<semaphore_mem>>
        %dma_wait3A_835 = tpu.memref_squeeze %dma_wait3A_834 : memref<1x!tpu.dma_semaphore, #tpu.memory_space<semaphore_mem>> -> memref<!tpu.dma_semaphore, #tpu.memory_space<semaphore_mem>>
        %dma_wait3A_836 = arith.constant 0 : i32
        %dma_wait3A_837 = arith.constant 0 : i32
        %dma_wait3A_838 = arith.constant 0 : i32
        %dma_wait3A_839 = tpu.memref_slice %arg4[%sub3A_821, %dma_wait3A_836, %add3A, %dma_wait3A_837, %dma_wait3A_838] : memref<200x8x32x8x128xf32, #tpu.memory_space<hbm>> -> memref<1x8x1x8x128xf32, #tpu.memory_space<hbm>>
        %dma_wait3A_840 = tpu.memref_squeeze %dma_wait3A_839 : memref<1x8x1x8x128xf32, #tpu.memory_space<hbm>> -> memref<8x8x128xf32, #tpu.memory_space<hbm>>
        %dma_wait3A_841 = arith.constant 0 : i32
        %dma_wait3A_842 = arith.constant 0 : i32
        %dma_wait3A_843 = arith.constant 0 : i32
        %dma_wait3A_844 = tpu.memref_slice %arg8[%dma_wait3A_822, %dma_wait3A_841, %dma_wait3A_842, %dma_wait3A_843] : memref<4x8x8x129xf32, #tpu.memory_space<vmem>> -> memref<1x8x8x128xf32, #tpu.memory_space<vmem>>
        %dma_wait3A_845 = tpu.memref_squeeze %dma_wait3A_844 : memref<1x8x8x128xf32, #tpu.memory_space<vmem>> -> memref<8x8x128xf32, #tpu.memory_space<vmem>>
        tpu.wait_dma2 semaphore(%dma_wait3A_835 : memref<!tpu.dma_semaphore, #tpu.memory_space<semaphore_mem>>) src(%dma_wait3A_845 : memref<8x8x128xf32, #tpu.memory_space<vmem>>) dst(%dma_wait3A_840 : memref<8x8x128xf32, #tpu.memory_space<hbm>>)
      } else {
      }
      %parallel_loop3A = arith.constant 0 : i32
      %parallel_loop3A_503 = arith.constant 128 : i32
      %parallel_loop3A_504 = arith.constant 1 : i32
      scf.for %parallel_loop3A_820 = %parallel_loop3A to %parallel_loop3A_503 step %parallel_loop3A_504  : i32 {
        %parallel_loop3A_821 = arith.constant 0 : i32
        %parallel_loop3A_822 = vector.broadcast %parallel_loop3A_821 : i32 to vector<16xi32>
        %parallel_loop3A_823 = vector.broadcast %parallel_loop3A_820 : i32 to vector<16xi32>
        %parallel_loop3A_824 = arith.addi %parallel_loop3A_822, %parallel_loop3A_823 : vector<16xi32>
        %parallel_loop3A_825 = arith.constant 0 : i32
        %parallel_loop3A_826 = arith.index_cast %parallel_loop3A_825 : i32 to index
        %parallel_loop3A_827 = arith.index_cast %parallel_loop3A_820 : i32 to index
        %parallel_loop3A_828 = arith.constant 0 : index
        %parallel_loop3A_829 = tpu.vector_load %arg7[%parallel_loop3A_826, %parallel_loop3A_827, %parallel_loop3A_828] {strides = array<i32>} : memref<4x128x64xf32, #tpu.memory_space<vmem>>, vector<16xf32>,
        %parallel_loop3A_830 = arith.constant 0 : i32
        %parallel_loop3A_831 = arith.constant 0 : i32
        %parallel_loop3A_832 = arith.constant 0 : i32
        %parallel_loop3A_833 = arith.constant 0 : i32
        %parallel_loop3A_834 = tpu.memref_slice %arg8[%parallel_loop3A_830, %parallel_loop3A_831, %parallel_loop3A_832, %parallel_loop3A_833] : memref<4x8x8x129xf32, #tpu.memory_space<vmem>> -> memref<1x8x8x129xf32, #tpu.memory_space<vmem>>
        %parallel_loop3A_835 = tpu.memref_squeeze %parallel_loop3A_834 : memref<1x8x8x129xf32, #tpu.memory_space<vmem>> -> memref<8x8x129xf32, #tpu.memory_space<vmem>>
        tpu.vector_store_idx %parallel_loop3A_835[%select_n3A, %select_n3A_154, %parallel_loop3A_824], %parallel_loop3A_829 : memref<8x8x129xf32, #tpu.memory_space<vmem>>[vector<16xi32>, vector<16xi32>, vector<16xi32>], vector<16xf32>,
        %parallel_loop3A_836 = arith.constant 0 : i32
        %parallel_loop3A_837 = arith.index_cast %parallel_loop3A_836 : i32 to index
        %parallel_loop3A_838 = arith.index_cast %parallel_loop3A_820 : i32 to index
        %parallel_loop3A_839 = arith.constant 16 : index
        %parallel_loop3A_840 = tpu.vector_load %arg7[%parallel_loop3A_837, %parallel_loop3A_838, %parallel_loop3A_839] {strides = array<i32>} : memref<4x128x64xf32, #tpu.memory_space<vmem>>, vector<16xf32>,
        %parallel_loop3A_841 = arith.constant 0 : i32
        %parallel_loop3A_842 = arith.constant 0 : i32
        %parallel_loop3A_843 = arith.constant 0 : i32
        %parallel_loop3A_844 = arith.constant 0 : i32
        %parallel_loop3A_845 = tpu.memref_slice %arg8[%parallel_loop3A_841, %parallel_loop3A_842, %parallel_loop3A_843, %parallel_loop3A_844] : memref<4x8x8x129xf32, #tpu.memory_space<vmem>> -> memref<1x8x8x129xf32, #tpu.memory_space<vmem>>
        %parallel_loop3A_846 = tpu.memref_squeeze %parallel_loop3A_845 : memref<1x8x8x129xf32, #tpu.memory_space<vmem>> -> memref<8x8x129xf32, #tpu.memory_space<vmem>>
        tpu.vector_store_idx %parallel_loop3A_846[%select_n3A_62, %select_n3A_179, %parallel_loop3A_824], %parallel_loop3A_840 : memref<8x8x129xf32, #tpu.memory_space<vmem>>[vector<16xi32>, vector<16xi32>, vector<16xi32>], vector<16xf32>,
        %parallel_loop3A_847 = arith.constant 0 : i32
        %parallel_loop3A_848 = arith.index_cast %parallel_loop3A_847 : i32 to index
        %parallel_loop3A_849 = arith.index_cast %parallel_loop3A_820 : i32 to index
        %parallel_loop3A_850 = arith.constant 32 : index
        %parallel_loop3A_851 = tpu.vector_load %arg7[%parallel_loop3A_848, %parallel_loop3A_849, %parallel_loop3A_850] {strides = array<i32>} : memref<4x128x64xf32, #tpu.memory_space<vmem>>, vector<16xf32>,
        %parallel_loop3A_852 = arith.constant 0 : i32
        %parallel_loop3A_853 = arith.constant 0 : i32
        %parallel_loop3A_854 = arith.constant 0 : i32
        %parallel_loop3A_855 = arith.constant 0 : i32
        %parallel_loop3A_856 = tpu.memref_slice %arg8[%parallel_loop3A_852, %parallel_loop3A_853, %parallel_loop3A_854, %parallel_loop3A_855] : memref<4x8x8x129xf32, #tpu.memory_space<vmem>> -> memref<1x8x8x129xf32, #tpu.memory_space<vmem>>
        %parallel_loop3A_857 = tpu.memref_squeeze %parallel_loop3A_856 : memref<1x8x8x129xf32, #tpu.memory_space<vmem>> -> memref<8x8x129xf32, #tpu.memory_space<vmem>>
        tpu.vector_store_idx %parallel_loop3A_857[%select_n3A_96, %select_n3A_204, %parallel_loop3A_824], %parallel_loop3A_851 : memref<8x8x129xf32, #tpu.memory_space<vmem>>[vector<16xi32>, vector<16xi32>, vector<16xi32>], vector<16xf32>,
        %parallel_loop3A_858 = arith.constant 0 : i32
        %parallel_loop3A_859 = arith.index_cast %parallel_loop3A_858 : i32 to index
        %parallel_loop3A_860 = arith.index_cast %parallel_loop3A_820 : i32 to index
        %parallel_loop3A_861 = arith.constant 48 : index
        %parallel_loop3A_862 = tpu.vector_load %arg7[%parallel_loop3A_859, %parallel_loop3A_860, %parallel_loop3A_861] {strides = array<i32>} : memref<4x128x64xf32, #tpu.memory_space<vmem>>, vector<16xf32>,
        %parallel_loop3A_863 = arith.constant 0 : i32
        %parallel_loop3A_864 = arith.constant 0 : i32
        %parallel_loop3A_865 = arith.constant 0 : i32
        %parallel_loop3A_866 = arith.constant 0 : i32
        %parallel_loop3A_867 = tpu.memref_slice %arg8[%parallel_loop3A_863, %parallel_loop3A_864, %parallel_loop3A_865, %parallel_loop3A_866] : memref<4x8x8x129xf32, #tpu.memory_space<vmem>> -> memref<1x8x8x129xf32, #tpu.memory_space<vmem>>
        %parallel_loop3A_868 = tpu.memref_squeeze %parallel_loop3A_867 : memref<1x8x8x129xf32, #tpu.memory_space<vmem>> -> memref<8x8x129xf32, #tpu.memory_space<vmem>>
        tpu.vector_store_idx %parallel_loop3A_868[%select_n3A_130, %select_n3A_229, %parallel_loop3A_824], %parallel_loop3A_862 : memref<8x8x129xf32, #tpu.memory_space<vmem>>[vector<16xi32>, vector<16xi32>, vector<16xi32>], vector<16xf32>,
      } {sc.loop_unroll_factor = 8 : i64, sc.parallel_access}
      %dma_start3A_505 = arith.constant 0 : i32
      %dma_start3A_506 = arith.constant 0 : i32
      %dma_start3A_507 = arith.constant 0 : i32
      %dma_start3A_508 = arith.constant 0 : i32
      %dma_start3A_509 = arith.constant 0 : i32
      %dma_start3A_510 = tpu.memref_slice %arg8[%dma_start3A_505, %dma_start3A_507, %dma_start3A_508, %dma_start3A_509] : memref<4x8x8x129xf32, #tpu.memory_space<vmem>> -> memref<1x8x8x128xf32, #tpu.memory_space<vmem>>
      %dma_start3A_511 = tpu.memref_squeeze %dma_start3A_510 : memref<1x8x8x128xf32, #tpu.memory_space<vmem>> -> memref<8x8x128xf32, #tpu.memory_space<vmem>>
      %dma_start3A_512 = arith.constant 0 : i32
      %dma_start3A_513 = arith.constant 0 : i32
      %dma_start3A_514 = arith.constant 0 : i32
      %dma_start3A_515 = tpu.memref_slice %arg4[%add3A_386, %dma_start3A_512, %add3A, %dma_start3A_513, %dma_start3A_514] : memref<200x8x32x8x128xf32, #tpu.memory_space<hbm>> -> memref<1x8x1x8x128xf32, #tpu.memory_space<hbm>>
      %dma_start3A_516 = tpu.memref_squeeze %dma_start3A_515 : memref<1x8x1x8x128xf32, #tpu.memory_space<hbm>> -> memref<8x8x128xf32, #tpu.memory_space<hbm>>
      %dma_start3A_517 = tpu.memref_slice %arg10[%dma_start3A_506] : memref<4x!tpu.dma_semaphore, #tpu.memory_space<semaphore_mem>> -> memref<1x!tpu.dma_semaphore, #tpu.memory_space<semaphore_mem>>
      %dma_start3A_518 = tpu.memref_squeeze %dma_start3A_517 : memref<1x!tpu.dma_semaphore, #tpu.memory_space<semaphore_mem>> -> memref<!tpu.dma_semaphore, #tpu.memory_space<semaphore_mem>>
      %dma_start3A_519 = arith.constant 0 : i32
      %dma_start3A_520 = arith.constant 0 : i32
      %dma_start3A_521 = arith.constant 0 : i32
      %dma_start3A_522 = tpu.memref_slice %arg4[%add3A_386, %dma_start3A_519, %add3A, %dma_start3A_520, %dma_start3A_521] : memref<200x8x32x8x128xf32, #tpu.memory_space<hbm>> -> memref<1x8x1x8x128xf32, #tpu.memory_space<hbm>>
      %dma_start3A_523 = tpu.memref_squeeze %dma_start3A_522 : memref<1x8x1x8x128xf32, #tpu.memory_space<hbm>> -> memref<8x8x128xf32, #tpu.memory_space<hbm>>
      %dma_start3A_524 = arith.constant 0 : i32
      %dma_start3A_525 = arith.constant 0 : i32
      %dma_start3A_526 = arith.constant 0 : i32
      %dma_start3A_527 = tpu.memref_slice %arg8[%dma_start3A_505, %dma_start3A_524, %dma_start3A_525, %dma_start3A_526] : memref<4x8x8x129xf32, #tpu.memory_space<vmem>> -> memref<1x8x8x128xf32, #tpu.memory_space<vmem>>
      %dma_start3A_528 = tpu.memref_squeeze %dma_start3A_527 : memref<1x8x8x128xf32, #tpu.memory_space<vmem>> -> memref<8x8x128xf32, #tpu.memory_space<vmem>>
      tpu.enqueue_dma source(%dma_start3A_528 : memref<8x8x128xf32, #tpu.memory_space<vmem>>) target(%dma_start3A_523 : memref<8x8x128xf32, #tpu.memory_space<hbm>>) target_semaphore(%dma_start3A_518 : memref<!tpu.dma_semaphore, #tpu.memory_space<semaphore_mem>>)
      %add3A_529 = arith.constant 1 : i32
      %add3A_530 = arith.addi %add3A_384, %add3A_529 : i32
      %jit3A_531 = arith.constant 8 : i32
      %div3A_532 = arith.divsi %add3A_530, %jit3A_531 : i32
      %sign3A_533 = arith.constant 0 : i32
      %sign3A_534 = arith.cmpi sgt, %add3A_530, %sign3A_533 : i32
      %sign3A_535 = arith.extui %sign3A_534 : i1 to i32
      %sign3A_536 = arith.constant 0 : i32
      %sign3A_537 = arith.cmpi slt, %add3A_530, %sign3A_536 : i32
      %sign3A_538 = arith.extui %sign3A_537 : i1 to i32
      %sign3A_539 = arith.subi %sign3A_535, %sign3A_538 : i32
      %sign3A_540 = arith.constant 0 : i32
      %sign3A_541 = arith.cmpi sgt, %jit3A_531, %sign3A_540 : i32
      %sign3A_542 = arith.extui %sign3A_541 : i1 to i32
      %sign3A_543 = arith.constant 0 : i32
      %sign3A_544 = arith.cmpi slt, %jit3A_531, %sign3A_543 : i32
      %sign3A_545 = arith.extui %sign3A_544 : i1 to i32
      %sign3A_546 = arith.subi %sign3A_542, %sign3A_545 : i32
      %ne3A_547 = arith.cmpi ne, %sign3A_539, %sign3A_546 : i32
      %rem3A_548 = arith.remsi %add3A_530, %jit3A_531 : i32
      %ne3A_549 = arith.constant 0 : i32
      %ne3A_550 = arith.cmpi ne, %rem3A_548, %ne3A_549 : i32
      %and3A_551 = arith.andi %ne3A_547, %ne3A_550 : i1
      %sub3A_552 = arith.constant 1 : i32
      %sub3A_553 = arith.subi %div3A_532, %sub3A_552 : i32
      %select_n3A_554 = arith.select %and3A_551, %sub3A_553, %div3A_532 : i32
      %jit3A_555 = arith.constant 8 : i32
      %eq3A_556 = arith.constant 0 : i32
      %eq3A_557 = arith.cmpi eq, %jit3A_555, %eq3A_556 : i32
      %jit3A_558 = arith.constant 1 : i32
      %select_n3A_559 = arith.select %eq3A_557, %jit3A_558, %jit3A_555 : i32
      %rem3A_560 = arith.remsi %add3A_530, %select_n3A_559 : i32
      %ne3A_561 = arith.constant 0 : i32
      %ne3A_562 = arith.cmpi ne, %rem3A_560, %ne3A_561 : i32
      %lt3A_563 = arith.constant 0 : i32
      %lt3A_564 = arith.cmpi slt, %rem3A_560, %lt3A_563 : i32
      %lt3A_565 = arith.constant 0 : i32
      %lt3A_566 = arith.cmpi slt, %select_n3A_559, %lt3A_565 : i32
      %ne3A_567 = arith.xori %lt3A_564, %lt3A_566 : i1
      %and3A_568 = arith.andi %ne3A_567, %ne3A_562 : i1
      %add3A_569 = arith.addi %rem3A_560, %select_n3A_559 : i32
      %select_n3A_570 = arith.select %and3A_568, %add3A_569, %rem3A_560 : i32
      %dma_wait3A_571 = arith.constant 1 : i32
      %dma_wait3A_572 = arith.constant 1 : i32
      %dma_wait3A_573 = arith.constant 0 : i32
      %dma_wait3A_574 = arith.constant 0 : i32
      %dma_wait3A_575 = tpu.memref_slice %arg7[%dma_wait3A_571, %dma_wait3A_573, %dma_wait3A_574] : memref<4x128x64xf32, #tpu.memory_space<vmem>> -> memref<1x128x64xf32, #tpu.memory_space<vmem>>
      %dma_wait3A_576 = tpu.memref_squeeze %dma_wait3A_575 : memref<1x128x64xf32, #tpu.memory_space<vmem>> -> memref<128x64xf32, #tpu.memory_space<vmem>>
      %dma_wait3A_577 = arith.constant 0 : i32
      %dma_wait3A_578 = tpu.memref_slice %arg6[%select_n3A_554, %select_n3A_570, %dma_wait3A_577] : memref<25x8x128xi32, #tpu.memory_space<vmem>> -> memref<1x1x128xi32, #tpu.memory_space<vmem>>
      %dma_wait3A_579 = tpu.memref_squeeze %dma_wait3A_578 : memref<1x1x128xi32, #tpu.memory_space<vmem>> -> memref<128xi32, #tpu.memory_space<vmem>>
      %dma_wait3A_580 = arith.constant 0 : i32
      %dma_wait3A_581 = arith.constant 0 : i32
      %dma_wait3A_582 = tpu.memref_slice %arg5[%dma_wait3A_580, %dma_wait3A_581] : memref<1000x64xf32, #tpu.memory_space<vmem_shared>> -> memref<1000x64xf32, #tpu.memory_space<vmem_shared>>
      %dma_wait3A_583 = tpu.memref_slice %arg9[%dma_wait3A_572] : memref<4x!tpu.dma_semaphore, #tpu.memory_space<semaphore_mem>> -> memref<1x!tpu.dma_semaphore, #tpu.memory_space<semaphore_mem>>
      %dma_wait3A_584 = tpu.memref_squeeze %dma_wait3A_583 : memref<1x!tpu.dma_semaphore, #tpu.memory_space<semaphore_mem>> -> memref<!tpu.dma_semaphore, #tpu.memory_space<semaphore_mem>>
      tpu.wait_indirect_dma semaphore(%dma_wait3A_584 : memref<!tpu.dma_semaphore, #tpu.memory_space<semaphore_mem>>) src(%dma_wait3A_582 : memref<1000x64xf32, #tpu.memory_space<vmem_shared>>) dst(%dma_wait3A_576 : memref<128x64xf32, #tpu.memory_space<vmem>>)
      %add3A_585 = arith.constant 4 : i32
      %add3A_586 = arith.addi %add3A_530, %add3A_585 : i32
      %sub3A_587 = arith.constant 1 : i32
      %sub3A_588 = arith.subi %add3A_586, %sub3A_587 : i32
      %lt3A_589 = arith.constant 200 : i32
      %lt3A_590 = arith.cmpi slt, %sub3A_588, %lt3A_589 : i32
      %convert_element_type3A_591 = arith.extui %lt3A_590 : i1 to i32
      %cond3A_592 = arith.constant 0 : i32
      %cond3A_593 = arith.cmpi ne, %convert_element_type3A_591, %cond3A_592 : i32
      scf.if %cond3A_593 {
        %add3A_820 = arith.constant 4 : i32
        %add3A_821 = arith.addi %add3A_530, %add3A_820 : i32
        %sub3A_822 = arith.constant 1 : i32
        %sub3A_823 = arith.subi %add3A_821, %sub3A_822 : i32
        %jit3A_824 = arith.constant 8 : i32
        %div3A_825 = arith.divsi %sub3A_823, %jit3A_824 : i32
        %sign3A_826 = arith.constant 0 : i32
        %sign3A_827 = arith.cmpi sgt, %sub3A_823, %sign3A_826 : i32
        %sign3A_828 = arith.extui %sign3A_827 : i1 to i32
        %sign3A_829 = arith.constant 0 : i32
        %sign3A_830 = arith.cmpi slt, %sub3A_823, %sign3A_829 : i32
        %sign3A_831 = arith.extui %sign3A_830 : i1 to i32
        %sign3A_832 = arith.subi %sign3A_828, %sign3A_831 : i32
        %sign3A_833 = arith.constant 0 : i32
        %sign3A_834 = arith.cmpi sgt, %jit3A_824, %sign3A_833 : i32
        %sign3A_835 = arith.extui %sign3A_834 : i1 to i32
        %sign3A_836 = arith.constant 0 : i32
        %sign3A_837 = arith.cmpi slt, %jit3A_824, %sign3A_836 : i32
        %sign3A_838 = arith.extui %sign3A_837 : i1 to i32
        %sign3A_839 = arith.subi %sign3A_835, %sign3A_838 : i32
        %ne3A_840 = arith.cmpi ne, %sign3A_832, %sign3A_839 : i32
        %rem3A_841 = arith.remsi %sub3A_823, %jit3A_824 : i32
        %ne3A_842 = arith.constant 0 : i32
        %ne3A_843 = arith.cmpi ne, %rem3A_841, %ne3A_842 : i32
        %and3A_844 = arith.andi %ne3A_840, %ne3A_843 : i1
        %sub3A_845 = arith.constant 1 : i32
        %sub3A_846 = arith.subi %div3A_825, %sub3A_845 : i32
        %select_n3A_847 = arith.select %and3A_844, %sub3A_846, %div3A_825 : i32
        %jit3A_848 = arith.constant 8 : i32
        %eq3A_849 = arith.constant 0 : i32
        %eq3A_850 = arith.cmpi eq, %jit3A_848, %eq3A_849 : i32
        %jit3A_851 = arith.constant 1 : i32
        %select_n3A_852 = arith.select %eq3A_850, %jit3A_851, %jit3A_848 : i32
        %rem3A_853 = arith.remsi %sub3A_823, %select_n3A_852 : i32
        %ne3A_854 = arith.constant 0 : i32
        %ne3A_855 = arith.cmpi ne, %rem3A_853, %ne3A_854 : i32
        %lt3A_856 = arith.constant 0 : i32
        %lt3A_857 = arith.cmpi slt, %rem3A_853, %lt3A_856 : i32
        %lt3A_858 = arith.constant 0 : i32
        %lt3A_859 = arith.cmpi slt, %select_n3A_852, %lt3A_858 : i32
        %ne3A_860 = arith.xori %lt3A_857, %lt3A_859 : i1
        %and3A_861 = arith.andi %ne3A_860, %ne3A_855 : i1
        %add3A_862 = arith.addi %rem3A_853, %select_n3A_852 : i32
        %select_n3A_863 = arith.select %and3A_861, %add3A_862, %rem3A_853 : i32
        %dma_start3A_864 = arith.constant 0 : i32
        %dma_start3A_865 = arith.constant 0 : i32
        %dma_start3A_866 = arith.constant 0 : i32
        %dma_start3A_867 = arith.constant 0 : i32
        %dma_start3A_868 = tpu.memref_slice %arg7[%dma_start3A_864, %dma_start3A_866, %dma_start3A_867] : memref<4x128x64xf32, #tpu.memory_space<vmem>> -> memref<1x128x64xf32, #tpu.memory_space<vmem>>
        %dma_start3A_869 = tpu.memref_squeeze %dma_start3A_868 : memref<1x128x64xf32, #tpu.memory_space<vmem>> -> memref<128x64xf32, #tpu.memory_space<vmem>>
        %dma_start3A_870 = arith.constant 0 : i32
        %dma_start3A_871 = tpu.memref_slice %arg6[%select_n3A_847, %select_n3A_863, %dma_start3A_870] : memref<25x8x128xi32, #tpu.memory_space<vmem>> -> memref<1x1x128xi32, #tpu.memory_space<vmem>>
        %dma_start3A_872 = tpu.memref_squeeze %dma_start3A_871 : memref<1x1x128xi32, #tpu.memory_space<vmem>> -> memref<128xi32, #tpu.memory_space<vmem>>
        %dma_start3A_873 = arith.constant 0 : i32
        %dma_start3A_874 = arith.constant 0 : i32
        %dma_start3A_875 = tpu.memref_slice %arg5[%dma_start3A_873, %dma_start3A_874] : memref<1000x64xf32, #tpu.memory_space<vmem_shared>> -> memref<1000x64xf32, #tpu.memory_space<vmem_shared>>
        %dma_start3A_876 = tpu.memref_slice %arg9[%dma_start3A_865] : memref<4x!tpu.dma_semaphore, #tpu.memory_space<semaphore_mem>> -> memref<1x!tpu.dma_semaphore, #tpu.memory_space<semaphore_mem>>
        %dma_start3A_877 = tpu.memref_squeeze %dma_start3A_876 : memref<1x!tpu.dma_semaphore, #tpu.memory_space<semaphore_mem>> -> memref<!tpu.dma_semaphore, #tpu.memory_space<semaphore_mem>>
        tpu.enqueue_indirect_dma source(%dma_start3A_875 : memref<1000x64xf32, #tpu.memory_space<vmem_shared>>) target(%dma_start3A_869 : memref<128x64xf32, #tpu.memory_space<vmem>>) offsets(%dma_start3A_872 : memref<128xi32, #tpu.memory_space<vmem>>) semaphore(%dma_start3A_877 : memref<!tpu.dma_semaphore, #tpu.memory_space<semaphore_mem>>)
      } else {
      }
      %ge3A_594 = arith.constant 4 : i32
      %ge3A_595 = arith.cmpi sge, %add3A_530, %ge3A_594 : i32
      %convert_element_type3A_596 = arith.extui %ge3A_595 : i1 to i32
      %cond3A_597 = arith.constant 0 : i32
      %cond3A_598 = arith.cmpi ne, %convert_element_type3A_596, %cond3A_597 : i32
      scf.if %cond3A_598 {
        %sub3A_820 = arith.constant 4 : i32
        %sub3A_821 = arith.subi %add3A_530, %sub3A_820 : i32
        %dma_wait3A_822 = arith.constant 1 : i32
        %dma_wait3A_823 = arith.constant 1 : i32
        %dma_wait3A_824 = arith.constant 0 : i32
        %dma_wait3A_825 = arith.constant 0 : i32
        %dma_wait3A_826 = arith.constant 0 : i32
        %dma_wait3A_827 = tpu.memref_slice %arg8[%dma_wait3A_822, %dma_wait3A_824, %dma_wait3A_825, %dma_wait3A_826] : memref<4x8x8x129xf32, #tpu.memory_space<vmem>> -> memref<1x8x8x128xf32, #tpu.memory_space<vmem>>
        %dma_wait3A_828 = tpu.memref_squeeze %dma_wait3A_827 : memref<1x8x8x128xf32, #tpu.memory_space<vmem>> -> memref<8x8x128xf32, #tpu.memory_space<vmem>>
        %dma_wait3A_829 = arith.constant 0 : i32
        %dma_wait3A_830 = arith.constant 0 : i32
        %dma_wait3A_831 = arith.constant 0 : i32
        %dma_wait3A_832 = tpu.memref_slice %arg4[%sub3A_821, %dma_wait3A_829, %add3A, %dma_wait3A_830, %dma_wait3A_831] : memref<200x8x32x8x128xf32, #tpu.memory_space<hbm>> -> memref<1x8x1x8x128xf32, #tpu.memory_space<hbm>>
        %dma_wait3A_833 = tpu.memref_squeeze %dma_wait3A_832 : memref<1x8x1x8x128xf32, #tpu.memory_space<hbm>> -> memref<8x8x128xf32, #tpu.memory_space<hbm>>
        %dma_wait3A_834 = tpu.memref_slice %arg10[%dma_wait3A_823] : memref<4x!tpu.dma_semaphore, #tpu.memory_space<semaphore_mem>> -> memref<1x!tpu.dma_semaphore, #tpu.memory_space<semaphore_mem>>
        %dma_wait3A_835 = tpu.memref_squeeze %dma_wait3A_834 : memref<1x!tpu.dma_semaphore, #tpu.memory_space<semaphore_mem>> -> memref<!tpu.dma_semaphore, #tpu.memory_space<semaphore_mem>>
        %dma_wait3A_836 = arith.constant 0 : i32
        %dma_wait3A_837 = arith.constant 0 : i32
        %dma_wait3A_838 = arith.constant 0 : i32
        %dma_wait3A_839 = tpu.memref_slice %arg4[%sub3A_821, %dma_wait3A_836, %add3A, %dma_wait3A_837, %dma_wait3A_838] : memref<200x8x32x8x128xf32, #tpu.memory_space<hbm>> -> memref<1x8x1x8x128xf32, #tpu.memory_space<hbm>>
        %dma_wait3A_840 = tpu.memref_squeeze %dma_wait3A_839 : memref<1x8x1x8x128xf32, #tpu.memory_space<hbm>> -> memref<8x8x128xf32, #tpu.memory_space<hbm>>
        %dma_wait3A_841 = arith.constant 0 : i32
        %dma_wait3A_842 = arith.constant 0 : i32
        %dma_wait3A_843 = arith.constant 0 : i32
        %dma_wait3A_844 = tpu.memref_slice %arg8[%dma_wait3A_822, %dma_wait3A_841, %dma_wait3A_842, %dma_wait3A_843] : memref<4x8x8x129xf32, #tpu.memory_space<vmem>> -> memref<1x8x8x128xf32, #tpu.memory_space<vmem>>
        %dma_wait3A_845 = tpu.memref_squeeze %dma_wait3A_844 : memref<1x8x8x128xf32, #tpu.memory_space<vmem>> -> memref<8x8x128xf32, #tpu.memory_space<vmem>>
        tpu.wait_dma2 semaphore(%dma_wait3A_835 : memref<!tpu.dma_semaphore, #tpu.memory_space<semaphore_mem>>) src(%dma_wait3A_845 : memref<8x8x128xf32, #tpu.memory_space<vmem>>) dst(%dma_wait3A_840 : memref<8x8x128xf32, #tpu.memory_space<hbm>>)
      } else {
      }
      %parallel_loop3A_599 = arith.constant 0 : i32
      %parallel_loop3A_600 = arith.constant 128 : i32
      %parallel_loop3A_601 = arith.constant 1 : i32
      scf.for %parallel_loop3A_820 = %parallel_loop3A_599 to %parallel_loop3A_600 step %parallel_loop3A_601  : i32 {
        %parallel_loop3A_821 = arith.constant 0 : i32
        %parallel_loop3A_822 = vector.broadcast %parallel_loop3A_821 : i32 to vector<16xi32>
        %parallel_loop3A_823 = vector.broadcast %parallel_loop3A_820 : i32 to vector<16xi32>
        %parallel_loop3A_824 = arith.addi %parallel_loop3A_822, %parallel_loop3A_823 : vector<16xi32>
        %parallel_loop3A_825 = arith.constant 1 : i32
        %parallel_loop3A_826 = arith.index_cast %parallel_loop3A_825 : i32 to index
        %parallel_loop3A_827 = arith.index_cast %parallel_loop3A_820 : i32 to index
        %parallel_loop3A_828 = arith.constant 0 : index
        %parallel_loop3A_829 = tpu.vector_load %arg7[%parallel_loop3A_826, %parallel_loop3A_827, %parallel_loop3A_828] {strides = array<i32>} : memref<4x128x64xf32, #tpu.memory_space<vmem>>, vector<16xf32>,
        %parallel_loop3A_830 = arith.constant 1 : i32
        %parallel_loop3A_831 = arith.constant 0 : i32
        %parallel_loop3A_832 = arith.constant 0 : i32
        %parallel_loop3A_833 = arith.constant 0 : i32
        %parallel_loop3A_834 = tpu.memref_slice %arg8[%parallel_loop3A_830, %parallel_loop3A_831, %parallel_loop3A_832, %parallel_loop3A_833] : memref<4x8x8x129xf32, #tpu.memory_space<vmem>> -> memref<1x8x8x129xf32, #tpu.memory_space<vmem>>
        %parallel_loop3A_835 = tpu.memref_squeeze %parallel_loop3A_834 : memref<1x8x8x129xf32, #tpu.memory_space<vmem>> -> memref<8x8x129xf32, #tpu.memory_space<vmem>>
        tpu.vector_store_idx %parallel_loop3A_835[%select_n3A, %select_n3A_154, %parallel_loop3A_824], %parallel_loop3A_829 : memref<8x8x129xf32, #tpu.memory_space<vmem>>[vector<16xi32>, vector<16xi32>, vector<16xi32>], vector<16xf32>,
        %parallel_loop3A_836 = arith.constant 1 : i32
        %parallel_loop3A_837 = arith.index_cast %parallel_loop3A_836 : i32 to index
        %parallel_loop3A_838 = arith.index_cast %parallel_loop3A_820 : i32 to index
        %parallel_loop3A_839 = arith.constant 16 : index
        %parallel_loop3A_840 = tpu.vector_load %arg7[%parallel_loop3A_837, %parallel_loop3A_838, %parallel_loop3A_839] {strides = array<i32>} : memref<4x128x64xf32, #tpu.memory_space<vmem>>, vector<16xf32>,
        %parallel_loop3A_841 = arith.constant 1 : i32
        %parallel_loop3A_842 = arith.constant 0 : i32
        %parallel_loop3A_843 = arith.constant 0 : i32
        %parallel_loop3A_844 = arith.constant 0 : i32
        %parallel_loop3A_845 = tpu.memref_slice %arg8[%parallel_loop3A_841, %parallel_loop3A_842, %parallel_loop3A_843, %parallel_loop3A_844] : memref<4x8x8x129xf32, #tpu.memory_space<vmem>> -> memref<1x8x8x129xf32, #tpu.memory_space<vmem>>
        %parallel_loop3A_846 = tpu.memref_squeeze %parallel_loop3A_845 : memref<1x8x8x129xf32, #tpu.memory_space<vmem>> -> memref<8x8x129xf32, #tpu.memory_space<vmem>>
        tpu.vector_store_idx %parallel_loop3A_846[%select_n3A_62, %select_n3A_179, %parallel_loop3A_824], %parallel_loop3A_840 : memref<8x8x129xf32, #tpu.memory_space<vmem>>[vector<16xi32>, vector<16xi32>, vector<16xi32>], vector<16xf32>,
        %parallel_loop3A_847 = arith.constant 1 : i32
        %parallel_loop3A_848 = arith.index_cast %parallel_loop3A_847 : i32 to index
        %parallel_loop3A_849 = arith.index_cast %parallel_loop3A_820 : i32 to index
        %parallel_loop3A_850 = arith.constant 32 : index
        %parallel_loop3A_851 = tpu.vector_load %arg7[%parallel_loop3A_848, %parallel_loop3A_849, %parallel_loop3A_850] {strides = array<i32>} : memref<4x128x64xf32, #tpu.memory_space<vmem>>, vector<16xf32>,
        %parallel_loop3A_852 = arith.constant 1 : i32
        %parallel_loop3A_853 = arith.constant 0 : i32
        %parallel_loop3A_854 = arith.constant 0 : i32
        %parallel_loop3A_855 = arith.constant 0 : i32
        %parallel_loop3A_856 = tpu.memref_slice %arg8[%parallel_loop3A_852, %parallel_loop3A_853, %parallel_loop3A_854, %parallel_loop3A_855] : memref<4x8x8x129xf32, #tpu.memory_space<vmem>> -> memref<1x8x8x129xf32, #tpu.memory_space<vmem>>
        %parallel_loop3A_857 = tpu.memref_squeeze %parallel_loop3A_856 : memref<1x8x8x129xf32, #tpu.memory_space<vmem>> -> memref<8x8x129xf32, #tpu.memory_space<vmem>>
        tpu.vector_store_idx %parallel_loop3A_857[%select_n3A_96, %select_n3A_204, %parallel_loop3A_824], %parallel_loop3A_851 : memref<8x8x129xf32, #tpu.memory_space<vmem>>[vector<16xi32>, vector<16xi32>, vector<16xi32>], vector<16xf32>,
        %parallel_loop3A_858 = arith.constant 1 : i32
        %parallel_loop3A_859 = arith.index_cast %parallel_loop3A_858 : i32 to index
        %parallel_loop3A_860 = arith.index_cast %parallel_loop3A_820 : i32 to index
        %parallel_loop3A_861 = arith.constant 48 : index
        %parallel_loop3A_862 = tpu.vector_load %arg7[%parallel_loop3A_859, %parallel_loop3A_860, %parallel_loop3A_861] {strides = array<i32>} : memref<4x128x64xf32, #tpu.memory_space<vmem>>, vector<16xf32>,
        %parallel_loop3A_863 = arith.constant 1 : i32
        %parallel_loop3A_864 = arith.constant 0 : i32
        %parallel_loop3A_865 = arith.constant 0 : i32
        %parallel_loop3A_866 = arith.constant 0 : i32
        %parallel_loop3A_867 = tpu.memref_slice %arg8[%parallel_loop3A_863, %parallel_loop3A_864, %parallel_loop3A_865, %parallel_loop3A_866] : memref<4x8x8x129xf32, #tpu.memory_space<vmem>> -> memref<1x8x8x129xf32, #tpu.memory_space<vmem>>
        %parallel_loop3A_868 = tpu.memref_squeeze %parallel_loop3A_867 : memref<1x8x8x129xf32, #tpu.memory_space<vmem>> -> memref<8x8x129xf32, #tpu.memory_space<vmem>>
        tpu.vector_store_idx %parallel_loop3A_868[%select_n3A_130, %select_n3A_229, %parallel_loop3A_824], %parallel_loop3A_862 : memref<8x8x129xf32, #tpu.memory_space<vmem>>[vector<16xi32>, vector<16xi32>, vector<16xi32>], vector<16xf32>,
      } {sc.loop_unroll_factor = 8 : i64, sc.parallel_access}
      %dma_start3A_602 = arith.constant 1 : i32
      %dma_start3A_603 = arith.constant 1 : i32
      %dma_start3A_604 = arith.constant 0 : i32
      %dma_start3A_605 = arith.constant 0 : i32
      %dma_start3A_606 = arith.constant 0 : i32
      %dma_start3A_607 = tpu.memref_slice %arg8[%dma_start3A_602, %dma_start3A_604, %dma_start3A_605, %dma_start3A_606] : memref<4x8x8x129xf32, #tpu.memory_space<vmem>> -> memref<1x8x8x128xf32, #tpu.memory_space<vmem>>
      %dma_start3A_608 = tpu.memref_squeeze %dma_start3A_607 : memref<1x8x8x128xf32, #tpu.memory_space<vmem>> -> memref<8x8x128xf32, #tpu.memory_space<vmem>>
      %dma_start3A_609 = arith.constant 0 : i32
      %dma_start3A_610 = arith.constant 0 : i32
      %dma_start3A_611 = arith.constant 0 : i32
      %dma_start3A_612 = tpu.memref_slice %arg4[%add3A_530, %dma_start3A_609, %add3A, %dma_start3A_610, %dma_start3A_611] : memref<200x8x32x8x128xf32, #tpu.memory_space<hbm>> -> memref<1x8x1x8x128xf32, #tpu.memory_space<hbm>>
      %dma_start3A_613 = tpu.memref_squeeze %dma_start3A_612 : memref<1x8x1x8x128xf32, #tpu.memory_space<hbm>> -> memref<8x8x128xf32, #tpu.memory_space<hbm>>
      %dma_start3A_614 = tpu.memref_slice %arg10[%dma_start3A_603] : memref<4x!tpu.dma_semaphore, #tpu.memory_space<semaphore_mem>> -> memref<1x!tpu.dma_semaphore, #tpu.memory_space<semaphore_mem>>
      %dma_start3A_615 = tpu.memref_squeeze %dma_start3A_614 : memref<1x!tpu.dma_semaphore, #tpu.memory_space<semaphore_mem>> -> memref<!tpu.dma_semaphore, #tpu.memory_space<semaphore_mem>>
      %dma_start3A_616 = arith.constant 0 : i32
      %dma_start3A_617 = arith.constant 0 : i32
      %dma_start3A_618 = arith.constant 0 : i32
      %dma_start3A_619 = tpu.memref_slice %arg4[%add3A_530, %dma_start3A_616, %add3A, %dma_start3A_617, %dma_start3A_618] : memref<200x8x32x8x128xf32, #tpu.memory_space<hbm>> -> memref<1x8x1x8x128xf32, #tpu.memory_space<hbm>>
      %dma_start3A_620 = tpu.memref_squeeze %dma_start3A_619 : memref<1x8x1x8x128xf32, #tpu.memory_space<hbm>> -> memref<8x8x128xf32, #tpu.memory_space<hbm>>
      %dma_start3A_621 = arith.constant 0 : i32
      %dma_start3A_622 = arith.constant 0 : i32
      %dma_start3A_623 = arith.constant 0 : i32
      %dma_start3A_624 = tpu.memref_slice %arg8[%dma_start3A_602, %dma_start3A_621, %dma_start3A_622, %dma_start3A_623] : memref<4x8x8x129xf32, #tpu.memory_space<vmem>> -> memref<1x8x8x128xf32, #tpu.memory_space<vmem>>
      %dma_start3A_625 = tpu.memref_squeeze %dma_start3A_624 : memref<1x8x8x128xf32, #tpu.memory_space<vmem>> -> memref<8x8x128xf32, #tpu.memory_space<vmem>>
      tpu.enqueue_dma source(%dma_start3A_625 : memref<8x8x128xf32, #tpu.memory_space<vmem>>) target(%dma_start3A_620 : memref<8x8x128xf32, #tpu.memory_space<hbm>>) target_semaphore(%dma_start3A_615 : memref<!tpu.dma_semaphore, #tpu.memory_space<semaphore_mem>>)
      %add3A_626 = arith.constant 2 : i32
      %add3A_627 = arith.addi %add3A_384, %add3A_626 : i32
      %jit3A_628 = arith.constant 8 : i32
      %div3A_629 = arith.divsi %add3A_627, %jit3A_628 : i32
      %sign3A_630 = arith.constant 0 : i32
      %sign3A_631 = arith.cmpi sgt, %add3A_627, %sign3A_630 : i32
      %sign3A_632 = arith.extui %sign3A_631 : i1 to i32
      %sign3A_633 = arith.constant 0 : i32
      %sign3A_634 = arith.cmpi slt, %add3A_627, %sign3A_633 : i32
      %sign3A_635 = arith.extui %sign3A_634 : i1 to i32
      %sign3A_636 = arith.subi %sign3A_632, %sign3A_635 : i32
      %sign3A_637 = arith.constant 0 : i32
      %sign3A_638 = arith.cmpi sgt, %jit3A_628, %sign3A_637 : i32
      %sign3A_639 = arith.extui %sign3A_638 : i1 to i32
      %sign3A_640 = arith.constant 0 : i32
      %sign3A_641 = arith.cmpi slt, %jit3A_628, %sign3A_640 : i32
      %sign3A_642 = arith.extui %sign3A_641 : i1 to i32
      %sign3A_643 = arith.subi %sign3A_639, %sign3A_642 : i32
      %ne3A_644 = arith.cmpi ne, %sign3A_636, %sign3A_643 : i32
      %rem3A_645 = arith.remsi %add3A_627, %jit3A_628 : i32
      %ne3A_646 = arith.constant 0 : i32
      %ne3A_647 = arith.cmpi ne, %rem3A_645, %ne3A_646 : i32
      %and3A_648 = arith.andi %ne3A_644, %ne3A_647 : i1
      %sub3A_649 = arith.constant 1 : i32
      %sub3A_650 = arith.subi %div3A_629, %sub3A_649 : i32
      %select_n3A_651 = arith.select %and3A_648, %sub3A_650, %div3A_629 : i32
      %jit3A_652 = arith.constant 8 : i32
      %eq3A_653 = arith.constant 0 : i32
      %eq3A_654 = arith.cmpi eq, %jit3A_652, %eq3A_653 : i32
      %jit3A_655 = arith.constant 1 : i32
      %select_n3A_656 = arith.select %eq3A_654, %jit3A_655, %jit3A_652 : i32
      %rem3A_657 = arith.remsi %add3A_627, %select_n3A_656 : i32
      %ne3A_658 = arith.constant 0 : i32
      %ne3A_659 = arith.cmpi ne, %rem3A_657, %ne3A_658 : i32
      %lt3A_660 = arith.constant 0 : i32
      %lt3A_661 = arith.cmpi slt, %rem3A_657, %lt3A_660 : i32
      %lt3A_662 = arith.constant 0 : i32
      %lt3A_663 = arith.cmpi slt, %select_n3A_656, %lt3A_662 : i32
      %ne3A_664 = arith.xori %lt3A_661, %lt3A_663 : i1
      %and3A_665 = arith.andi %ne3A_664, %ne3A_659 : i1
      %add3A_666 = arith.addi %rem3A_657, %select_n3A_656 : i32
      %select_n3A_667 = arith.select %and3A_665, %add3A_666, %rem3A_657 : i32
      %dma_wait3A_668 = arith.constant 2 : i32
      %dma_wait3A_669 = arith.constant 2 : i32
      %dma_wait3A_670 = arith.constant 0 : i32
      %dma_wait3A_671 = arith.constant 0 : i32
      %dma_wait3A_672 = tpu.memref_slice %arg7[%dma_wait3A_668, %dma_wait3A_670, %dma_wait3A_671] : memref<4x128x64xf32, #tpu.memory_space<vmem>> -> memref<1x128x64xf32, #tpu.memory_space<vmem>>
      %dma_wait3A_673 = tpu.memref_squeeze %dma_wait3A_672 : memref<1x128x64xf32, #tpu.memory_space<vmem>> -> memref<128x64xf32, #tpu.memory_space<vmem>>
      %dma_wait3A_674 = arith.constant 0 : i32
      %dma_wait3A_675 = tpu.memref_slice %arg6[%select_n3A_651, %select_n3A_667, %dma_wait3A_674] : memref<25x8x128xi32, #tpu.memory_space<vmem>> -> memref<1x1x128xi32, #tpu.memory_space<vmem>>
      %dma_wait3A_676 = tpu.memref_squeeze %dma_wait3A_675 : memref<1x1x128xi32, #tpu.memory_space<vmem>> -> memref<128xi32, #tpu.memory_space<vmem>>
      %dma_wait3A_677 = arith.constant 0 : i32
      %dma_wait3A_678 = arith.constant 0 : i32
      %dma_wait3A_679 = tpu.memref_slice %arg5[%dma_wait3A_677, %dma_wait3A_678] : memref<1000x64xf32, #tpu.memory_space<vmem_shared>> -> memref<1000x64xf32, #tpu.memory_space<vmem_shared>>
      %dma_wait3A_680 = tpu.memref_slice %arg9[%dma_wait3A_669] : memref<4x!tpu.dma_semaphore, #tpu.memory_space<semaphore_mem>> -> memref<1x!tpu.dma_semaphore, #tpu.memory_space<semaphore_mem>>
      %dma_wait3A_681 = tpu.memref_squeeze %dma_wait3A_680 : memref<1x!tpu.dma_semaphore, #tpu.memory_space<semaphore_mem>> -> memref<!tpu.dma_semaphore, #tpu.memory_space<semaphore_mem>>
      tpu.wait_indirect_dma semaphore(%dma_wait3A_681 : memref<!tpu.dma_semaphore, #tpu.memory_space<semaphore_mem>>) src(%dma_wait3A_679 : memref<1000x64xf32, #tpu.memory_space<vmem_shared>>) dst(%dma_wait3A_673 : memref<128x64xf32, #tpu.memory_space<vmem>>)
      %add3A_682 = arith.constant 4 : i32
      %add3A_683 = arith.addi %add3A_627, %add3A_682 : i32
      %sub3A_684 = arith.constant 1 : i32
      %sub3A_685 = arith.subi %add3A_683, %sub3A_684 : i32
      %lt3A_686 = arith.constant 200 : i32
      %lt3A_687 = arith.cmpi slt, %sub3A_685, %lt3A_686 : i32
      %convert_element_type3A_688 = arith.extui %lt3A_687 : i1 to i32
      %cond3A_689 = arith.constant 0 : i32
      %cond3A_690 = arith.cmpi ne, %convert_element_type3A_688, %cond3A_689 : i32
      scf.if %cond3A_690 {
        %add3A_820 = arith.constant 4 : i32
        %add3A_821 = arith.addi %add3A_627, %add3A_820 : i32
        %sub3A_822 = arith.constant 1 : i32
        %sub3A_823 = arith.subi %add3A_821, %sub3A_822 : i32
        %jit3A_824 = arith.constant 8 : i32
        %div3A_825 = arith.divsi %sub3A_823, %jit3A_824 : i32
        %sign3A_826 = arith.constant 0 : i32
        %sign3A_827 = arith.cmpi sgt, %sub3A_823, %sign3A_826 : i32
        %sign3A_828 = arith.extui %sign3A_827 : i1 to i32
        %sign3A_829 = arith.constant 0 : i32
        %sign3A_830 = arith.cmpi slt, %sub3A_823, %sign3A_829 : i32
        %sign3A_831 = arith.extui %sign3A_830 : i1 to i32
        %sign3A_832 = arith.subi %sign3A_828, %sign3A_831 : i32
        %sign3A_833 = arith.constant 0 : i32
        %sign3A_834 = arith.cmpi sgt, %jit3A_824, %sign3A_833 : i32
        %sign3A_835 = arith.extui %sign3A_834 : i1 to i32
        %sign3A_836 = arith.constant 0 : i32
        %sign3A_837 = arith.cmpi slt, %jit3A_824, %sign3A_836 : i32
        %sign3A_838 = arith.extui %sign3A_837 : i1 to i32
        %sign3A_839 = arith.subi %sign3A_835, %sign3A_838 : i32
        %ne3A_840 = arith.cmpi ne, %sign3A_832, %sign3A_839 : i32
        %rem3A_841 = arith.remsi %sub3A_823, %jit3A_824 : i32
        %ne3A_842 = arith.constant 0 : i32
        %ne3A_843 = arith.cmpi ne, %rem3A_841, %ne3A_842 : i32
        %and3A_844 = arith.andi %ne3A_840, %ne3A_843 : i1
        %sub3A_845 = arith.constant 1 : i32
        %sub3A_846 = arith.subi %div3A_825, %sub3A_845 : i32
        %select_n3A_847 = arith.select %and3A_844, %sub3A_846, %div3A_825 : i32
        %jit3A_848 = arith.constant 8 : i32
        %eq3A_849 = arith.constant 0 : i32
        %eq3A_850 = arith.cmpi eq, %jit3A_848, %eq3A_849 : i32
        %jit3A_851 = arith.constant 1 : i32
        %select_n3A_852 = arith.select %eq3A_850, %jit3A_851, %jit3A_848 : i32
        %rem3A_853 = arith.remsi %sub3A_823, %select_n3A_852 : i32
        %ne3A_854 = arith.constant 0 : i32
        %ne3A_855 = arith.cmpi ne, %rem3A_853, %ne3A_854 : i32
        %lt3A_856 = arith.constant 0 : i32
        %lt3A_857 = arith.cmpi slt, %rem3A_853, %lt3A_856 : i32
        %lt3A_858 = arith.constant 0 : i32
        %lt3A_859 = arith.cmpi slt, %select_n3A_852, %lt3A_858 : i32
        %ne3A_860 = arith.xori %lt3A_857, %lt3A_859 : i1
        %and3A_861 = arith.andi %ne3A_860, %ne3A_855 : i1
        %add3A_862 = arith.addi %rem3A_853, %select_n3A_852 : i32
        %select_n3A_863 = arith.select %and3A_861, %add3A_862, %rem3A_853 : i32
        %dma_start3A_864 = arith.constant 1 : i32
        %dma_start3A_865 = arith.constant 1 : i32
        %dma_start3A_866 = arith.constant 0 : i32
        %dma_start3A_867 = arith.constant 0 : i32
        %dma_start3A_868 = tpu.memref_slice %arg7[%dma_start3A_864, %dma_start3A_866, %dma_start3A_867] : memref<4x128x64xf32, #tpu.memory_space<vmem>> -> memref<1x128x64xf32, #tpu.memory_space<vmem>>
        %dma_start3A_869 = tpu.memref_squeeze %dma_start3A_868 : memref<1x128x64xf32, #tpu.memory_space<vmem>> -> memref<128x64xf32, #tpu.memory_space<vmem>>
        %dma_start3A_870 = arith.constant 0 : i32
        %dma_start3A_871 = tpu.memref_slice %arg6[%select_n3A_847, %select_n3A_863, %dma_start3A_870] : memref<25x8x128xi32, #tpu.memory_space<vmem>> -> memref<1x1x128xi32, #tpu.memory_space<vmem>>
        %dma_start3A_872 = tpu.memref_squeeze %dma_start3A_871 : memref<1x1x128xi32, #tpu.memory_space<vmem>> -> memref<128xi32, #tpu.memory_space<vmem>>
        %dma_start3A_873 = arith.constant 0 : i32
        %dma_start3A_874 = arith.constant 0 : i32
        %dma_start3A_875 = tpu.memref_slice %arg5[%dma_start3A_873, %dma_start3A_874] : memref<1000x64xf32, #tpu.memory_space<vmem_shared>> -> memref<1000x64xf32, #tpu.memory_space<vmem_shared>>
        %dma_start3A_876 = tpu.memref_slice %arg9[%dma_start3A_865] : memref<4x!tpu.dma_semaphore, #tpu.memory_space<semaphore_mem>> -> memref<1x!tpu.dma_semaphore, #tpu.memory_space<semaphore_mem>>
        %dma_start3A_877 = tpu.memref_squeeze %dma_start3A_876 : memref<1x!tpu.dma_semaphore, #tpu.memory_space<semaphore_mem>> -> memref<!tpu.dma_semaphore, #tpu.memory_space<semaphore_mem>>
        tpu.enqueue_indirect_dma source(%dma_start3A_875 : memref<1000x64xf32, #tpu.memory_space<vmem_shared>>) target(%dma_start3A_869 : memref<128x64xf32, #tpu.memory_space<vmem>>) offsets(%dma_start3A_872 : memref<128xi32, #tpu.memory_space<vmem>>) semaphore(%dma_start3A_877 : memref<!tpu.dma_semaphore, #tpu.memory_space<semaphore_mem>>)
      } else {
      }
      %ge3A_691 = arith.constant 4 : i32
      %ge3A_692 = arith.cmpi sge, %add3A_627, %ge3A_691 : i32
      %convert_element_type3A_693 = arith.extui %ge3A_692 : i1 to i32
      %cond3A_694 = arith.constant 0 : i32
      %cond3A_695 = arith.cmpi ne, %convert_element_type3A_693, %cond3A_694 : i32
      scf.if %cond3A_695 {
        %sub3A_820 = arith.constant 4 : i32
        %sub3A_821 = arith.subi %add3A_627, %sub3A_820 : i32
        %dma_wait3A_822 = arith.constant 2 : i32
        %dma_wait3A_823 = arith.constant 2 : i32
        %dma_wait3A_824 = arith.constant 0 : i32
        %dma_wait3A_825 = arith.constant 0 : i32
        %dma_wait3A_826 = arith.constant 0 : i32
        %dma_wait3A_827 = tpu.memref_slice %arg8[%dma_wait3A_822, %dma_wait3A_824, %dma_wait3A_825, %dma_wait3A_826] : memref<4x8x8x129xf32, #tpu.memory_space<vmem>> -> memref<1x8x8x128xf32, #tpu.memory_space<vmem>>
        %dma_wait3A_828 = tpu.memref_squeeze %dma_wait3A_827 : memref<1x8x8x128xf32, #tpu.memory_space<vmem>> -> memref<8x8x128xf32, #tpu.memory_space<vmem>>
        %dma_wait3A_829 = arith.constant 0 : i32
        %dma_wait3A_830 = arith.constant 0 : i32
        %dma_wait3A_831 = arith.constant 0 : i32
        %dma_wait3A_832 = tpu.memref_slice %arg4[%sub3A_821, %dma_wait3A_829, %add3A, %dma_wait3A_830, %dma_wait3A_831] : memref<200x8x32x8x128xf32, #tpu.memory_space<hbm>> -> memref<1x8x1x8x128xf32, #tpu.memory_space<hbm>>
        %dma_wait3A_833 = tpu.memref_squeeze %dma_wait3A_832 : memref<1x8x1x8x128xf32, #tpu.memory_space<hbm>> -> memref<8x8x128xf32, #tpu.memory_space<hbm>>
        %dma_wait3A_834 = tpu.memref_slice %arg10[%dma_wait3A_823] : memref<4x!tpu.dma_semaphore, #tpu.memory_space<semaphore_mem>> -> memref<1x!tpu.dma_semaphore, #tpu.memory_space<semaphore_mem>>
        %dma_wait3A_835 = tpu.memref_squeeze %dma_wait3A_834 : memref<1x!tpu.dma_semaphore, #tpu.memory_space<semaphore_mem>> -> memref<!tpu.dma_semaphore, #tpu.memory_space<semaphore_mem>>
        %dma_wait3A_836 = arith.constant 0 : i32
        %dma_wait3A_837 = arith.constant 0 : i32
        %dma_wait3A_838 = arith.constant 0 : i32
        %dma_wait3A_839 = tpu.memref_slice %arg4[%sub3A_821, %dma_wait3A_836, %add3A, %dma_wait3A_837, %dma_wait3A_838] : memref<200x8x32x8x128xf32, #tpu.memory_space<hbm>> -> memref<1x8x1x8x128xf32, #tpu.memory_space<hbm>>
        %dma_wait3A_840 = tpu.memref_squeeze %dma_wait3A_839 : memref<1x8x1x8x128xf32, #tpu.memory_space<hbm>> -> memref<8x8x128xf32, #tpu.memory_space<hbm>>
        %dma_wait3A_841 = arith.constant 0 : i32
        %dma_wait3A_842 = arith.constant 0 : i32
        %dma_wait3A_843 = arith.constant 0 : i32
        %dma_wait3A_844 = tpu.memref_slice %arg8[%dma_wait3A_822, %dma_wait3A_841, %dma_wait3A_842, %dma_wait3A_843] : memref<4x8x8x129xf32, #tpu.memory_space<vmem>> -> memref<1x8x8x128xf32, #tpu.memory_space<vmem>>
        %dma_wait3A_845 = tpu.memref_squeeze %dma_wait3A_844 : memref<1x8x8x128xf32, #tpu.memory_space<vmem>> -> memref<8x8x128xf32, #tpu.memory_space<vmem>>
        tpu.wait_dma2 semaphore(%dma_wait3A_835 : memref<!tpu.dma_semaphore, #tpu.memory_space<semaphore_mem>>) src(%dma_wait3A_845 : memref<8x8x128xf32, #tpu.memory_space<vmem>>) dst(%dma_wait3A_840 : memref<8x8x128xf32, #tpu.memory_space<hbm>>)
      } else {
      }
      %parallel_loop3A_696 = arith.constant 0 : i32
      %parallel_loop3A_697 = arith.constant 128 : i32
      %parallel_loop3A_698 = arith.constant 1 : i32
      scf.for %parallel_loop3A_820 = %parallel_loop3A_696 to %parallel_loop3A_697 step %parallel_loop3A_698  : i32 {
        %parallel_loop3A_821 = arith.constant 0 : i32
        %parallel_loop3A_822 = vector.broadcast %parallel_loop3A_821 : i32 to vector<16xi32>
        %parallel_loop3A_823 = vector.broadcast %parallel_loop3A_820 : i32 to vector<16xi32>
        %parallel_loop3A_824 = arith.addi %parallel_loop3A_822, %parallel_loop3A_823 : vector<16xi32>
        %parallel_loop3A_825 = arith.constant 2 : i32
        %parallel_loop3A_826 = arith.index_cast %parallel_loop3A_825 : i32 to index
        %parallel_loop3A_827 = arith.index_cast %parallel_loop3A_820 : i32 to index
        %parallel_loop3A_828 = arith.constant 0 : index
        %parallel_loop3A_829 = tpu.vector_load %arg7[%parallel_loop3A_826, %parallel_loop3A_827, %parallel_loop3A_828] {strides = array<i32>} : memref<4x128x64xf32, #tpu.memory_space<vmem>>, vector<16xf32>,
        %parallel_loop3A_830 = arith.constant 2 : i32
        %parallel_loop3A_831 = arith.constant 0 : i32
        %parallel_loop3A_832 = arith.constant 0 : i32
        %parallel_loop3A_833 = arith.constant 0 : i32
        %parallel_loop3A_834 = tpu.memref_slice %arg8[%parallel_loop3A_830, %parallel_loop3A_831, %parallel_loop3A_832, %parallel_loop3A_833] : memref<4x8x8x129xf32, #tpu.memory_space<vmem>> -> memref<1x8x8x129xf32, #tpu.memory_space<vmem>>
        %parallel_loop3A_835 = tpu.memref_squeeze %parallel_loop3A_834 : memref<1x8x8x129xf32, #tpu.memory_space<vmem>> -> memref<8x8x129xf32, #tpu.memory_space<vmem>>
        tpu.vector_store_idx %parallel_loop3A_835[%select_n3A, %select_n3A_154, %parallel_loop3A_824], %parallel_loop3A_829 : memref<8x8x129xf32, #tpu.memory_space<vmem>>[vector<16xi32>, vector<16xi32>, vector<16xi32>], vector<16xf32>,
        %parallel_loop3A_836 = arith.constant 2 : i32
        %parallel_loop3A_837 = arith.index_cast %parallel_loop3A_836 : i32 to index
        %parallel_loop3A_838 = arith.index_cast %parallel_loop3A_820 : i32 to index
        %parallel_loop3A_839 = arith.constant 16 : index
        %parallel_loop3A_840 = tpu.vector_load %arg7[%parallel_loop3A_837, %parallel_loop3A_838, %parallel_loop3A_839] {strides = array<i32>} : memref<4x128x64xf32, #tpu.memory_space<vmem>>, vector<16xf32>,
        %parallel_loop3A_841 = arith.constant 2 : i32
        %parallel_loop3A_842 = arith.constant 0 : i32
        %parallel_loop3A_843 = arith.constant 0 : i32
        %parallel_loop3A_844 = arith.constant 0 : i32
        %parallel_loop3A_845 = tpu.memref_slice %arg8[%parallel_loop3A_841, %parallel_loop3A_842, %parallel_loop3A_843, %parallel_loop3A_844] : memref<4x8x8x129xf32, #tpu.memory_space<vmem>> -> memref<1x8x8x129xf32, #tpu.memory_space<vmem>>
        %parallel_loop3A_846 = tpu.memref_squeeze %parallel_loop3A_845 : memref<1x8x8x129xf32, #tpu.memory_space<vmem>> -> memref<8x8x129xf32, #tpu.memory_space<vmem>>
        tpu.vector_store_idx %parallel_loop3A_846[%select_n3A_62, %select_n3A_179, %parallel_loop3A_824], %parallel_loop3A_840 : memref<8x8x129xf32, #tpu.memory_space<vmem>>[vector<16xi32>, vector<16xi32>, vector<16xi32>], vector<16xf32>,
        %parallel_loop3A_847 = arith.constant 2 : i32
        %parallel_loop3A_848 = arith.index_cast %parallel_loop3A_847 : i32 to index
        %parallel_loop3A_849 = arith.index_cast %parallel_loop3A_820 : i32 to index
        %parallel_loop3A_850 = arith.constant 32 : index
        %parallel_loop3A_851 = tpu.vector_load %arg7[%parallel_loop3A_848, %parallel_loop3A_849, %parallel_loop3A_850] {strides = array<i32>} : memref<4x128x64xf32, #tpu.memory_space<vmem>>, vector<16xf32>,
        %parallel_loop3A_852 = arith.constant 2 : i32
        %parallel_loop3A_853 = arith.constant 0 : i32
        %parallel_loop3A_854 = arith.constant 0 : i32
        %parallel_loop3A_855 = arith.constant 0 : i32
        %parallel_loop3A_856 = tpu.memref_slice %arg8[%parallel_loop3A_852, %parallel_loop3A_853, %parallel_loop3A_854, %parallel_loop3A_855] : memref<4x8x8x129xf32, #tpu.memory_space<vmem>> -> memref<1x8x8x129xf32, #tpu.memory_space<vmem>>
        %parallel_loop3A_857 = tpu.memref_squeeze %parallel_loop3A_856 : memref<1x8x8x129xf32, #tpu.memory_space<vmem>> -> memref<8x8x129xf32, #tpu.memory_space<vmem>>
        tpu.vector_store_idx %parallel_loop3A_857[%select_n3A_96, %select_n3A_204, %parallel_loop3A_824], %parallel_loop3A_851 : memref<8x8x129xf32, #tpu.memory_space<vmem>>[vector<16xi32>, vector<16xi32>, vector<16xi32>], vector<16xf32>,
        %parallel_loop3A_858 = arith.constant 2 : i32
        %parallel_loop3A_859 = arith.index_cast %parallel_loop3A_858 : i32 to index
        %parallel_loop3A_860 = arith.index_cast %parallel_loop3A_820 : i32 to index
        %parallel_loop3A_861 = arith.constant 48 : index
        %parallel_loop3A_862 = tpu.vector_load %arg7[%parallel_loop3A_859, %parallel_loop3A_860, %parallel_loop3A_861] {strides = array<i32>} : memref<4x128x64xf32, #tpu.memory_space<vmem>>, vector<16xf32>,
        %parallel_loop3A_863 = arith.constant 2 : i32
        %parallel_loop3A_864 = arith.constant 0 : i32
        %parallel_loop3A_865 = arith.constant 0 : i32
        %parallel_loop3A_866 = arith.constant 0 : i32
        %parallel_loop3A_867 = tpu.memref_slice %arg8[%parallel_loop3A_863, %parallel_loop3A_864, %parallel_loop3A_865, %parallel_loop3A_866] : memref<4x8x8x129xf32, #tpu.memory_space<vmem>> -> memref<1x8x8x129xf32, #tpu.memory_space<vmem>>
        %parallel_loop3A_868 = tpu.memref_squeeze %parallel_loop3A_867 : memref<1x8x8x129xf32, #tpu.memory_space<vmem>> -> memref<8x8x129xf32, #tpu.memory_space<vmem>>
        tpu.vector_store_idx %parallel_loop3A_868[%select_n3A_130, %select_n3A_229, %parallel_loop3A_824], %parallel_loop3A_862 : memref<8x8x129xf32, #tpu.memory_space<vmem>>[vector<16xi32>, vector<16xi32>, vector<16xi32>], vector<16xf32>,
      } {sc.loop_unroll_factor = 8 : i64, sc.parallel_access}
      %dma_start3A_699 = arith.constant 2 : i32
      %dma_start3A_700 = arith.constant 2 : i32
      %dma_start3A_701 = arith.constant 0 : i32
      %dma_start3A_702 = arith.constant 0 : i32
      %dma_start3A_703 = arith.constant 0 : i32
      %dma_start3A_704 = tpu.memref_slice %arg8[%dma_start3A_699, %dma_start3A_701, %dma_start3A_702, %dma_start3A_703] : memref<4x8x8x129xf32, #tpu.memory_space<vmem>> -> memref<1x8x8x128xf32, #tpu.memory_space<vmem>>
      %dma_start3A_705 = tpu.memref_squeeze %dma_start3A_704 : memref<1x8x8x128xf32, #tpu.memory_space<vmem>> -> memref<8x8x128xf32, #tpu.memory_space<vmem>>
      %dma_start3A_706 = arith.constant 0 : i32
      %dma_start3A_707 = arith.constant 0 : i32
      %dma_start3A_708 = arith.constant 0 : i32
      %dma_start3A_709 = tpu.memref_slice %arg4[%add3A_627, %dma_start3A_706, %add3A, %dma_start3A_707, %dma_start3A_708] : memref<200x8x32x8x128xf32, #tpu.memory_space<hbm>> -> memref<1x8x1x8x128xf32, #tpu.memory_space<hbm>>
      %dma_start3A_710 = tpu.memref_squeeze %dma_start3A_709 : memref<1x8x1x8x128xf32, #tpu.memory_space<hbm>> -> memref<8x8x128xf32, #tpu.memory_space<hbm>>
      %dma_start3A_711 = tpu.memref_slice %arg10[%dma_start3A_700] : memref<4x!tpu.dma_semaphore, #tpu.memory_space<semaphore_mem>> -> memref<1x!tpu.dma_semaphore, #tpu.memory_space<semaphore_mem>>
      %dma_start3A_712 = tpu.memref_squeeze %dma_start3A_711 : memref<1x!tpu.dma_semaphore, #tpu.memory_space<semaphore_mem>> -> memref<!tpu.dma_semaphore, #tpu.memory_space<semaphore_mem>>
      %dma_start3A_713 = arith.constant 0 : i32
      %dma_start3A_714 = arith.constant 0 : i32
      %dma_start3A_715 = arith.constant 0 : i32
      %dma_start3A_716 = tpu.memref_slice %arg4[%add3A_627, %dma_start3A_713, %add3A, %dma_start3A_714, %dma_start3A_715] : memref<200x8x32x8x128xf32, #tpu.memory_space<hbm>> -> memref<1x8x1x8x128xf32, #tpu.memory_space<hbm>>
      %dma_start3A_717 = tpu.memref_squeeze %dma_start3A_716 : memref<1x8x1x8x128xf32, #tpu.memory_space<hbm>> -> memref<8x8x128xf32, #tpu.memory_space<hbm>>
      %dma_start3A_718 = arith.constant 0 : i32
      %dma_start3A_719 = arith.constant 0 : i32
      %dma_start3A_720 = arith.constant 0 : i32
      %dma_start3A_721 = tpu.memref_slice %arg8[%dma_start3A_699, %dma_start3A_718, %dma_start3A_719, %dma_start3A_720] : memref<4x8x8x129xf32, #tpu.memory_space<vmem>> -> memref<1x8x8x128xf32, #tpu.memory_space<vmem>>
      %dma_start3A_722 = tpu.memref_squeeze %dma_start3A_721 : memref<1x8x8x128xf32, #tpu.memory_space<vmem>> -> memref<8x8x128xf32, #tpu.memory_space<vmem>>
      tpu.enqueue_dma source(%dma_start3A_722 : memref<8x8x128xf32, #tpu.memory_space<vmem>>) target(%dma_start3A_717 : memref<8x8x128xf32, #tpu.memory_space<hbm>>) target_semaphore(%dma_start3A_712 : memref<!tpu.dma_semaphore, #tpu.memory_space<semaphore_mem>>)
      %add3A_723 = arith.constant 3 : i32
      %add3A_724 = arith.addi %add3A_384, %add3A_723 : i32
      %jit3A_725 = arith.constant 8 : i32
      %div3A_726 = arith.divsi %add3A_724, %jit3A_725 : i32
      %sign3A_727 = arith.constant 0 : i32
      %sign3A_728 = arith.cmpi sgt, %add3A_724, %sign3A_727 : i32
      %sign3A_729 = arith.extui %sign3A_728 : i1 to i32
      %sign3A_730 = arith.constant 0 : i32
      %sign3A_731 = arith.cmpi slt, %add3A_724, %sign3A_730 : i32
      %sign3A_732 = arith.extui %sign3A_731 : i1 to i32
      %sign3A_733 = arith.subi %sign3A_729, %sign3A_732 : i32
      %sign3A_734 = arith.constant 0 : i32
      %sign3A_735 = arith.cmpi sgt, %jit3A_725, %sign3A_734 : i32
      %sign3A_736 = arith.extui %sign3A_735 : i1 to i32
      %sign3A_737 = arith.constant 0 : i32
      %sign3A_738 = arith.cmpi slt, %jit3A_725, %sign3A_737 : i32
      %sign3A_739 = arith.extui %sign3A_738 : i1 to i32
      %sign3A_740 = arith.subi %sign3A_736, %sign3A_739 : i32
      %ne3A_741 = arith.cmpi ne, %sign3A_733, %sign3A_740 : i32
      %rem3A_742 = arith.remsi %add3A_724, %jit3A_725 : i32
      %ne3A_743 = arith.constant 0 : i32
      %ne3A_744 = arith.cmpi ne, %rem3A_742, %ne3A_743 : i32
      %and3A_745 = arith.andi %ne3A_741, %ne3A_744 : i1
      %sub3A_746 = arith.constant 1 : i32
      %sub3A_747 = arith.subi %div3A_726, %sub3A_746 : i32
      %select_n3A_748 = arith.select %and3A_745, %sub3A_747, %div3A_726 : i32
      %jit3A_749 = arith.constant 8 : i32
      %eq3A_750 = arith.constant 0 : i32
      %eq3A_751 = arith.cmpi eq, %jit3A_749, %eq3A_750 : i32
      %jit3A_752 = arith.constant 1 : i32
      %select_n3A_753 = arith.select %eq3A_751, %jit3A_752, %jit3A_749 : i32
      %rem3A_754 = arith.remsi %add3A_724, %select_n3A_753 : i32
      %ne3A_755 = arith.constant 0 : i32
      %ne3A_756 = arith.cmpi ne, %rem3A_754, %ne3A_755 : i32
      %lt3A_757 = arith.constant 0 : i32
      %lt3A_758 = arith.cmpi slt, %rem3A_754, %lt3A_757 : i32
      %lt3A_759 = arith.constant 0 : i32
      %lt3A_760 = arith.cmpi slt, %select_n3A_753, %lt3A_759 : i32
      %ne3A_761 = arith.xori %lt3A_758, %lt3A_760 : i1
      %and3A_762 = arith.andi %ne3A_761, %ne3A_756 : i1
      %add3A_763 = arith.addi %rem3A_754, %select_n3A_753 : i32
      %select_n3A_764 = arith.select %and3A_762, %add3A_763, %rem3A_754 : i32
      %dma_wait3A_765 = arith.constant 3 : i32
      %dma_wait3A_766 = arith.constant 3 : i32
      %dma_wait3A_767 = arith.constant 0 : i32
      %dma_wait3A_768 = arith.constant 0 : i32
      %dma_wait3A_769 = tpu.memref_slice %arg7[%dma_wait3A_765, %dma_wait3A_767, %dma_wait3A_768] : memref<4x128x64xf32, #tpu.memory_space<vmem>> -> memref<1x128x64xf32, #tpu.memory_space<vmem>>
      %dma_wait3A_770 = tpu.memref_squeeze %dma_wait3A_769 : memref<1x128x64xf32, #tpu.memory_space<vmem>> -> memref<128x64xf32, #tpu.memory_space<vmem>>
      %dma_wait3A_771 = arith.constant 0 : i32
      %dma_wait3A_772 = tpu.memref_slice %arg6[%select_n3A_748, %select_n3A_764, %dma_wait3A_771] : memref<25x8x128xi32, #tpu.memory_space<vmem>> -> memref<1x1x128xi32, #tpu.memory_space<vmem>>
      %dma_wait3A_773 = tpu.memref_squeeze %dma_wait3A_772 : memref<1x1x128xi32, #tpu.memory_space<vmem>> -> memref<128xi32, #tpu.memory_space<vmem>>
      %dma_wait3A_774 = arith.constant 0 : i32
      %dma_wait3A_775 = arith.constant 0 : i32
      %dma_wait3A_776 = tpu.memref_slice %arg5[%dma_wait3A_774, %dma_wait3A_775] : memref<1000x64xf32, #tpu.memory_space<vmem_shared>> -> memref<1000x64xf32, #tpu.memory_space<vmem_shared>>
      %dma_wait3A_777 = tpu.memref_slice %arg9[%dma_wait3A_766] : memref<4x!tpu.dma_semaphore, #tpu.memory_space<semaphore_mem>> -> memref<1x!tpu.dma_semaphore, #tpu.memory_space<semaphore_mem>>
      %dma_wait3A_778 = tpu.memref_squeeze %dma_wait3A_777 : memref<1x!tpu.dma_semaphore, #tpu.memory_space<semaphore_mem>> -> memref<!tpu.dma_semaphore, #tpu.memory_space<semaphore_mem>>
      tpu.wait_indirect_dma semaphore(%dma_wait3A_778 : memref<!tpu.dma_semaphore, #tpu.memory_space<semaphore_mem>>) src(%dma_wait3A_776 : memref<1000x64xf32, #tpu.memory_space<vmem_shared>>) dst(%dma_wait3A_770 : memref<128x64xf32, #tpu.memory_space<vmem>>)
      %add3A_779 = arith.constant 4 : i32
      %add3A_780 = arith.addi %add3A_724, %add3A_779 : i32
      %sub3A_781 = arith.constant 1 : i32
      %sub3A_782 = arith.subi %add3A_780, %sub3A_781 : i32
      %lt3A_783 = arith.constant 200 : i32
      %lt3A_784 = arith.cmpi slt, %sub3A_782, %lt3A_783 : i32
      %convert_element_type3A_785 = arith.extui %lt3A_784 : i1 to i32
      %cond3A_786 = arith.constant 0 : i32
      %cond3A_787 = arith.cmpi ne, %convert_element_type3A_785, %cond3A_786 : i32
      scf.if %cond3A_787 {
        %add3A_820 = arith.constant 4 : i32
        %add3A_821 = arith.addi %add3A_724, %add3A_820 : i32
        %sub3A_822 = arith.constant 1 : i32
        %sub3A_823 = arith.subi %add3A_821, %sub3A_822 : i32
        %jit3A_824 = arith.constant 8 : i32
        %div3A_825 = arith.divsi %sub3A_823, %jit3A_824 : i32
        %sign3A_826 = arith.constant 0 : i32
        %sign3A_827 = arith.cmpi sgt, %sub3A_823, %sign3A_826 : i32
        %sign3A_828 = arith.extui %sign3A_827 : i1 to i32
        %sign3A_829 = arith.constant 0 : i32
        %sign3A_830 = arith.cmpi slt, %sub3A_823, %sign3A_829 : i32
        %sign3A_831 = arith.extui %sign3A_830 : i1 to i32
        %sign3A_832 = arith.subi %sign3A_828, %sign3A_831 : i32
        %sign3A_833 = arith.constant 0 : i32
        %sign3A_834 = arith.cmpi sgt, %jit3A_824, %sign3A_833 : i32
        %sign3A_835 = arith.extui %sign3A_834 : i1 to i32
        %sign3A_836 = arith.constant 0 : i32
        %sign3A_837 = arith.cmpi slt, %jit3A_824, %sign3A_836 : i32
        %sign3A_838 = arith.extui %sign3A_837 : i1 to i32
        %sign3A_839 = arith.subi %sign3A_835, %sign3A_838 : i32
        %ne3A_840 = arith.cmpi ne, %sign3A_832, %sign3A_839 : i32
        %rem3A_841 = arith.remsi %sub3A_823, %jit3A_824 : i32
        %ne3A_842 = arith.constant 0 : i32
        %ne3A_843 = arith.cmpi ne, %rem3A_841, %ne3A_842 : i32
        %and3A_844 = arith.andi %ne3A_840, %ne3A_843 : i1
        %sub3A_845 = arith.constant 1 : i32
        %sub3A_846 = arith.subi %div3A_825, %sub3A_845 : i32
        %select_n3A_847 = arith.select %and3A_844, %sub3A_846, %div3A_825 : i32
        %jit3A_848 = arith.constant 8 : i32
        %eq3A_849 = arith.constant 0 : i32
        %eq3A_850 = arith.cmpi eq, %jit3A_848, %eq3A_849 : i32
        %jit3A_851 = arith.constant 1 : i32
        %select_n3A_852 = arith.select %eq3A_850, %jit3A_851, %jit3A_848 : i32
        %rem3A_853 = arith.remsi %sub3A_823, %select_n3A_852 : i32
        %ne3A_854 = arith.constant 0 : i32
        %ne3A_855 = arith.cmpi ne, %rem3A_853, %ne3A_854 : i32
        %lt3A_856 = arith.constant 0 : i32
        %lt3A_857 = arith.cmpi slt, %rem3A_853, %lt3A_856 : i32
        %lt3A_858 = arith.constant 0 : i32
        %lt3A_859 = arith.cmpi slt, %select_n3A_852, %lt3A_858 : i32
        %ne3A_860 = arith.xori %lt3A_857, %lt3A_859 : i1
        %and3A_861 = arith.andi %ne3A_860, %ne3A_855 : i1
        %add3A_862 = arith.addi %rem3A_853, %select_n3A_852 : i32
        %select_n3A_863 = arith.select %and3A_861, %add3A_862, %rem3A_853 : i32
        %dma_start3A_864 = arith.constant 2 : i32
        %dma_start3A_865 = arith.constant 2 : i32
        %dma_start3A_866 = arith.constant 0 : i32
        %dma_start3A_867 = arith.constant 0 : i32
        %dma_start3A_868 = tpu.memref_slice %arg7[%dma_start3A_864, %dma_start3A_866, %dma_start3A_867] : memref<4x128x64xf32, #tpu.memory_space<vmem>> -> memref<1x128x64xf32, #tpu.memory_space<vmem>>
        %dma_start3A_869 = tpu.memref_squeeze %dma_start3A_868 : memref<1x128x64xf32, #tpu.memory_space<vmem>> -> memref<128x64xf32, #tpu.memory_space<vmem>>
        %dma_start3A_870 = arith.constant 0 : i32
        %dma_start3A_871 = tpu.memref_slice %arg6[%select_n3A_847, %select_n3A_863, %dma_start3A_870] : memref<25x8x128xi32, #tpu.memory_space<vmem>> -> memref<1x1x128xi32, #tpu.memory_space<vmem>>
        %dma_start3A_872 = tpu.memref_squeeze %dma_start3A_871 : memref<1x1x128xi32, #tpu.memory_space<vmem>> -> memref<128xi32, #tpu.memory_space<vmem>>
        %dma_start3A_873 = arith.constant 0 : i32
        %dma_start3A_874 = arith.constant 0 : i32
        %dma_start3A_875 = tpu.memref_slice %arg5[%dma_start3A_873, %dma_start3A_874] : memref<1000x64xf32, #tpu.memory_space<vmem_shared>> -> memref<1000x64xf32, #tpu.memory_space<vmem_shared>>
        %dma_start3A_876 = tpu.memref_slice %arg9[%dma_start3A_865] : memref<4x!tpu.dma_semaphore, #tpu.memory_space<semaphore_mem>> -> memref<1x!tpu.dma_semaphore, #tpu.memory_space<semaphore_mem>>
        %dma_start3A_877 = tpu.memref_squeeze %dma_start3A_876 : memref<1x!tpu.dma_semaphore, #tpu.memory_space<semaphore_mem>> -> memref<!tpu.dma_semaphore, #tpu.memory_space<semaphore_mem>>
        tpu.enqueue_indirect_dma source(%dma_start3A_875 : memref<1000x64xf32, #tpu.memory_space<vmem_shared>>) target(%dma_start3A_869 : memref<128x64xf32, #tpu.memory_space<vmem>>) offsets(%dma_start3A_872 : memref<128xi32, #tpu.memory_space<vmem>>) semaphore(%dma_start3A_877 : memref<!tpu.dma_semaphore, #tpu.memory_space<semaphore_mem>>)
      } else {
      }
      %ge3A_788 = arith.constant 4 : i32
      %ge3A_789 = arith.cmpi sge, %add3A_724, %ge3A_788 : i32
      %convert_element_type3A_790 = arith.extui %ge3A_789 : i1 to i32
      %cond3A_791 = arith.constant 0 : i32
      %cond3A_792 = arith.cmpi ne, %convert_element_type3A_790, %cond3A_791 : i32
      scf.if %cond3A_792 {
        %sub3A_820 = arith.constant 4 : i32
        %sub3A_821 = arith.subi %add3A_724, %sub3A_820 : i32
        %dma_wait3A_822 = arith.constant 3 : i32
        %dma_wait3A_823 = arith.constant 3 : i32
        %dma_wait3A_824 = arith.constant 0 : i32
        %dma_wait3A_825 = arith.constant 0 : i32
        %dma_wait3A_826 = arith.constant 0 : i32
        %dma_wait3A_827 = tpu.memref_slice %arg8[%dma_wait3A_822, %dma_wait3A_824, %dma_wait3A_825, %dma_wait3A_826] : memref<4x8x8x129xf32, #tpu.memory_space<vmem>> -> memref<1x8x8x128xf32, #tpu.memory_space<vmem>>
        %dma_wait3A_828 = tpu.memref_squeeze %dma_wait3A_827 : memref<1x8x8x128xf32, #tpu.memory_space<vmem>> -> memref<8x8x128xf32, #tpu.memory_space<vmem>>
        %dma_wait3A_829 = arith.constant 0 : i32
        %dma_wait3A_830 = arith.constant 0 : i32
        %dma_wait3A_831 = arith.constant 0 : i32
        %dma_wait3A_832 = tpu.memref_slice %arg4[%sub3A_821, %dma_wait3A_829, %add3A, %dma_wait3A_830, %dma_wait3A_831] : memref<200x8x32x8x128xf32, #tpu.memory_space<hbm>> -> memref<1x8x1x8x128xf32, #tpu.memory_space<hbm>>
        %dma_wait3A_833 = tpu.memref_squeeze %dma_wait3A_832 : memref<1x8x1x8x128xf32, #tpu.memory_space<hbm>> -> memref<8x8x128xf32, #tpu.memory_space<hbm>>
        %dma_wait3A_834 = tpu.memref_slice %arg10[%dma_wait3A_823] : memref<4x!tpu.dma_semaphore, #tpu.memory_space<semaphore_mem>> -> memref<1x!tpu.dma_semaphore, #tpu.memory_space<semaphore_mem>>
        %dma_wait3A_835 = tpu.memref_squeeze %dma_wait3A_834 : memref<1x!tpu.dma_semaphore, #tpu.memory_space<semaphore_mem>> -> memref<!tpu.dma_semaphore, #tpu.memory_space<semaphore_mem>>
        %dma_wait3A_836 = arith.constant 0 : i32
        %dma_wait3A_837 = arith.constant 0 : i32
        %dma_wait3A_838 = arith.constant 0 : i32
        %dma_wait3A_839 = tpu.memref_slice %arg4[%sub3A_821, %dma_wait3A_836, %add3A, %dma_wait3A_837, %dma_wait3A_838] : memref<200x8x32x8x128xf32, #tpu.memory_space<hbm>> -> memref<1x8x1x8x128xf32, #tpu.memory_space<hbm>>
        %dma_wait3A_840 = tpu.memref_squeeze %dma_wait3A_839 : memref<1x8x1x8x128xf32, #tpu.memory_space<hbm>> -> memref<8x8x128xf32, #tpu.memory_space<hbm>>
        %dma_wait3A_841 = arith.constant 0 : i32
        %dma_wait3A_842 = arith.constant 0 : i32
        %dma_wait3A_843 = arith.constant 0 : i32
        %dma_wait3A_844 = tpu.memref_slice %arg8[%dma_wait3A_822, %dma_wait3A_841, %dma_wait3A_842, %dma_wait3A_843] : memref<4x8x8x129xf32, #tpu.memory_space<vmem>> -> memref<1x8x8x128xf32, #tpu.memory_space<vmem>>
        %dma_wait3A_845 = tpu.memref_squeeze %dma_wait3A_844 : memref<1x8x8x128xf32, #tpu.memory_space<vmem>> -> memref<8x8x128xf32, #tpu.memory_space<vmem>>
        tpu.wait_dma2 semaphore(%dma_wait3A_835 : memref<!tpu.dma_semaphore, #tpu.memory_space<semaphore_mem>>) src(%dma_wait3A_845 : memref<8x8x128xf32, #tpu.memory_space<vmem>>) dst(%dma_wait3A_840 : memref<8x8x128xf32, #tpu.memory_space<hbm>>)
      } else {
      }
      %parallel_loop3A_793 = arith.constant 0 : i32
      %parallel_loop3A_794 = arith.constant 128 : i32
      %parallel_loop3A_795 = arith.constant 1 : i32
      scf.for %parallel_loop3A_820 = %parallel_loop3A_793 to %parallel_loop3A_794 step %parallel_loop3A_795  : i32 {
        %parallel_loop3A_821 = arith.constant 0 : i32
        %parallel_loop3A_822 = vector.broadcast %parallel_loop3A_821 : i32 to vector<16xi32>
        %parallel_loop3A_823 = vector.broadcast %parallel_loop3A_820 : i32 to vector<16xi32>
        %parallel_loop3A_824 = arith.addi %parallel_loop3A_822, %parallel_loop3A_823 : vector<16xi32>
        %parallel_loop3A_825 = arith.constant 3 : i32
        %parallel_loop3A_826 = arith.index_cast %parallel_loop3A_825 : i32 to index
        %parallel_loop3A_827 = arith.index_cast %parallel_loop3A_820 : i32 to index
        %parallel_loop3A_828 = arith.constant 0 : index
        %parallel_loop3A_829 = tpu.vector_load %arg7[%parallel_loop3A_826, %parallel_loop3A_827, %parallel_loop3A_828] {strides = array<i32>} : memref<4x128x64xf32, #tpu.memory_space<vmem>>, vector<16xf32>,
        %parallel_loop3A_830 = arith.constant 3 : i32
        %parallel_loop3A_831 = arith.constant 0 : i32
        %parallel_loop3A_832 = arith.constant 0 : i32
        %parallel_loop3A_833 = arith.constant 0 : i32
        %parallel_loop3A_834 = tpu.memref_slice %arg8[%parallel_loop3A_830, %parallel_loop3A_831, %parallel_loop3A_832, %parallel_loop3A_833] : memref<4x8x8x129xf32, #tpu.memory_space<vmem>> -> memref<1x8x8x129xf32, #tpu.memory_space<vmem>>
        %parallel_loop3A_835 = tpu.memref_squeeze %parallel_loop3A_834 : memref<1x8x8x129xf32, #tpu.memory_space<vmem>> -> memref<8x8x129xf32, #tpu.memory_space<vmem>>
        tpu.vector_store_idx %parallel_loop3A_835[%select_n3A, %select_n3A_154, %parallel_loop3A_824], %parallel_loop3A_829 : memref<8x8x129xf32, #tpu.memory_space<vmem>>[vector<16xi32>, vector<16xi32>, vector<16xi32>], vector<16xf32>,
        %parallel_loop3A_836 = arith.constant 3 : i32
        %parallel_loop3A_837 = arith.index_cast %parallel_loop3A_836 : i32 to index
        %parallel_loop3A_838 = arith.index_cast %parallel_loop3A_820 : i32 to index
        %parallel_loop3A_839 = arith.constant 16 : index
        %parallel_loop3A_840 = tpu.vector_load %arg7[%parallel_loop3A_837, %parallel_loop3A_838, %parallel_loop3A_839] {strides = array<i32>} : memref<4x128x64xf32, #tpu.memory_space<vmem>>, vector<16xf32>,
        %parallel_loop3A_841 = arith.constant 3 : i32
        %parallel_loop3A_842 = arith.constant 0 : i32
        %parallel_loop3A_843 = arith.constant 0 : i32
        %parallel_loop3A_844 = arith.constant 0 : i32
        %parallel_loop3A_845 = tpu.memref_slice %arg8[%parallel_loop3A_841, %parallel_loop3A_842, %parallel_loop3A_843, %parallel_loop3A_844] : memref<4x8x8x129xf32, #tpu.memory_space<vmem>> -> memref<1x8x8x129xf32, #tpu.memory_space<vmem>>
        %parallel_loop3A_846 = tpu.memref_squeeze %parallel_loop3A_845 : memref<1x8x8x129xf32, #tpu.memory_space<vmem>> -> memref<8x8x129xf32, #tpu.memory_space<vmem>>
        tpu.vector_store_idx %parallel_loop3A_846[%select_n3A_62, %select_n3A_179, %parallel_loop3A_824], %parallel_loop3A_840 : memref<8x8x129xf32, #tpu.memory_space<vmem>>[vector<16xi32>, vector<16xi32>, vector<16xi32>], vector<16xf32>,
        %parallel_loop3A_847 = arith.constant 3 : i32
        %parallel_loop3A_848 = arith.index_cast %parallel_loop3A_847 : i32 to index
        %parallel_loop3A_849 = arith.index_cast %parallel_loop3A_820 : i32 to index
        %parallel_loop3A_850 = arith.constant 32 : index
        %parallel_loop3A_851 = tpu.vector_load %arg7[%parallel_loop3A_848, %parallel_loop3A_849, %parallel_loop3A_850] {strides = array<i32>} : memref<4x128x64xf32, #tpu.memory_space<vmem>>, vector<16xf32>,
        %parallel_loop3A_852 = arith.constant 3 : i32
        %parallel_loop3A_853 = arith.constant 0 : i32
        %parallel_loop3A_854 = arith.constant 0 : i32
        %parallel_loop3A_855 = arith.constant 0 : i32
        %parallel_loop3A_856 = tpu.memref_slice %arg8[%parallel_loop3A_852, %parallel_loop3A_853, %parallel_loop3A_854, %parallel_loop3A_855] : memref<4x8x8x129xf32, #tpu.memory_space<vmem>> -> memref<1x8x8x129xf32, #tpu.memory_space<vmem>>
        %parallel_loop3A_857 = tpu.memref_squeeze %parallel_loop3A_856 : memref<1x8x8x129xf32, #tpu.memory_space<vmem>> -> memref<8x8x129xf32, #tpu.memory_space<vmem>>
        tpu.vector_store_idx %parallel_loop3A_857[%select_n3A_96, %select_n3A_204, %parallel_loop3A_824], %parallel_loop3A_851 : memref<8x8x129xf32, #tpu.memory_space<vmem>>[vector<16xi32>, vector<16xi32>, vector<16xi32>], vector<16xf32>,
        %parallel_loop3A_858 = arith.constant 3 : i32
        %parallel_loop3A_859 = arith.index_cast %parallel_loop3A_858 : i32 to index
        %parallel_loop3A_860 = arith.index_cast %parallel_loop3A_820 : i32 to index
        %parallel_loop3A_861 = arith.constant 48 : index
        %parallel_loop3A_862 = tpu.vector_load %arg7[%parallel_loop3A_859, %parallel_loop3A_860, %parallel_loop3A_861] {strides = array<i32>} : memref<4x128x64xf32, #tpu.memory_space<vmem>>, vector<16xf32>,
        %parallel_loop3A_863 = arith.constant 3 : i32
        %parallel_loop3A_864 = arith.constant 0 : i32
        %parallel_loop3A_865 = arith.constant 0 : i32
        %parallel_loop3A_866 = arith.constant 0 : i32
        %parallel_loop3A_867 = tpu.memref_slice %arg8[%parallel_loop3A_863, %parallel_loop3A_864, %parallel_loop3A_865, %parallel_loop3A_866] : memref<4x8x8x129xf32, #tpu.memory_space<vmem>> -> memref<1x8x8x129xf32, #tpu.memory_space<vmem>>
        %parallel_loop3A_868 = tpu.memref_squeeze %parallel_loop3A_867 : memref<1x8x8x129xf32, #tpu.memory_space<vmem>> -> memref<8x8x129xf32, #tpu.memory_space<vmem>>
        tpu.vector_store_idx %parallel_loop3A_868[%select_n3A_130, %select_n3A_229, %parallel_loop3A_824], %parallel_loop3A_862 : memref<8x8x129xf32, #tpu.memory_space<vmem>>[vector<16xi32>, vector<16xi32>, vector<16xi32>], vector<16xf32>,
      } {sc.loop_unroll_factor = 8 : i64, sc.parallel_access}
      %dma_start3A_796 = arith.constant 3 : i32
      %dma_start3A_797 = arith.constant 3 : i32
      %dma_start3A_798 = arith.constant 0 : i32
      %dma_start3A_799 = arith.constant 0 : i32
      %dma_start3A_800 = arith.constant 0 : i32
      %dma_start3A_801 = tpu.memref_slice %arg8[%dma_start3A_796, %dma_start3A_798, %dma_start3A_799, %dma_start3A_800] : memref<4x8x8x129xf32, #tpu.memory_space<vmem>> -> memref<1x8x8x128xf32, #tpu.memory_space<vmem>>
      %dma_start3A_802 = tpu.memref_squeeze %dma_start3A_801 : memref<1x8x8x128xf32, #tpu.memory_space<vmem>> -> memref<8x8x128xf32, #tpu.memory_space<vmem>>
      %dma_start3A_803 = arith.constant 0 : i32
      %dma_start3A_804 = arith.constant 0 : i32
      %dma_start3A_805 = arith.constant 0 : i32
      %dma_start3A_806 = tpu.memref_slice %arg4[%add3A_724, %dma_start3A_803, %add3A, %dma_start3A_804, %dma_start3A_805] : memref<200x8x32x8x128xf32, #tpu.memory_space<hbm>> -> memref<1x8x1x8x128xf32, #tpu.memory_space<hbm>>
      %dma_start3A_807 = tpu.memref_squeeze %dma_start3A_806 : memref<1x8x1x8x128xf32, #tpu.memory_space<hbm>> -> memref<8x8x128xf32, #tpu.memory_space<hbm>>
      %dma_start3A_808 = tpu.memref_slice %arg10[%dma_start3A_797] : memref<4x!tpu.dma_semaphore, #tpu.memory_space<semaphore_mem>> -> memref<1x!tpu.dma_semaphore, #tpu.memory_space<semaphore_mem>>
      %dma_start3A_809 = tpu.memref_squeeze %dma_start3A_808 : memref<1x!tpu.dma_semaphore, #tpu.memory_space<semaphore_mem>> -> memref<!tpu.dma_semaphore, #tpu.memory_space<semaphore_mem>>
      %dma_start3A_810 = arith.constant 0 : i32
      %dma_start3A_811 = arith.constant 0 : i32
      %dma_start3A_812 = arith.constant 0 : i32
      %dma_start3A_813 = tpu.memref_slice %arg4[%add3A_724, %dma_start3A_810, %add3A, %dma_start3A_811, %dma_start3A_812] : memref<200x8x32x8x128xf32, #tpu.memory_space<hbm>> -> memref<1x8x1x8x128xf32, #tpu.memory_space<hbm>>
      %dma_start3A_814 = tpu.memref_squeeze %dma_start3A_813 : memref<1x8x1x8x128xf32, #tpu.memory_space<hbm>> -> memref<8x8x128xf32, #tpu.memory_space<hbm>>
      %dma_start3A_815 = arith.constant 0 : i32
      %dma_start3A_816 = arith.constant 0 : i32
      %dma_start3A_817 = arith.constant 0 : i32
      %dma_start3A_818 = tpu.memref_slice %arg8[%dma_start3A_796, %dma_start3A_815, %dma_start3A_816, %dma_start3A_817] : memref<4x8x8x129xf32, #tpu.memory_space<vmem>> -> memref<1x8x8x128xf32, #tpu.memory_space<vmem>>
      %dma_start3A_819 = tpu.memref_squeeze %dma_start3A_818 : memref<1x8x8x128xf32, #tpu.memory_space<vmem>> -> memref<8x8x128xf32, #tpu.memory_space<vmem>>
      tpu.enqueue_dma source(%dma_start3A_819 : memref<8x8x128xf32, #tpu.memory_space<vmem>>) target(%dma_start3A_814 : memref<8x8x128xf32, #tpu.memory_space<hbm>>) target_semaphore(%dma_start3A_809 : memref<!tpu.dma_semaphore, #tpu.memory_space<semaphore_mem>>)
    }
    %scan3A_280 = arith.constant 50 : i32
    %dma_wait3A = arith.constant 0 : i32
    %dma_wait3A_281 = arith.constant 196 : i32
    %dma_wait3A_282 = arith.constant 0 : i32
    %dma_wait3A_283 = arith.constant 0 : i32
    %dma_wait3A_284 = arith.constant 0 : i32
    %dma_wait3A_285 = arith.constant 0 : i32
    %dma_wait3A_286 = tpu.memref_slice %arg8[%dma_wait3A, %dma_wait3A_283, %dma_wait3A_284, %dma_wait3A_285] : memref<4x8x8x129xf32, #tpu.memory_space<vmem>> -> memref<1x8x8x128xf32, #tpu.memory_space<vmem>>
    %dma_wait3A_287 = tpu.memref_squeeze %dma_wait3A_286 : memref<1x8x8x128xf32, #tpu.memory_space<vmem>> -> memref<8x8x128xf32, #tpu.memory_space<vmem>>
    %dma_wait3A_288 = arith.constant 0 : i32
    %dma_wait3A_289 = arith.constant 0 : i32
    %dma_wait3A_290 = arith.constant 0 : i32
    %dma_wait3A_291 = tpu.memref_slice %arg4[%dma_wait3A_281, %dma_wait3A_288, %add3A, %dma_wait3A_289, %dma_wait3A_290] : memref<200x8x32x8x128xf32, #tpu.memory_space<hbm>> -> memref<1x8x1x8x128xf32, #tpu.memory_space<hbm>>
    %dma_wait3A_292 = tpu.memref_squeeze %dma_wait3A_291 : memref<1x8x1x8x128xf32, #tpu.memory_space<hbm>> -> memref<8x8x128xf32, #tpu.memory_space<hbm>>
    %dma_wait3A_293 = tpu.memref_slice %arg10[%dma_wait3A_282] : memref<4x!tpu.dma_semaphore, #tpu.memory_space<semaphore_mem>> -> memref<1x!tpu.dma_semaphore, #tpu.memory_space<semaphore_mem>>
    %dma_wait3A_294 = tpu.memref_squeeze %dma_wait3A_293 : memref<1x!tpu.dma_semaphore, #tpu.memory_space<semaphore_mem>> -> memref<!tpu.dma_semaphore, #tpu.memory_space<semaphore_mem>>
    %dma_wait3A_295 = arith.constant 0 : i32
    %dma_wait3A_296 = arith.constant 0 : i32
    %dma_wait3A_297 = arith.constant 0 : i32
    %dma_wait3A_298 = tpu.memref_slice %arg4[%dma_wait3A_281, %dma_wait3A_295, %add3A, %dma_wait3A_296, %dma_wait3A_297] : memref<200x8x32x8x128xf32, #tpu.memory_space<hbm>> -> memref<1x8x1x8x128xf32, #tpu.memory_space<hbm>>
    %dma_wait3A_299 = tpu.memref_squeeze %dma_wait3A_298 : memref<1x8x1x8x128xf32, #tpu.memory_space<hbm>> -> memref<8x8x128xf32, #tpu.memory_space<hbm>>
    %dma_wait3A_300 = arith.constant 0 : i32
    %dma_wait3A_301 = arith.constant 0 : i32
    %dma_wait3A_302 = arith.constant 0 : i32
    %dma_wait3A_303 = tpu.memref_slice %arg8[%dma_wait3A, %dma_wait3A_300, %dma_wait3A_301, %dma_wait3A_302] : memref<4x8x8x129xf32, #tpu.memory_space<vmem>> -> memref<1x8x8x128xf32, #tpu.memory_space<vmem>>
    %dma_wait3A_304 = tpu.memref_squeeze %dma_wait3A_303 : memref<1x8x8x128xf32, #tpu.memory_space<vmem>> -> memref<8x8x128xf32, #tpu.memory_space<vmem>>
    tpu.wait_dma2 semaphore(%dma_wait3A_294 : memref<!tpu.dma_semaphore, #tpu.memory_space<semaphore_mem>>) src(%dma_wait3A_304 : memref<8x8x128xf32, #tpu.memory_space<vmem>>) dst(%dma_wait3A_299 : memref<8x8x128xf32, #tpu.memory_space<hbm>>)
    %dma_wait3A_305 = arith.constant 1 : i32
    %dma_wait3A_306 = arith.constant 197 : i32
    %dma_wait3A_307 = arith.constant 1 : i32
    %dma_wait3A_308 = arith.constant 0 : i32
    %dma_wait3A_309 = arith.constant 0 : i32
    %dma_wait3A_310 = arith.constant 0 : i32
    %dma_wait3A_311 = tpu.memref_slice %arg8[%dma_wait3A_305, %dma_wait3A_308, %dma_wait3A_309, %dma_wait3A_310] : memref<4x8x8x129xf32, #tpu.memory_space<vmem>> -> memref<1x8x8x128xf32, #tpu.memory_space<vmem>>
    %dma_wait3A_312 = tpu.memref_squeeze %dma_wait3A_311 : memref<1x8x8x128xf32, #tpu.memory_space<vmem>> -> memref<8x8x128xf32, #tpu.memory_space<vmem>>
    %dma_wait3A_313 = arith.constant 0 : i32
    %dma_wait3A_314 = arith.constant 0 : i32
    %dma_wait3A_315 = arith.constant 0 : i32
    %dma_wait3A_316 = tpu.memref_slice %arg4[%dma_wait3A_306, %dma_wait3A_313, %add3A, %dma_wait3A_314, %dma_wait3A_315] : memref<200x8x32x8x128xf32, #tpu.memory_space<hbm>> -> memref<1x8x1x8x128xf32, #tpu.memory_space<hbm>>
    %dma_wait3A_317 = tpu.memref_squeeze %dma_wait3A_316 : memref<1x8x1x8x128xf32, #tpu.memory_space<hbm>> -> memref<8x8x128xf32, #tpu.memory_space<hbm>>
    %dma_wait3A_318 = tpu.memref_slice %arg10[%dma_wait3A_307] : memref<4x!tpu.dma_semaphore, #tpu.memory_space<semaphore_mem>> -> memref<1x!tpu.dma_semaphore, #tpu.memory_space<semaphore_mem>>
    %dma_wait3A_319 = tpu.memref_squeeze %dma_wait3A_318 : memref<1x!tpu.dma_semaphore, #tpu.memory_space<semaphore_mem>> -> memref<!tpu.dma_semaphore, #tpu.memory_space<semaphore_mem>>
    %dma_wait3A_320 = arith.constant 0 : i32
    %dma_wait3A_321 = arith.constant 0 : i32
    %dma_wait3A_322 = arith.constant 0 : i32
    %dma_wait3A_323 = tpu.memref_slice %arg4[%dma_wait3A_306, %dma_wait3A_320, %add3A, %dma_wait3A_321, %dma_wait3A_322] : memref<200x8x32x8x128xf32, #tpu.memory_space<hbm>> -> memref<1x8x1x8x128xf32, #tpu.memory_space<hbm>>
    %dma_wait3A_324 = tpu.memref_squeeze %dma_wait3A_323 : memref<1x8x1x8x128xf32, #tpu.memory_space<hbm>> -> memref<8x8x128xf32, #tpu.memory_space<hbm>>
    %dma_wait3A_325 = arith.constant 0 : i32
    %dma_wait3A_326 = arith.constant 0 : i32
    %dma_wait3A_327 = arith.constant 0 : i32
    %dma_wait3A_328 = tpu.memref_slice %arg8[%dma_wait3A_305, %dma_wait3A_325, %dma_wait3A_326, %dma_wait3A_327] : memref<4x8x8x129xf32, #tpu.memory_space<vmem>> -> memref<1x8x8x128xf32, #tpu.memory_space<vmem>>
    %dma_wait3A_329 = tpu.memref_squeeze %dma_wait3A_328 : memref<1x8x8x128xf32, #tpu.memory_space<vmem>> -> memref<8x8x128xf32, #tpu.memory_space<vmem>>
    tpu.wait_dma2 semaphore(%dma_wait3A_319 : memref<!tpu.dma_semaphore, #tpu.memory_space<semaphore_mem>>) src(%dma_wait3A_329 : memref<8x8x128xf32, #tpu.memory_space<vmem>>) dst(%dma_wait3A_324 : memref<8x8x128xf32, #tpu.memory_space<hbm>>)
    %dma_wait3A_330 = arith.constant 2 : i32
    %dma_wait3A_331 = arith.constant 198 : i32
    %dma_wait3A_332 = arith.constant 2 : i32
    %dma_wait3A_333 = arith.constant 0 : i32
    %dma_wait3A_334 = arith.constant 0 : i32
    %dma_wait3A_335 = arith.constant 0 : i32
    %dma_wait3A_336 = tpu.memref_slice %arg8[%dma_wait3A_330, %dma_wait3A_333, %dma_wait3A_334, %dma_wait3A_335] : memref<4x8x8x129xf32, #tpu.memory_space<vmem>> -> memref<1x8x8x128xf32, #tpu.memory_space<vmem>>
    %dma_wait3A_337 = tpu.memref_squeeze %dma_wait3A_336 : memref<1x8x8x128xf32, #tpu.memory_space<vmem>> -> memref<8x8x128xf32, #tpu.memory_space<vmem>>
    %dma_wait3A_338 = arith.constant 0 : i32
    %dma_wait3A_339 = arith.constant 0 : i32
    %dma_wait3A_340 = arith.constant 0 : i32
    %dma_wait3A_341 = tpu.memref_slice %arg4[%dma_wait3A_331, %dma_wait3A_338, %add3A, %dma_wait3A_339, %dma_wait3A_340] : memref<200x8x32x8x128xf32, #tpu.memory_space<hbm>> -> memref<1x8x1x8x128xf32, #tpu.memory_space<hbm>>
    %dma_wait3A_342 = tpu.memref_squeeze %dma_wait3A_341 : memref<1x8x1x8x128xf32, #tpu.memory_space<hbm>> -> memref<8x8x128xf32, #tpu.memory_space<hbm>>
    %dma_wait3A_343 = tpu.memref_slice %arg10[%dma_wait3A_332] : memref<4x!tpu.dma_semaphore, #tpu.memory_space<semaphore_mem>> -> memref<1x!tpu.dma_semaphore, #tpu.memory_space<semaphore_mem>>
    %dma_wait3A_344 = tpu.memref_squeeze %dma_wait3A_343 : memref<1x!tpu.dma_semaphore, #tpu.memory_space<semaphore_mem>> -> memref<!tpu.dma_semaphore, #tpu.memory_space<semaphore_mem>>
    %dma_wait3A_345 = arith.constant 0 : i32
    %dma_wait3A_346 = arith.constant 0 : i32
    %dma_wait3A_347 = arith.constant 0 : i32
    %dma_wait3A_348 = tpu.memref_slice %arg4[%dma_wait3A_331, %dma_wait3A_345, %add3A, %dma_wait3A_346, %dma_wait3A_347] : memref<200x8x32x8x128xf32, #tpu.memory_space<hbm>> -> memref<1x8x1x8x128xf32, #tpu.memory_space<hbm>>
    %dma_wait3A_349 = tpu.memref_squeeze %dma_wait3A_348 : memref<1x8x1x8x128xf32, #tpu.memory_space<hbm>> -> memref<8x8x128xf32, #tpu.memory_space<hbm>>
    %dma_wait3A_350 = arith.constant 0 : i32
    %dma_wait3A_351 = arith.constant 0 : i32
    %dma_wait3A_352 = arith.constant 0 : i32
    %dma_wait3A_353 = tpu.memref_slice %arg8[%dma_wait3A_330, %dma_wait3A_350, %dma_wait3A_351, %dma_wait3A_352] : memref<4x8x8x129xf32, #tpu.memory_space<vmem>> -> memref<1x8x8x128xf32, #tpu.memory_space<vmem>>
    %dma_wait3A_354 = tpu.memref_squeeze %dma_wait3A_353 : memref<1x8x8x128xf32, #tpu.memory_space<vmem>> -> memref<8x8x128xf32, #tpu.memory_space<vmem>>
    tpu.wait_dma2 semaphore(%dma_wait3A_344 : memref<!tpu.dma_semaphore, #tpu.memory_space<semaphore_mem>>) src(%dma_wait3A_354 : memref<8x8x128xf32, #tpu.memory_space<vmem>>) dst(%dma_wait3A_349 : memref<8x8x128xf32, #tpu.memory_space<hbm>>)
    %dma_wait3A_355 = arith.constant 3 : i32
    %dma_wait3A_356 = arith.constant 199 : i32
    %dma_wait3A_357 = arith.constant 3 : i32
    %dma_wait3A_358 = arith.constant 0 : i32
    %dma_wait3A_359 = arith.constant 0 : i32
    %dma_wait3A_360 = arith.constant 0 : i32
    %dma_wait3A_361 = tpu.memref_slice %arg8[%dma_wait3A_355, %dma_wait3A_358, %dma_wait3A_359, %dma_wait3A_360] : memref<4x8x8x129xf32, #tpu.memory_space<vmem>> -> memref<1x8x8x128xf32, #tpu.memory_space<vmem>>
    %dma_wait3A_362 = tpu.memref_squeeze %dma_wait3A_361 : memref<1x8x8x128xf32, #tpu.memory_space<vmem>> -> memref<8x8x128xf32, #tpu.memory_space<vmem>>
    %dma_wait3A_363 = arith.constant 0 : i32
    %dma_wait3A_364 = arith.constant 0 : i32
    %dma_wait3A_365 = arith.constant 0 : i32
    %dma_wait3A_366 = tpu.memref_slice %arg4[%dma_wait3A_356, %dma_wait3A_363, %add3A, %dma_wait3A_364, %dma_wait3A_365] : memref<200x8x32x8x128xf32, #tpu.memory_space<hbm>> -> memref<1x8x1x8x128xf32, #tpu.memory_space<hbm>>
    %dma_wait3A_367 = tpu.memref_squeeze %dma_wait3A_366 : memref<1x8x1x8x128xf32, #tpu.memory_space<hbm>> -> memref<8x8x128xf32, #tpu.memory_space<hbm>>
    %dma_wait3A_368 = tpu.memref_slice %arg10[%dma_wait3A_357] : memref<4x!tpu.dma_semaphore, #tpu.memory_space<semaphore_mem>> -> memref<1x!tpu.dma_semaphore, #tpu.memory_space<semaphore_mem>>
    %dma_wait3A_369 = tpu.memref_squeeze %dma_wait3A_368 : memref<1x!tpu.dma_semaphore, #tpu.memory_space<semaphore_mem>> -> memref<!tpu.dma_semaphore, #tpu.memory_space<semaphore_mem>>
    %dma_wait3A_370 = arith.constant 0 : i32
    %dma_wait3A_371 = arith.constant 0 : i32
    %dma_wait3A_372 = arith.constant 0 : i32
    %dma_wait3A_373 = tpu.memref_slice %arg4[%dma_wait3A_356, %dma_wait3A_370, %add3A, %dma_wait3A_371, %dma_wait3A_372] : memref<200x8x32x8x128xf32, #tpu.memory_space<hbm>> -> memref<1x8x1x8x128xf32, #tpu.memory_space<hbm>>
    %dma_wait3A_374 = tpu.memref_squeeze %dma_wait3A_373 : memref<1x8x1x8x128xf32, #tpu.memory_space<hbm>> -> memref<8x8x128xf32, #tpu.memory_space<hbm>>
    %dma_wait3A_375 = arith.constant 0 : i32
    %dma_wait3A_376 = arith.constant 0 : i32
    %dma_wait3A_377 = arith.constant 0 : i32
    %dma_wait3A_378 = tpu.memref_slice %arg8[%dma_wait3A_355, %dma_wait3A_375, %dma_wait3A_376, %dma_wait3A_377] : memref<4x8x8x129xf32, #tpu.memory_space<vmem>> -> memref<1x8x8x128xf32, #tpu.memory_space<vmem>>
    %dma_wait3A_379 = tpu.memref_squeeze %dma_wait3A_378 : memref<1x8x8x128xf32, #tpu.memory_space<vmem>> -> memref<8x8x128xf32, #tpu.memory_space<vmem>>
    tpu.wait_dma2 semaphore(%dma_wait3A_369 : memref<!tpu.dma_semaphore, #tpu.memory_space<semaphore_mem>>) src(%dma_wait3A_379 : memref<8x8x128xf32, #tpu.memory_space<vmem>>) dst(%dma_wait3A_374 : memref<8x8x128xf32, #tpu.memory_space<hbm>>)
    return
  }
}

module attributes {stable_mosaic.version = 14 : i64} {
  func.func @_table_body(%arg0: memref<32x1000xf32, #tpu.memory_space<vmem>>, %arg1: memref<1000xf32, #tpu.memory_space<vmem>>, %arg2: memref<1x32xf32, #tpu.memory_space<vmem>>, %arg3: memref<1x32xf32, #tpu.memory_space<vmem>>, %arg4: memref<32x32xf32, #tpu.memory_space<vmem>>, %arg5: memref<1x32xf32, #tpu.memory_space<vmem>>, %arg6: memref<1000x64xf32, #tpu.memory_space<vmem>>) attributes {dimension_semantics = [], scalar_prefetch = 0 : i64, scratch_operands = 0 : i64, tpu.core_type = #tpu.core_type<tc>} {
    %get3A = arith.constant 0 : index
    %get3A_0 = vector.load %arg1[%get3A] : memref<1000xf32, #tpu.memory_space<vmem>>, vector<1000xf32>
    %reshape3A = vector.shape_cast %get3A_0 : vector<1000xf32> to vector<1000x1xf32>
    %reduce_max3A = vector.shape_cast %reshape3A : vector<1000x1xf32> to vector<1x1000x1xf32>
    %reduce_max3A_1 = arith.constant dense<0xFF800000> : vector<1xf32>
    %reduce_max3A_2 = vector.multi_reduction <maximumf>, %reduce_max3A, %reduce_max3A_1 [1, 2] : vector<1x1000x1xf32> to vector<1xf32>
    %reduce_max3A_3 = vector.shape_cast %reduce_max3A_2 : vector<1xf32> to vector<1x1x1xf32>
    %reduce_max3A_4 = vector.extract %reduce_max3A_3[0, 0, 0] : f32 from vector<1x1x1xf32>
    %add3A = arith.constant 9.99999997E-7 : f32
    %add3A_5 = arith.addf %reduce_max3A_4, %add3A : f32
    %div3A = vector.broadcast %add3A_5 : f32 to vector<1000x1xf32>
    %div3A_6 = arith.divf %reshape3A, %div3A : vector<1000x1xf32>
    %get3A_7 = arith.constant 0 : index
    %get3A_8 = arith.constant 0 : index
    %get3A_9 = vector.load %arg2[%get3A_7, %get3A_8] : memref<1x32xf32, #tpu.memory_space<vmem>>, vector<1x32xf32>
    %mul3A = vector.broadcast %div3A_6 : vector<1000x1xf32> to vector<1000x32xf32>
    %mul3A_10 = vector.broadcast %get3A_9 : vector<1x32xf32> to vector<1000x32xf32>
    %mul3A_11 = arith.mulf %mul3A, %mul3A_10 : vector<1000x32xf32>
    %get3A_12 = arith.constant 0 : index
    %get3A_13 = arith.constant 0 : index
    %get3A_14 = vector.load %arg3[%get3A_12, %get3A_13] : memref<1x32xf32, #tpu.memory_space<vmem>>, vector<1x32xf32>
    %add3A_15 = vector.broadcast %get3A_14 : vector<1x32xf32> to vector<1000x32xf32>
    %add3A_16 = arith.addf %mul3A_11, %add3A_15 : vector<1000x32xf32>
    %max3A = arith.constant 0.000000e+00 : f32
    %max3A_17 = vector.broadcast %max3A : f32 to vector<1000x32xf32>
    %max3A_18 = arith.maximumf %add3A_16, %max3A_17 : vector<1000x32xf32>
    %get3A_19 = arith.constant 0 : index
    %get3A_20 = arith.constant 0 : index
    %get3A_21 = vector.load %arg4[%get3A_19, %get3A_20] : memref<32x32xf32, #tpu.memory_space<vmem>>, vector<32x32xf32>
    %transpose3A = tpu.transpose %get3A_21, [1, 0] : vector<32x32xf32> -> vector<32x32xf32>
    %dot_general3A = arith.constant dense<0.000000e+00> : vector<1000x32xf32>
    %dot_general3A_22 = tpu.matmul %max3A_18, %transpose3A, %dot_general3A {dimension_numbers = #tpu.dot_dimension_numbers<[1], [0], [0], [1], [0, 0, 1, 1], [], []>, transpose_lhs_hint = false} : vector<1000x32xf32>, vector<32x32xf32>, vector<1000x32xf32> -> vector<1000x32xf32>
    %get3A_23 = arith.constant 0 : index
    %get3A_24 = arith.constant 0 : index
    %get3A_25 = vector.load %arg5[%get3A_23, %get3A_24] : memref<1x32xf32, #tpu.memory_space<vmem>>, vector<1x32xf32>
    %add3A_26 = vector.broadcast %get3A_25 : vector<1x32xf32> to vector<1000x32xf32>
    %add3A_27 = arith.addf %dot_general3A_22, %add3A_26 : vector<1000x32xf32>
    %get3A_28 = arith.constant 0 : index
    %get3A_29 = arith.constant 0 : index
    %get3A_30 = vector.load %arg0[%get3A_28, %get3A_29] : memref<32x1000xf32, #tpu.memory_space<vmem>>, vector<32x1000xf32>
    %transpose3A_31 = tpu.transpose %get3A_30, [1, 0] : vector<32x1000xf32> -> vector<1000x32xf32>
    %swap3A = arith.constant 0 : index
    %swap3A_32 = arith.constant 0 : index
    %swap3A_33 = vector.load %arg6[%swap3A, %swap3A_32] : memref<1000x64xf32, #tpu.memory_space<vmem>>, vector<1000x32xf32>
    tpu.vector_store %arg6[%swap3A, %swap3A_32], %transpose3A_31 {strides = array<i32>} : memref<1000x64xf32, #tpu.memory_space<vmem>>, vector<1000x32xf32>,
    %swap3A_34 = arith.constant 0 : index
    %swap3A_35 = arith.constant 32 : index
    %swap3A_36 = vector.load %arg6[%swap3A_34, %swap3A_35] : memref<1000x64xf32, #tpu.memory_space<vmem>>, vector<1000x32xf32>
    tpu.vector_store %arg6[%swap3A_34, %swap3A_35], %add3A_27 {strides = array<i32>} : memref<1000x64xf32, #tpu.memory_space<vmem>>, vector<1000x32xf32>,
    return
  }
}

</mosaic_0001>

<sc_bundles>
// kernel: kernel.4.cloned.1.call-start
scs
__scs_entry_jumppad:
0x0: {  	(pc) =	sbr.rel $0x88, $3  }
0x1: {  	(tag) =	ssettag $0x0;
	lr =	simm.s32 $0x1  }
0x2: {  	[smem:$0x3F9A] =	sst lr;
	_ =	strace $0xD0000000  }
0x3: {  	_ = 	snop  }
0x4: {  	_ = 	snop  }
0x5: {  	_ = 	snop  }
0x6: {  	_ = 	snop  }
0x7: {  	_ = 	snop  }
__scs_overlays_trampoline_lowered:
0x8: {  	[smem:$0x3FA9] =	sst s0  }
0x9: {  	[smem:$0x3FAA] =	sst s1  }
0xa: {  	[smem:$0x3FAB] =	sst s2  }
0xb: {  	[smem:$0x3FAC] =	sst s3  }
0xc: {  	[smem:$0x3FAD] =	sst s4  }
0xd: {  	[smem:$0x3FAE] =	sst s5  }
0xe: {  	[smem:$0x3FAF] =	sst s6  }
0xf: {  	[smem:$0x3FB0] =	sst s7  }
0x10: {  	[smem:$0x3FB1] =	sst s8  }
0x11: {  	[smem:$0x3FB2] =	sst s9;
	s0 =	simm.s32 @!p0 $0x0  }
0x12: {  	s1 =	sld [smem:$0x3F98];
	s0 =	simm.s32 @p0 $0x1  }
0x13: {  	[smem:$0x3FB3] =	sst s0;
	s0 =	simm.s32 @!p1 $0x0  }
0x14: {  	s2 =	sld [smem:$0x3F97];
	s0 =	simm.s32 @p1 $0x1  }
0x15: {  	[smem:$0x3FB4] =	sst s0;
	s0 =	simm.s32 @!p2 $0x0  }
0x16: {  	s3 =	sld [smem:$0x3FDB];
	s0 =	simm.s32 @p2 $0x1  }
0x17: {  	s4 =	simm.s32 $0x1BF5;
	[smem:$0x3FB6] =	sst s0  }
0x18: {  	s0 =	sld [smem:$0x3F99];
	_ =	swait.ge [sflag:s4], $0x0  }
0x19: {  	s7 =	sld [smem:$0x3F9A]  }
0x1a: {  	s8 =	sadd.s32 $0xFFFFE003, lr  }
0x1b: {  	s9 =	sadd.s32 $0xFFFFFEF7, lr;
	s5 =	simm.s32 $0xFFFFFFFF;
	p2 =	slt.u32 s8, $0xFFFFF086  }
0x1c: {  	p1 =	slt.u32 s9, $0xF7A;
	s5 =	simm.s32 @!p2 $0x0  }
0x1d: {  	s5 =	simm.s32 @p1 $0x1;
	p0 =	seq.s32 s7, s2  }
0x1e: {  	s7 =	smul.u32 @!p0 $0xF7A, s2;
	p2 =	seq.s32 @!p0 s5, $0x0  }
0x1f: {  	s9 =	smul.u32 $0xF7A, s1;
	s8 =	simm.s32 @!p0 $0x1BF5;
	p2 =	por !p2, p0  }
0x20: {  	[sflag:s8] =	ssyncset.s32 @!p0 $0xFFFFF086;
	s6 =	sadd.s32 @!p0 s3, s7;
	s7 =	simm.s32 @!p0 $0x108  }
0x21: {  	s3 =	sadd.s32 s3, s9;
	s6 =	sadd.s32 @!p0 $0x88, s6;
	s7 =	simm.s32 @p2 $0x1082  }
0x22: {  	[simem:s7], [sflag:s8] =	dma.local @!p0 [hbm:s6], $0xF7A  }
0x23: {  	s9 =	sor.u32 $0xD0000000, s2;
	s6 =	simm.s32 $0x108;
	_ =	swait.ge @!p0 [sflag:s8], $0x0  }
0x24: {  	s3 =	sadd.s32 $0x88, s3;
	s6 =	simm.s32 @!p1 $0x1082;
	[sflag:s4] =	ssyncset.s32 $0xFFFFF086  }
0x25: {  	[simem:s6], [sflag:s4] =	dma.local [hbm:s3], $0xF7A  }
0x26: {  	[smem:$0x3F9A] =	sst s1;
	(tag) =	ssettag s2;
	_ =	strace s9  }
0x27: {  	s1 =	sld [smem:$0x3FAA]  }
0x28: {  	s2 =	sld [smem:$0x3FAB]  }
0x29: {  	s4 =	sld [smem:$0x3FAD]  }
0x2a: {  	p0 =	seq.s32 s5, $0x0;
	s5 =	sld [smem:$0x3FAE]  }
0x2b: {  	s6 =	sld [smem:$0x3FAF]  }
0x2c: {  	s7 =	sld [smem:$0x3FB0]  }
0x2d: {  	s3 =	simm.s32 $0x108;
	s8 =	sld [smem:$0x3FB1]  }
0x2e: {  	s3 =	simm.s32 @!p0 $0x1082;
	s9 =	sld [smem:$0x3FB2]  }
0x2f: {  	lr =	sadd.s32 s0, s3;
	s0 =	sld [smem:$0x3FA9]  }
0x30: {  	s3 =	sld [smem:$0x3FAC]  }
0x31: {  	[smem:$0x3FB5] =	sst s10  }
0x32: {  	s10 =	sld [smem:$0x3FB3];
	_ =	sdelay $0x3  }
0x33: {  	p0 =	seq.s32 s10, $0x1;
	s10 =	sld [smem:$0x3FB5];
	_ =	sdelay $0x3  }
0x34: {  	[smem:$0x3FB5] =	sst s10  }
0x35: {  	s10 =	sld [smem:$0x3FB4];
	_ =	sdelay $0x3  }
0x36: {  	p1 =	seq.s32 s10, $0x1;
	s10 =	sld [smem:$0x3FB5];
	_ =	sdelay $0x3  }
0x37: {  	[smem:$0x3FB5] =	sst s10  }
0x38: {  	s10 =	sld [smem:$0x3FB6]  }
0x39: {  	_ = 	snop;
	(pc) =	sbr.ind lr, $3  }
0x3a: {  	_ = 	snop  }
0x3b: {  	_ = 	snop  }
0x3c: {  	p2 =	seq.s32 s10, $0x1;
	s10 =	sld [smem:$0x3FB5]  }
0x3d: {  	_ =	shalt  }
0x3e: {  	_ =	shalt  }
0x3f: {  	_ =	shalt  }
0x40: {  	_ =	shalt  }
0x41: {  	_ =	shalt  }
0x42: {  	_ =	shalt  }
0x43: {  	_ =	shalt  }
0x44: {  	_ =	shalt  }
0x45: {  	_ =	shalt  }
0x46: {  	_ =	shalt  }
0x47: {  	_ =	shalt  }
0x48: {  	_ =	shalt  }
0x49: {  	_ =	shalt  }
0x4a: {  	_ =	shalt  }
0x4b: {  	_ =	shalt  }
0x4c: {  	_ =	shalt  }
0x4d: {  	_ =	shalt  }
0x4e: {  	_ =	shalt  }
0x4f: {  	_ =	shalt  }
0x50: {  	_ =	shalt  }
0x51: {  	_ =	shalt  }
0x52: {  	_ =	shalt  }
0x53: {  	_ =	shalt  }
0x54: {  	_ =	shalt  }
0x55: {  	_ =	shalt  }
0x56: {  	_ =	shalt  }
0x57: {  	_ =	shalt  }
0x58: {  	_ =	shalt  }
0x59: {  	_ =	shalt  }
0x5a: {  	_ =	shalt  }
0x5b: {  	_ =	shalt  }
0x5c: {  	_ =	shalt  }
0x5d: {  	_ =	shalt  }
0x5e: {  	_ =	shalt  }
0x5f: {  	_ =	shalt  }
0x60: {  	_ =	shalt  }
0x61: {  	_ =	shalt  }
0x62: {  	_ =	shalt  }
0x63: {  	_ =	shalt  }
0x64: {  	_ =	shalt  }
0x65: {  	_ =	shalt  }
0x66: {  	_ =	shalt  }
0x67: {  	_ =	shalt  }
0x68: {  	_ =	shalt  }
0x69: {  	_ =	shalt  }
0x6a: {  	_ =	shalt  }
0x6b: {  	_ =	shalt  }
0x6c: {  	_ =	shalt  }
0x6d: {  	_ =	shalt  }
0x6e: {  	_ =	shalt  }
0x6f: {  	_ =	shalt  }
0x70: {  	_ =	shalt  }
0x71: {  	_ =	shalt  }
0x72: {  	_ =	shalt  }
0x73: {  	_ =	shalt  }
0x74: {  	_ =	shalt  }
0x75: {  	_ =	shalt  }
0x76: {  	_ =	shalt  }
0x77: {  	_ =	shalt  }
0x78: {  	_ =	shalt  }
0x79: {  	_ =	shalt  }
0x7a: {  	_ =	shalt  }
0x7b: {  	_ =	shalt  }
0x7c: {  	_ =	shalt  }
0x7d: {  	_ =	shalt  }
0x7e: {  	_ =	shalt  }
0x7f: {  	_ =	shalt  }
0x80: {  	_ =	shalt  }
0x81: {  	_ =	shalt  }
0x82: {  	_ =	shalt  }
0x83: {  	_ =	shalt  }
0x84: {  	_ =	shalt  }
0x85: {  	_ =	shalt  }
0x86: {  	_ =	shalt  }
0x87: {  	_ =	shalt  }
.Lfunc_end0:
.L_simem_size_0:
called_computation_lowered:
.L_overlay_start_0:
0x88: {  	s2 =	sld [smem:$0x3FD9]  }
0x89: {  	s3 =	sld [smem:$0x3FFE];
	_ =	sdelay $0x1  }
0x8a: {  	s1 =	srdreg.scid  }
0x8b: {  	s0 =	sand.u32 $0x1, s1  }
0x8c: {  	s17 =	sshll.u32 s0, $0xA;
	s2 =	sadd.s32 s3, s2  }
0x8d: {  	s2 =	sadd.s32 s2, s17  }
0x8e: {  	[smem:$0x3FC1] =	sst s2  }
0x8f: {  	_ = 	snop  }
0x90: {  	s2 =	sld [smem:$0x3FC9]  }
0x91: {  	s18 =	sld [smem:$0x3FD0];
	(tm) =	ssettm $0x1  }
0x92: {  	s4 =	sld [smem:$0x3FFB];
	_ =	sdelay $0x3  }
0x93: {  	_ =	strace s4  }
0x94: {  	s4 =	sld [smem:$0x3FFC];
	_ =	sdelay $0x3  }
0x95: {  	_ =	strace s4  }
0x96: {  	s4 =	sld [smem:$0x3FFD];
	_ =	sdelay $0x3  }
0x97: {  	_ =	strace s4  }
0x98: {  	_ =	strace $0x8FFFFFFF  }
0x99: {  	s19 =	sld [smem:$0x3FDB];
	_ =	sdelay $0x1  }
0x9a: {  	s5 =	simm.s32 $_scs_section_size  }
0x9b: {  	s6 =	simm.s32 $_size__tile_overlayer_lowered;
	s7 =	simm.s32 $_tile_overlayer_lowered  }
0x9c: {  	s22 =	simm.s32 $0x1BFF;
	s21 =	sshll.u32 s7, $0x1;
	s4 =	sadd.s32 s5, s19  }
0x9d: {  	s8 =	simm.s32 $0x0;
	s20 =	sshll.u32 s6, $0x1;
	s6 =	sadd.s32 s21, s4  }
0x9e: {  	[timem:s8], [sflag:s22] =	dma.local [hbm:s6], s20  }
0x9f: {  	_ =	swait.ge [sflag:s22], s20  }
0xa0: {  	s5 =	ssub.s32 $0x0, s20;
	[sflag:s22] =	ssyncset.done $0x0  }
0xa1: {  	[sflag:s22] =	ssyncadd.s32 s5;
	_ =	sdelay $0x1  }
0xa2: {  	s23 =	simm.s32 $0x1B8B  }
0xa3: {  	_ =	swait.ge [sflag:s23], $0x1  }
0xa4: {  	[sflag:s23] =	ssyncset.done $0x0  }
0xa5: {  	s25 =	simm.s32 $0x1B8E;
	s24 =	sld [smem:$0x3FFE];
	[sflag:s23] =	ssyncadd.s32 $0xFFFFFFFF  }
0xa6: {  	s26 =	simm.s32 $execute0_lowered;
	[smem:$0x3FD2] =	sst s25  }
0xa7: {  	s6 =	sshll.u32 s26, $0x1;
	_ =	strace $0x80000046;
	[dreg:$0x1] =	wrdreg $0xFFFFFFFF  }
0xa8: {  	s28 =	simm.s32 $_size_execute0_lowered;
	s4 =	sadd.s32 s4, s6;
	[dreg:$0x0] =	wrdreg $0x0  }
0xa9: {  	s6 =	sshll.u32 s28, $0x1;
	[dreg:$0x2] =	wrdreg s4  }
0xaa: {  	[dreg:$0x3] =	wrdreg s6  }
0xab: {  	[dreg:$0x4] =	wrdreg $0xC0  }
0xac: {  	_ =	task [dreg:s8], $0x5FFFF  }
0xad: {  	[dreg:$0x1] =	wrdreg $0xFFFFFFFF  }
0xae: {  	[dreg:$0x0] =	wrdreg $0x60  }
0xaf: {  	[dreg:$0x2] =	wrdreg s24  }
0xb0: {  	[dreg:$0x3] =	wrdreg s2  }
0xb1: {  	[dreg:$0x4] =	wrdreg s18  }
0xb2: {  	[dreg:$0x5] =	wrdreg $0x0  }
0xb3: {  	[dreg:$0x6] =	wrdreg $0x9  }
0xb4: {  	_ =	task.clear_ibuf [dreg:s8], $0x7FFFF;
	_ =	strace $0x90000046  }
0xb5: {  	s29 =	simm.s32 $0x9;
	_ =	strace $0x80000048  }
0xb6: {  	_ =	swait.ge [sflag:s29], $0x1  }
0xb7: {  	[sflag:s29] =	ssyncadd.s32 $0xFFFFFFFF  }
0xb8: {  	_ =	strace $0x90000048  }
0xb9: {  	_ =	sfence  }
0xba: {  	s30 =	sld [smem:$0x0];
	_ =	sdelay $0x2  }
0xbb: {  	s31 =	sshll.u32 s1, $0xD;
	s1 =	sshrl.u32 s1, $0x2  }
0xbc: {  	s3 =	sand.u32 $0x4000, s31;
	s1 =	sadd.s32 s1, s30  }
0xbd: {  	s0 =	sor.u32 s3, s0;
	s1 =	sshll.u32 s1, $0x11  }
0xbe: {  	s0 =	sor.u32 s1, s0  }
0xbf: {  	s0 =	sadd.s32 $0x8F2B, s0  }
0xc0: {  	[sflag:s0] =	ssyncadd.remote.s32 $0x1  }
0xc1: {  	_ =	sfence.sel $0xFFFF  }
0xc2: {  	[dreg:$0x0] =	wrdreg $0xFFFFFFFF;
	(pc) =	sbr.abs _section_cstart, $3  }
0xc3: {  	[dreg:$0x1] =	wrdreg $0xFFFFFFFF  }
0xc4: {  	_ =	task.clear_ibuf [dreg:s8], $0x2FFFF;
	_ =	strace $0x9FFFFFFF  }
0xc5: {  	(tm) =	ssettm $0x7FFFFFFF  }
tec
execute0_lowered:
.L_overlay_start_1:
0x0: {  	(tag) =	ssettag $0x1  }
0x1: {  	s0 =	rddreg [dreg:$0x0]  }
0x2: {  	s5 =	rddreg [dreg:$0x1]  }
0x3: {  	s1 =	rddreg [dreg:$0x2]  }
0x4: {  	s2 =	rddreg [dreg:$0x3];
	v0 =	vlaneseq.u32  }
0x5: {  	s3 =	simm.s32 $0x0;
	s4 =	srdreg.scid;
	s6 =	stileid.u32;
	v0 =	vmul.u32 $0x88, v0  }
0x6: {  	v1 =	vimm.s32 $0x0;
	vm0 =	vcmask $0x300;
	s15 =	simm.s32 $0x80;
	s21 =	simm.s32 $0x1;
	s22 =	simm.s32 $0xD3A0  }
0x7: {  	s23 =	simm.s32 $0xF3A0;
	s24 =	simm.s32 $0x2;
	s28 =	simm.s32 $0x137A0;
	v1 =	vsel vm0, $0x3, v1;
	v2 =	vadd.s32 $0x880, v0  }
0x8: {  	s29 =	simm.s32 $0x4;
	s30 =	simm.s32 $0x159A0;
	s31 =	simm.s32 $0x5;
	v3 =	vadd.s32 $0x1100, v0;
	v4 =	vadd.s32 $0x1980, v0;
	v5 =	vor.u32 $0x1, v0  }
0x9: {  	s11 =	simm.s32 $0x7;
	s12 =	simm.s32 $0x8;
	s16 =	simm.s32 $0x0;
	v6 =	vadd.s32 $0x881, v0;
	v7 =	vadd.s32 $0x1101, v0;
	v8 =	vadd.s32 $0x1981, v0  }
0xa: {  	[smem:$0x7FF] =	sst s3;
	s4 =	sand.u32 $0x1, s4;
	s8 =	sshll.u32 s6, $0xB;
	v9 =	vor.u32 $0x2, v0;
	v10 =	vadd.s32 $0x882, v0;
	v11 =	vadd.s32 $0x1102, v0  }
0xb: {  	s0 =	sadd.s32 $0x1000, s0;
	s7 =	ssub.s32 $0x2, s4;
	s4 =	sshll.u32 s4, $0xA;
	v12 =	vadd.s32 $0x1982, v0;
	v13 =	vor.u32 $0x3, v0;
	v14 =	vadd.s32 $0x883, v0  }
0xc: {  	p0 =	sne.s32 s6, $0x0;
	_ =	strace $0x80000047;
	s4 =	sor.u32 s4, s8;
	v15 =	vadd.s32 $0x1103, v0;
	v16 =	vadd.s32 $0x1983, v0;
	v17 =	vor.u32 $0x4, v0  }
0xd: {  	[dreg:$0x5] =	wrdreg s0;
	s9 =	sshrl.u32 s7, $0x1;
	v18 =	vadd.s32 $0x884, v0;
	v19 =	vadd.s32 $0x1104, v0;
	v20 =	vadd.s32 $0x1984, v0;
	s26 =	sshrl.u32 s4, $0x3  }
0xe: {  	s8 =	sadd.s32 $0x10000, s1;
	v21 =	vor.u32 $0x5, v0;
	v22 =	vadd.s32 $0x885, v0;
	v23 =	vadd.s32 $0x1105, v0;
	s25 =	ssub.s32 s7, s9;
	s5 =	sadd.s32 s5, s26  }
0xf: {  	v24 =	vadd.s32 $0x1985, v0;
	v25 =	vor.u32 $0x6, v0;
	v26 =	vadd.s32 $0x886, v0;
	s7 =	sadd.s32 $0x8000, s1;
	s0 =	smax.u32 s25, $0x1;
	[dreg:$0x6] =	wrdreg s5  }
0x10: {  	v27 =	vadd.s32 $0x1106, v0;
	v28 =	vadd.s32 $0x1986, v0;
	v29 =	vor.u32 $0x7, v0;
	s25 =	simm.s32 $0x115A0;
	[dreg:$0x7] =	wrdreg s0;
	s0 =	sshrl.u32 @!p0 s2, $0x3  }
0x11: {  	v30 =	vadd.s32 $0x887, v0;
	v31 =	vadd.s32 $0x1107, v0;
	v32 =	vadd.s32 $0x1987, v0;
	s26 =	simm.s32 $0x3;
	[dreg:$0x8] =	wrdreg s0;
	s0 =	simm.s32 $0x6  }
.LBB2_1:
0x12: {  	s6 =	rddreg [dreg:$0x5]  }
0x13: {  	s5 =	simm.s32 @!p0 $0x1C09;
	s9 =	rddreg [dreg:$0x8]  }
0x14: {  	[spmem:s9], [sflag:s5] =	dma.local @!p0 [hbm:s6], $0x1F40  }
0x15: {  	s5 =	simm.s32 @!p0 $0x9  }
0x16: {  	s19 =	simm.s32 $0x400;
	_ =	swait.ge @!p0 [sflag:s5], $0x1F40  }
0x17: {  	s20 =	simm.s32 $0x8000;
	s10 =	simm.s32 $0xFA0;
	[sflag:s5] =	ssyncset.done @!p0 $0x0  }
0x18: {  	s13 =	simm.s32 $0x9;
	s18 =	rddreg [dreg:$0x6];
	[sflag:s5] =	ssyncadd.s32 @!p0 $0xFFFFE0C0  }
0x19: {  	[tilespmem:s10], [sflag:$0x9] =	stream.strided.gather [hbm4b:s18+s19], $0x6400, s20, s19, $0x38;
	[tilespmem:$0x17BA0] =	vst v63  }
0x1a: {  	_ =	swait.ge [sflag:s13], $0x6400  }
0x1b: {  	[sflag:s13] =	ssyncset.done $0x0  }
0x1c: {  	[sflag:s13] =	ssyncadd.s32 $0xFFFF9C00  }
0x1d: {  	s14 =	simm.s32 $0x73A0;
	[bflag:$0x0] =	sbarrier.arrive $0xFFFF  }
0x1e: {  	[tilespmem:s14], [sflag:$0x1] =	stream.indirect.gather [spmem:s2], $0x40, s10, s15, $0xb8;
	[tilespmem:$0x17BA0] =	vst v63  }
0x1f: {  	s17 =	simm.s32 $0x1020;
	s18 =	simm.s32 $0x93A0  }
0x20: {  	[tilespmem:s18], [sflag:$0x2] =	stream.indirect.gather [spmem:s2], $0x40, s17, s15, $0xb8;
	[tilespmem:$0x17BA0] =	vst v63  }
0x21: {  	s19 =	simm.s32 $0x10A0;
	s20 =	simm.s32 $0xB3A0;
	s17 =	simm.s32 $0x0  }
0x22: {  	[tilespmem:s20], [sflag:$0x3] =	stream.indirect.gather [spmem:s2], $0x40, s19, s15, $0xb8;
	[tilespmem:$0x17BA0] =	vst v63  }
.LBB2_2:
0x23: {  	s18 =	sshllo.u32 s17, $0x2;
	s6 =	sshll.u32 s17, $0x9  }
0x24: {  	_ =	swait.ge [sflag:s21], $0x2000;
	s10 =	simm.s32 $0x0;
	s13 =	simm.s32 $0x1  }
0x25: {  	s14 =	simm.s32 $0x2;
	s19 =	simm.s32 $0x3;
	s20 =	simm.s32 $0x4  }
0x26: {  	s9 =	simm.s32 $0x7;
	p1 =	seq.s32 s17, $0x0;
	s5 =	sshll.u32 s18, $0x7  }
0x27: {  	s6 =	sand.u32 $0x7C00, s6;
	[sflag:s21] =	ssyncset.done $0x0;
	v33 =	vmov s10;
	v34 =	vmov s13;
	v35 =	vmov s14;
	s5 =	sand.u32 $0x380, s5  }
0x28: {  	v36 =	vmov s19;
	s10 =	simm.s32 $0x5;
	v37 =	vmov s20;
	v38 =	vmov s9;
	s13 =	simm.s32 $0x6;
	s5 =	sor.u32 s5, s6  }
0x29: {  	[sflag:s21] =	ssyncadd.s32 $0xFFFFE000;
	v33 =	vshrl.u32 v33, $0x3;
	v39 =	vmov s10;
	v38 =	vshrl.u32 v38, $0x3;
	s6 =	simm.s32 @!p1 $0x5;
	s5 =	sadd.s32 $0xFA0, s5  }
0x2a: {  	v40 =	vmov s13;
	v34 =	vshrl.u32 v34, $0x3;
	v35 =	vshrl.u32 v35, $0x3;
	[tilespmem:s22], [sflag:$0x4] =	stream.indirect.gather [spmem:s2], $0x40, s5, s15, $0xb8;
	[tilespmem:$0x17BA0] =	vst v63  }
0x2b: {  	v36 =	vshrl.u32 v36, $0x3;
	v37 =	vshrl.u32 v37, $0x3;
	v38 =	vshll.u32 v38, v1;
	_ =	swait.ge @!p1 [sflag:s6], $0x2000  }
0x2c: {  	v33 =	vshll.u32 v33, v1;
	v34 =	vshll.u32 v34, v1;
	v38 =	vbroadcast v38, $0x0;
	[sflag:s6] =	ssyncset.done @!p1 $0x0  }
0x2d: {  	s19 =	simm.s32 $0x74A0;
	v51 =	vshll.u32 v35, v1;
	v52 =	vshll.u32 v36, v1;
	v33 =	vbroadcast v33, $0x0;
	[sflag:s6] =	ssyncadd.s32 @!p1 $0xFFFFE000  }
0x2e: {  	v54 =	vshll.u32 v37, v1;
	v47 =	vbroadcast v34, $0x0;
	v42 =	vadd.s32 v29, v38;
	v41 =	vld [tilespmem:s19+$0xC0]  }
0x2f: {  	v55 =	vshrl.u32 v39, $0x3;
	v53 =	vbroadcast v51, $0x0;
	v44 =	vadd.s32 v0, v33;
	v43 =	vld [tilespmem:s19+$0xFFFFFF00]  }
0x30: {  	v40 =	vshrl.u32 v40, $0x3;
	v35 =	vbroadcast v52, $0x0;
	v46 =	vadd.s32 v5, v47;
	v45 =	vld [tilespmem:s19+$0xFFFFFF40]  }
0x31: {  	v34 =	vbroadcast v54, $0x0;
	v36 =	vshll.u32 v55, v1;
	v49 =	vadd.s32 v9, v53;
	v48 =	vld [tilespmem:s19+$0xFFFFFF80]  }
0x32: {  	v56 =	vshll.u32 v40, v1;
	v37 =	vbroadcast v36, $0x0;
	v50 =	vadd.s32 v13, v35;
	v39 =	vld [tilespmem:s19+$0xFFFFFFC0]  }
0x33: {  	v36 =	vbroadcast v56, $0x0;
	v52 =	vadd.s32 v17, v34;
	v51 =	vld [tilespmem:s19+$0x0];
	[tilespmem:v42+s23+$0x0] =	vst.idx.msk $0xffff, v41  }
0x34: {  	v60 =	vadd.s32 v21, v37;
	v59 =	vld [tilespmem:s19+$0x40];
	[tilespmem:v44+s23+$0x0] =	vst.idx.msk $0xffff, v43  }
0x35: {  	v62 =	vadd.s32 v25, v36;
	v61 =	vld [tilespmem:s19+$0x80];
	[tilespmem:v46+s23+$0x0] =	vst.idx.msk $0xffff, v45  }
0x36: {  	v58 =	vadd.s32 v30, v38;
	[tilespmem:v49+s23+$0x0] =	vst.idx.msk $0xffff, v48;
	v57 =	vld [tilespmem:s19+$0xD0]  }
0x37: {  	v63 =	vadd.s32 v6, v47;
	[tilespmem:v50+s23+$0x0] =	vst.idx.msk $0xffff, v39;
	v46 =	vld [tilespmem:s19+$0xFFFFFF50]  }
0x38: {  	v55 =	vadd.s32 v10, v53;
	[tilespmem:v52+s23+$0x0] =	vst.idx.msk $0xffff, v51;
	v54 =	vld [tilespmem:s19+$0xFFFFFF90]  }
0x39: {  	v56 =	vadd.s32 v14, v35;
	[tilespmem:v60+s23+$0x0] =	vst.idx.msk $0xffff, v59;
	v50 =	vld [tilespmem:s19+$0xFFFFFFD0]  }
0x3a: {  	[tilespmem:v62+s23+$0x0] =	vst.idx.msk $0xffff, v61;
	v45 =	vadd.s32 v22, v37;
	v44 =	vld [tilespmem:s19+$0x50]  }
0x3b: {  	v59 =	vadd.s32 v18, v34;
	[tilespmem:v58+s23+$0x0] =	vst.idx.msk $0xffff, v57;
	v58 =	vld [tilespmem:s19+$0x10]  }
0x3c: {  	v57 =	vadd.s32 v31, v38;
	[tilespmem:v63+s23+$0x0] =	vst.idx.msk $0xffff, v46;
	v40 =	vld [tilespmem:s19+$0xE0]  }
0x3d: {  	v60 =	vadd.s32 v26, v36;
	[tilespmem:v55+s23+$0x0] =	vst.idx.msk $0xffff, v54;
	v63 =	vld [tilespmem:s19+$0x90]  }
0x3e: {  	v62 =	vadd.s32 v2, v33;
	v61 =	vld [tilespmem:s19+$0xFFFFFF10];
	[tilespmem:v56+s23+$0x0] =	vst.idx.msk $0xffff, v50  }
0x3f: {  	v51 =	vadd.s32 v7, v47;
	[tilespmem:v45+s23+$0x0] =	vst.idx.msk $0xffff, v44;
	v50 =	vld [tilespmem:s19+$0xFFFFFF60]  }
0x40: {  	v56 =	vadd.s32 v11, v53;
	v55 =	vld [tilespmem:s19+$0xFFFFFFA0];
	[tilespmem:v59+s23+$0x0] =	vst.idx.msk $0xffff, v58  }
0x41: {  	v58 =	vadd.s32 v15, v35;
	[tilespmem:v57+s23+$0x0] =	vst.idx.msk $0xffff, v40;
	v57 =	vld [tilespmem:s19+$0xFFFFFFE0]  }
0x42: {  	[tilespmem:v60+s23+$0x0] =	vst.idx.msk $0xffff, v63;
	v60 =	vadd.s32 v19, v34;
	v59 =	vld [tilespmem:s19+$0x20]  }
0x43: {  	s20 =	simm.s32 $0x9;
	v38 =	vadd.s32 v32, v38;
	[tilespmem:v62+s23+$0x0] =	vst.idx.msk $0xffff, v61;
	v54 =	vld [tilespmem:s19+$0xF0]  }
0x44: {  	s14 =	simm.s32 $0x8;
	v41 =	vadd.s32 v23, v37;
	v52 =	vmov s20;
	[tilespmem:v51+s23+$0x0] =	vst.idx.msk $0xffff, v50;
	v40 =	vld [tilespmem:s19+$0x60]  }
0x45: {  	s9 =	simm.s32 $0xB;
	s10 =	simm.s32 $0xC;
	v43 =	vadd.s32 v27, v36;
	v48 =	vadd.s32 v3, v33;
	v63 =	vmov s14;
	v42 =	vld [tilespmem:s19+$0xA0];
	[tilespmem:v56+s23+$0x0] =	vst.idx.msk $0xffff, v55  }
0x46: {  	v44 =	vmov s9;
	v46 =	vmov s10;
	v45 =	vld [tilespmem:s19+$0xFFFFFF20];
	s14 =	simm.s32 $0xE;
	v39 =	vshrl.u32 v63, $0x3;
	[tilespmem:v58+s23+$0x0] =	vst.idx.msk $0xffff, v57  }
0x47: {  	s13 =	simm.s32 $0xD;
	s6 =	simm.s32 $0xA;
	v51 =	vadd.s32 v8, v47;
	v49 =	vld [tilespmem:s19+$0xFFFFFF70];
	v47 =	vshll.u32 v39, v1;
	v39 =	vmov s14;
	[tilespmem:v60+s23+$0x0] =	vst.idx.msk $0xffff, v59  }
0x48: {  	s5 =	simm.s32 $0xF;
	s20 =	sshll.u32 s17, $0x2;
	v53 =	vadd.s32 v12, v53;
	v50 =	vld [tilespmem:s19+$0xFFFFFFB0];
	[tilespmem:v38+s23+$0x0] =	vst.idx.msk $0xffff, v54;
	v54 =	vmov s6;
	v38 =	vmov s13;
	s13 =	simm.s32 $0x10  }
.LBB2_3:
0x49: {  	p1 =	slt.u32 s13, $0x78;
	v52 =	vshrl.u32 v52, $0x3;
	v55 =	vmov s5;
	v56 =	vld [tilespmem:s19+$0xFFFFFFF0];
	v35 =	vadd.s32 v16, v35;
	[tilespmem:v41+s23+$0x0] =	vst.idx.msk $0xffff, v40  }
0x4a: {  	v40 =	vshrl.u32 v54, $0x3;
	v34 =	vadd.s32 v20, v34;
	v41 =	vshrl.u32 v55, $0x3;
	v54 =	vld [tilespmem:s19+$0x30];
	[tilespmem:v43+s23+$0x0] =	vst.idx.msk $0xffff, v42  }
0x4b: {  	v37 =	vadd.s32 v24, v37;
	v42 =	vshrl.u32 v44, $0x3;
	v41 =	vshll.u32 v41, v1;
	[tilespmem:v48+s23+$0x0] =	vst.idx.msk $0xffff, v45;
	v43 =	vld [tilespmem:s19+$0x70]  }
0x4c: {  	v36 =	vadd.s32 v28, v36;
	v44 =	vshrl.u32 v46, $0x3;
	v41 =	vbroadcast v41, $0x0;
	[tilespmem:v51+s23+$0x0] =	vst.idx.msk $0xffff, v49;
	v45 =	vld [tilespmem:s19+$0xB0]  }
0x4d: {  	v46 =	vshll.u32 v52, v1;
	v49 =	vadd.s32 v4, v33;
	v33 =	vbroadcast v47, $0x0;
	v48 =	vld [tilespmem:s19+$0xFFFFFF30];
	[tilespmem:v53+s23+$0x0] =	vst.idx.msk $0xffff, v50;
	s19 =	sadd.s32 $0x200, s19  }
0x4e: {  	v40 =	vshll.u32 v40, v1;
	v47 =	vbroadcast v46, $0x0;
	v46 =	vld [tilespmem:s19+$0xC0];
	v50 =	vadd.s32 v29, v41;
	[tilespmem:v35+s23+$0x0] =	vst.idx.msk $0xffff, v56  }
0x4f: {  	v53 =	vbroadcast v40, $0x0;
	v52 =	vadd.s32 v0, v33;
	v35 =	vshll.u32 v42, v1;
	v51 =	vld [tilespmem:s19+$0xFFFFFF00];
	[tilespmem:v34+s23+$0x0] =	vst.idx.msk $0xffff, v54  }
0x50: {  	v42 =	vadd.s32 v5, v47;
	v35 =	vbroadcast v35, $0x0;
	v34 =	vshll.u32 v44, v1;
	v40 =	vld [tilespmem:s19+$0xFFFFFF40];
	[tilespmem:v37+s23+$0x0] =	vst.idx.msk $0xffff, v43  }
0x51: {  	v44 =	vadd.s32 v9, v53;
	v34 =	vbroadcast v34, $0x0;
	v37 =	vshrl.u32 v38, $0x3;
	v43 =	vld [tilespmem:s19+$0xFFFFFF80];
	[tilespmem:v36+s23+$0x0] =	vst.idx.msk $0xffff, v45  }
0x52: {  	v39 =	vshrl.u32 v39, $0x3;
	v45 =	vadd.s32 v13, v35;
	v36 =	vshll.u32 v37, v1;
	v38 =	vld [tilespmem:s19+$0xFFFFFFC0];
	[tilespmem:v49+s23+$0x0] =	vst.idx.msk $0xffff, v48  }
0x53: {  	v49 =	vadd.s32 v17, v34;
	v37 =	vbroadcast v36, $0x0;
	v36 =	vshll.u32 v39, v1;
	v48 =	vld [tilespmem:s19+$0x0];
	[tilespmem:v50+s23+$0x0] =	vst.idx.msk $0xffff, v46  }
0x54: {  	v36 =	vbroadcast v36, $0x0;
	v46 =	vadd.s32 v30, v41;
	[tilespmem:v52+s23+$0x0] =	vst.idx.msk $0xffff, v51;
	v39 =	vld [tilespmem:s19+$0xD0]  }
0x55: {  	[tilespmem:v42+s23+$0x0] =	vst.idx.msk $0xffff, v40;
	v40 =	vld [tilespmem:s19+$0x40];
	v42 =	vadd.s32 v21, v37  }
0x56: {  	[tilespmem:v44+s23+$0x0] =	vst.idx.msk $0xffff, v43;
	v43 =	vld [tilespmem:s19+$0x80];
	v44 =	vadd.s32 v25, v36  }
0x57: {  	v51 =	vadd.s32 v6, v47;
	v50 =	vld [tilespmem:s19+$0xFFFFFF50];
	[tilespmem:v45+s23+$0x0] =	vst.idx.msk $0xffff, v38  }
0x58: {  	v45 =	vadd.s32 v10, v53;
	v38 =	vld [tilespmem:s19+$0xFFFFFF90];
	[tilespmem:v49+s23+$0x0] =	vst.idx.msk $0xffff, v48  }
0x59: {  	v49 =	vadd.s32 v14, v35;
	v48 =	vld [tilespmem:s19+$0xFFFFFFD0];
	[tilespmem:v46+s23+$0x0] =	vst.idx.msk $0xffff, v39  }
0x5a: {  	[tilespmem:v42+s23+$0x0] =	vst.idx.msk $0xffff, v40;
	v39 =	vld [tilespmem:s19+$0xE0];
	v40 =	vadd.s32 v31, v41  }
0x5b: {  	v46 =	vadd.s32 v18, v34;
	v42 =	vld [tilespmem:s19+$0x10];
	[tilespmem:v44+s23+$0x0] =	vst.idx.msk $0xffff, v43  }
0x5c: {  	v44 =	vadd.s32 v22, v37;
	[tilespmem:v51+s23+$0x0] =	vst.idx.msk $0xffff, v50;
	v43 =	vld [tilespmem:s19+$0x50]  }
0x5d: {  	[tilespmem:v45+s23+$0x0] =	vst.idx.msk $0xffff, v38;
	v38 =	vld [tilespmem:s19+$0x90];
	v45 =	vadd.s32 v26, v36  }
0x5e: {  	v51 =	vadd.s32 v2, v33;
	v50 =	vld [tilespmem:s19+$0xFFFFFF10];
	[tilespmem:v49+s23+$0x0] =	vst.idx.msk $0xffff, v48  }
0x5f: {  	v49 =	vadd.s32 v7, v47;
	v48 =	vld [tilespmem:s19+$0xFFFFFF60];
	[tilespmem:v40+s23+$0x0] =	vst.idx.msk $0xffff, v39  }
0x60: {  	[tilespmem:v46+s23+$0x0] =	vst.idx.msk $0xffff, v42;
	v39 =	vld [tilespmem:s19+$0xF0];
	v46 =	vadd.s32 v32, v41  }
0x61: {  	v56 =	vadd.s32 v11, v53;
	v55 =	vld [tilespmem:s19+$0xFFFFFFA0];
	[tilespmem:v44+s23+$0x0] =	vst.idx.msk $0xffff, v43  }
0x62: {  	v58 =	vadd.s32 v15, v35;
	v57 =	vld [tilespmem:s19+$0xFFFFFFE0];
	[tilespmem:v45+s23+$0x0] =	vst.idx.msk $0xffff, v38  }
0x63: {  	v60 =	vadd.s32 v19, v34;
	[tilespmem:v51+s23+$0x0] =	vst.idx.msk $0xffff, v50;
	v59 =	vld [tilespmem:s19+$0x20]  }
.Ltmp0:
0x64: {  	s5 =	sadd.s32 $0x1, s13;
	v41 =	vadd.s32 v23, v37;
	v38 =	vmov s13;
	[tilespmem:v49+s23+$0x0] =	vst.idx.msk $0xffff, v48;
	v40 =	vld [tilespmem:s19+$0x60];
	(pc) =	sbr.rel @p1 .LBB2_3-.Ltmp0, $4  }
0x65: {  	s6 =	sadd.s32 $0x3, s13;
	v52 =	vmov s5;
	s5 =	sadd.s32 $0x2, s13;
	v43 =	vadd.s32 v27, v36;
	v50 =	vshrl.u32 v38, $0x3;
	v42 =	vld [tilespmem:s19+$0xA0];
	[tilespmem:v46+s23+$0x0] =	vst.idx.msk $0xffff, v39  }
0x66: {  	v54 =	vmov s5;
	s5 =	sadd.s32 $0x4, s13;
	v44 =	vmov s6;
	s6 =	sadd.s32 $0x5, s13;
	v48 =	vadd.s32 v3, v33;
	v45 =	vld [tilespmem:s19+$0xFFFFFF20];
	[tilespmem:v56+s23+$0x0] =	vst.idx.msk $0xffff, v55  }
0x67: {  	v38 =	vmov s6;
	v51 =	vadd.s32 v8, v47;
	v46 =	vmov s5;
	s5 =	sadd.s32 $0x6, s13;
	v49 =	vld [tilespmem:s19+$0xFFFFFF70];
	[tilespmem:v58+s23+$0x0] =	vst.idx.msk $0xffff, v57  }
0x68: {  	v53 =	vadd.s32 v12, v53;
	v47 =	vshll.u32 v50, v1;
	v39 =	vmov s5;
	s5 =	sadd.s32 $0x7, s13;
	s13 =	sadd.s32 $0x8, s13;
	v50 =	vld [tilespmem:s19+$0xFFFFFFB0];
	[tilespmem:v60+s23+$0x0] =	vst.idx.msk $0xffff, v59  }
0x69: {  	_ =	sdelay $0x2  }
0x6a: {  	v52 =	vshrl.u32 v52, $0x3  }
0x6b: {  	v55 =	vmov s5;
	v56 =	vld [tilespmem:s19+$0xFFFFFFF0];
	v35 =	vadd.s32 v16, v35;
	[tilespmem:v41+s23+$0x0] =	vst.idx.msk $0xffff, v40;
	v57 =	vshrl.u32 v54, $0x3  }
0x6c: {  	v59 =	vld [tilespmem:s19+$0x30];
	v34 =	vadd.s32 v20, v34;
	v60 =	vshrl.u32 v44, $0x3;
	v58 =	vshrl.u32 v55, $0x3;
	[tilespmem:v43+s23+$0x0] =	vst.idx.msk $0xffff, v42  }
0x6d: {  	v37 =	vadd.s32 v24, v37;
	v62 =	vshrl.u32 v46, $0x3;
	v61 =	vld [tilespmem:s19+$0x70];
	v41 =	vshll.u32 v58, v1;
	[tilespmem:v48+s23+$0x0] =	vst.idx.msk $0xffff, v45  }
0x6e: {  	v36 =	vadd.s32 v28, v36;
	v46 =	vbroadcast v47, $0x0;
	v63 =	vld [tilespmem:s19+$0xB0];
	v41 =	vbroadcast v41, $0x0;
	[tilespmem:v51+s23+$0x0] =	vst.idx.msk $0xffff, v49  }
0x6f: {  	v33 =	vadd.s32 v4, v33;
	s14 =	sadd.s32 $0x200, s19;
	v38 =	vshrl.u32 v38, $0x3;
	v55 =	vshll.u32 v52, v1;
	v48 =	vld [tilespmem:s19+$0xFFFFFF30];
	[tilespmem:v53+s23+$0x0] =	vst.idx.msk $0xffff, v50  }
0x70: {  	v40 =	vshll.u32 v57, v1;
	v47 =	vbroadcast v55, $0x0;
	v49 =	vld [tilespmem:s14+$0xC0];
	v50 =	vadd.s32 v29, v41;
	[tilespmem:v35+s23+$0x0] =	vst.idx.msk $0xffff, v56  }
0x71: {  	v42 =	vshll.u32 v60, v1;
	v40 =	vbroadcast v40, $0x0;
	v35 =	vld [tilespmem:s14+$0xFFFFFF00];
	v56 =	vadd.s32 v0, v46;
	[tilespmem:v34+s23+$0x0] =	vst.idx.msk $0xffff, v59  }
0x72: {  	v57 =	vld [tilespmem:s14+$0xFFFFFF40];
	v44 =	vshll.u32 v62, v1;
	v42 =	vbroadcast v42, $0x0;
	v58 =	vadd.s32 v5, v47;
	[tilespmem:v37+s23+$0x0] =	vst.idx.msk $0xffff, v61  }
0x73: {  	v38 =	vshll.u32 v38, v1;
	v44 =	vbroadcast v44, $0x0;
	v60 =	vadd.s32 v9, v40;
	v59 =	vld [tilespmem:s14+$0xFFFFFF80];
	[tilespmem:v36+s23+$0x0] =	vst.idx.msk $0xffff, v63  }
0x74: {  	v38 =	vbroadcast v38, $0x0;
	v62 =	vadd.s32 v13, v42;
	v61 =	vld [tilespmem:s14+$0xFFFFFFC0];
	[tilespmem:v33+s23+$0x0] =	vst.idx.msk $0xffff, v48  }
0x75: {  	v39 =	vshrl.u32 v39, $0x3;
	v63 =	vadd.s32 v17, v44;
	v33 =	vld [tilespmem:s14+$0x0];
	[tilespmem:v50+s23+$0x0] =	vst.idx.msk $0xffff, v49  }
0x76: {  	v39 =	vshll.u32 v39, v1;
	v34 =	vld [tilespmem:s14+$0x40];
	[tilespmem:v56+s23+$0x0] =	vst.idx.msk $0xffff, v35;
	v56 =	vadd.s32 v21, v38  }
0x77: {  	[tilespmem:v58+s23+$0x0] =	vst.idx.msk $0xffff, v57;
	v35 =	vbroadcast v39, $0x0;
	v49 =	vadd.s32 v30, v41;
	v39 =	vld [tilespmem:s14+$0xD0]  }
0x78: {  	[tilespmem:v60+s23+$0x0] =	vst.idx.msk $0xffff, v59;
	v59 =	vld [tilespmem:s14+$0xFFFFFF50];
	v60 =	vadd.s32 v6, v47  }
0x79: {  	v57 =	vld [tilespmem:s14+$0x80];
	[tilespmem:v62+s23+$0x0] =	vst.idx.msk $0xffff, v61;
	v58 =	vadd.s32 v25, v35  }
0x7a: {  	v61 =	vld [tilespmem:s14+$0xFFFFFF90];
	v62 =	vadd.s32 v10, v40;
	[tilespmem:v63+s23+$0x0] =	vst.idx.msk $0xffff, v33  }
0x7b: {  	v33 =	vld [tilespmem:s14+$0xFFFFFFD0];
	v63 =	vadd.s32 v14, v42;
	[tilespmem:v56+s23+$0x0] =	vst.idx.msk $0xffff, v34  }
0x7c: {  	v56 =	vadd.s32 v18, v44;
	[tilespmem:v49+s23+$0x0] =	vst.idx.msk $0xffff, v39;
	v49 =	vld [tilespmem:s14+$0x10]  }
0x7d: {  	[tilespmem:v60+s23+$0x0] =	vst.idx.msk $0xffff, v59;
	v39 =	vadd.s32 v31, v41;
	v34 =	vld [tilespmem:s14+$0xE0]  }
0x7e: {  	[tilespmem:v58+s23+$0x0] =	vst.idx.msk $0xffff, v57;
	v57 =	vld [tilespmem:s14+$0x50];
	v58 =	vadd.s32 v22, v38  }
0x7f: {  	[tilespmem:v62+s23+$0x0] =	vst.idx.msk $0xffff, v61;
	v61 =	vld [tilespmem:s14+$0xFFFFFF10];
	v62 =	vadd.s32 v2, v46  }
0x80: {  	v60 =	vadd.s32 v26, v35;
	v59 =	vld [tilespmem:s14+$0x90];
	[tilespmem:v63+s23+$0x0] =	vst.idx.msk $0xffff, v33  }
0x81: {  	v55 =	vadd.s32 v11, v40;
	v54 =	vadd.s32 v32, v41;
	v41 =	vld [tilespmem:s14+$0xFFFFFFA0];
	[tilespmem:v56+s23+$0x0] =	vst.idx.msk $0xffff, v49  }
0x82: {  	v53 =	vadd.s32 v7, v47;
	v63 =	vld [tilespmem:s14+$0xFFFFFF60];
	[tilespmem:v39+s23+$0x0] =	vst.idx.msk $0xffff, v34  }
0x83: {  	v56 =	vld [tilespmem:s14+$0xFFFFFFE0];
	[tilespmem:v58+s23+$0x0] =	vst.idx.msk $0xffff, v57;
	v57 =	vadd.s32 v15, v42  }
0x84: {  	[tilespmem:v62+s23+$0x0] =	vst.idx.msk $0xffff, v61;
	v34 =	vld [tilespmem:s14+$0xF0]  }
0x85: {  	v58 =	vld [tilespmem:s14+$0x20];
	[tilespmem:v60+s23+$0x0] =	vst.idx.msk $0xffff, v59;
	v59 =	vadd.s32 v19, v44  }
0x86: {  	v61 =	vadd.s32 v23, v38;
	[tilespmem:v55+s23+$0x0] =	vst.idx.msk $0xffff, v41;
	v60 =	vld [tilespmem:s14+$0x60]  }
0x87: {  	[tilespmem:v53+s23+$0x0] =	vst.idx.msk $0xffff, v63;
	v63 =	vadd.s32 v27, v35;
	v62 =	vld [tilespmem:s14+$0xA0]  }
0x88: {  	v47 =	vadd.s32 v8, v47;
	v55 =	vld [tilespmem:s14+$0xFFFFFF70];
	[tilespmem:v57+s23+$0x0] =	vst.idx.msk $0xffff, v56  }
0x89: {  	v53 =	vld [tilespmem:s14+$0xFFFFFF20];
	[tilespmem:v54+s23+$0x0] =	vst.idx.msk $0xffff, v34;
	v54 =	vadd.s32 v3, v46  }
0x8a: {  	v40 =	vadd.s32 v12, v40;
	v56 =	vld [tilespmem:s14+$0xFFFFFFB0];
	[tilespmem:v59+s23+$0x0] =	vst.idx.msk $0xffff, v58  }
0x8b: {  	v42 =	vadd.s32 v16, v42;
	v57 =	vld [tilespmem:s14+$0xFFFFFFF0];
	[tilespmem:v61+s23+$0x0] =	vst.idx.msk $0xffff, v60  }
0x8c: {  	v59 =	vadd.s32 v20, v44;
	v58 =	vld [tilespmem:s14+$0x30];
	[tilespmem:v63+s23+$0x0] =	vst.idx.msk $0xffff, v62  }
0x8d: {  	v38 =	vadd.s32 v24, v38;
	v60 =	vld [tilespmem:s14+$0x70];
	[tilespmem:v47+s23+$0x0] =	vst.idx.msk $0xffff, v55  }
0x8e: {  	v35 =	vadd.s32 v28, v35;
	v61 =	vld [tilespmem:s14+$0xB0];
	[tilespmem:v54+s23+$0x0] =	vst.idx.msk $0xffff, v53  }
0x8f: {  	v63 =	vadd.s32 v4, v46;
	[tilespmem:v40+s23+$0x0] =	vst.idx.msk $0xffff, v56;
	v62 =	vld [tilespmem:s14+$0xFFFFFF30]  }
0x90: {  	[tilespmem:v42+s23+$0x0] =	vst.idx.msk $0xffff, v57  }
0x91: {  	s19 =	sshll.u32 s17, $0x14;
	[tilespmem:v59+s23+$0x0] =	vst.idx.msk $0xffff, v58  }
0x92: {  	s5 =	sor.u32 s4, s19;
	[tilespmem:v38+s23+$0x0] =	vst.idx.msk $0xffff, v60  }
0x93: {  	s19 =	sshrl.u32 s5, $0x3;
	[tilespmem:v35+s23+$0x0] =	vst.idx.msk $0xffff, v61  }
0x94: {  	s6 =	simm.s32 $0xF3A0;
	s13 =	sadd.s32 s1, s19;
	[tilespmem:v63+s23+$0x0] =	vst.idx.msk $0xffff, v62  }
0x95: {  	[hbm4b:s13+s3] =	stream.linear.scatter [tilespmem:s6], [sflag:$0x5], $0x80, $0x38;
	[tilespmem:$0x17BA0] =	vst v63  }
0x96: {  	s9 =	simm.s32 $0xF428;
	s6 =	sadd.s32 $0x10, s13  }
0x97: {  	[hbm4b:s6+s3] =	stream.linear.scatter [tilespmem:s9], [sflag:$0x5], $0x80, $0x38;
	[tilespmem:$0x17BA0] =	vst v63  }
0x98: {  	s10 =	simm.s32 $0xF4B0;
	s14 =	sadd.s32 $0x20, s13  }
0x99: {  	[hbm4b:s14+s3] =	stream.linear.scatter [tilespmem:s10], [sflag:$0x5], $0x80, $0x38;
	[tilespmem:$0x17BA0] =	vst v63  }
0x9a: {  	s6 =	simm.s32 $0xF538;
	s9 =	sadd.s32 $0x30, s13  }
0x9b: {  	[hbm4b:s9+s3] =	stream.linear.scatter [tilespmem:s6], [sflag:$0x5], $0x80, $0x38;
	[tilespmem:$0x17BA0] =	vst v63  }
0x9c: {  	s10 =	simm.s32 $0xF5C0;
	s14 =	sadd.s32 $0x40, s13  }
0x9d: {  	[hbm4b:s14+s3] =	stream.linear.scatter [tilespmem:s10], [sflag:$0x5], $0x80, $0x38;
	[tilespmem:$0x17BA0] =	vst v63  }
0x9e: {  	s5 =	simm.s32 $0x440;
	s6 =	simm.s32 $0xF648;
	s9 =	sadd.s32 $0x50, s13  }
0x9f: {  	[hbm4b:s9+s3] =	stream.linear.scatter [tilespmem:s6], [sflag:$0x5], $0x80, $0x38;
	[tilespmem:$0x17BA0] =	vst v63  }
0xa0: {  	s10 =	simm.s32 $0xF6D0;
	s14 =	sadd.s32 $0x60, s13;
	s6 =	simm.s32 $0x2200  }
0xa1: {  	[hbm4b:s14+s3] =	stream.linear.scatter [tilespmem:s10], [sflag:$0x5], $0x80, $0x38;
	[tilespmem:$0x17BA0] =	vst v63  }
0xa2: {  	s9 =	simm.s32 $0xF758;
	s10 =	sadd.s32 $0x70, s13;
	s13 =	sadd.s32 $0x1000, s13  }
.LBB2_5:
0xa3: {  	[hbm4b:s10+s3] =	stream.linear.scatter [tilespmem:s9], [sflag:$0x5], $0x80, $0x38;
	[tilespmem:$0x17BA0] =	vst v63  }
0xa4: {  	s9 =	smov.u32 s5;
	s5 =	smov.u32 s6  }
0xa5: {  	s14 =	sadd.s32 $0x1100, s6;
	s5 =	sshra.s32 s5, $0x2;
	s10 =	sadd.s32 $0xF3A0, s9  }
0xa6: {  	[hbm4b:s13+s3] =	stream.linear.scatter [tilespmem:s10], [sflag:$0x5], $0x80, $0x38;
	[tilespmem:$0x17BA0] =	vst v63  }
0xa7: {  	p1 =	sne.s32 s6, $0x7700;
	s6 =	sadd.s32 $0xF428, s9;
	s10 =	sadd.s32 $0x10, s13  }
0xa8: {  	[hbm4b:s10+s3] =	stream.linear.scatter [tilespmem:s6], [sflag:$0x5], $0x80, $0x38;
	[tilespmem:$0x17BA0] =	vst v63  }
0xa9: {  	s6 =	sadd.s32 $0xF4B0, s9;
	s10 =	sadd.s32 $0x20, s13  }
0xaa: {  	[hbm4b:s10+s3] =	stream.linear.scatter [tilespmem:s6], [sflag:$0x5], $0x80, $0x38;
	[tilespmem:$0x17BA0] =	vst v63  }
0xab: {  	s6 =	sadd.s32 $0xF538, s9;
	s10 =	sadd.s32 $0x30, s13  }
0xac: {  	[hbm4b:s10+s3] =	stream.linear.scatter [tilespmem:s6], [sflag:$0x5], $0x80, $0x38;
	[tilespmem:$0x17BA0] =	vst v63  }
0xad: {  	s6 =	sadd.s32 $0xF5C0, s9;
	s10 =	sadd.s32 $0x40, s13  }
0xae: {  	[hbm4b:s10+s3] =	stream.linear.scatter [tilespmem:s6], [sflag:$0x5], $0x80, $0x38;
	[tilespmem:$0x17BA0] =	vst v63  }
.Ltmp1:
0xaf: {  	s6 =	sadd.s32 $0xF648, s9;
	s10 =	sadd.s32 $0x50, s13;
	(pc) =	sbr.rel @p1 .LBB2_5-.Ltmp1, $4  }
0xb0: {  	[hbm4b:s10+s3] =	stream.linear.scatter [tilespmem:s6], [sflag:$0x5], $0x80, $0x38;
	[tilespmem:$0x17BA0] =	vst v63  }
0xb1: {  	s6 =	sadd.s32 $0xF6D0, s9;
	s10 =	sadd.s32 $0x60, s13;
	s9 =	sadd.s32 $0xF758, s9  }
0xb2: {  	[hbm4b:s10+s3] =	stream.linear.scatter [tilespmem:s6], [sflag:$0x5], $0x80, $0x38;
	[tilespmem:$0x17BA0] =	vst v63  }
0xb3: {  	s10 =	sadd.s32 $0x70, s13;
	s13 =	sadd.s32 $0x1000, s13;
	s6 =	smov.u32 s14  }
0xb4: {  	[hbm4b:s10+s3] =	stream.linear.scatter [tilespmem:s9], [sflag:$0x5], $0x80, $0x38;
	[tilespmem:$0x17BA0] =	vst v63  }
0xb5: {  	s6 =	sadd.s32 $0xF3A0, s5  }
0xb6: {  	[hbm4b:s13+s3] =	stream.linear.scatter [tilespmem:s6], [sflag:$0x5], $0x80, $0x38;
	[tilespmem:$0x17BA0] =	vst v63  }
0xb7: {  	s10 =	sadd.s32 $0xF428, s5;
	s14 =	sadd.s32 $0x10, s13  }
0xb8: {  	[hbm4b:s14+s3] =	stream.linear.scatter [tilespmem:s10], [sflag:$0x5], $0x80, $0x38;
	[tilespmem:$0x17BA0] =	vst v63  }
0xb9: {  	p1 =	seq.s32 s17, $0x31;
	s10 =	sadd.s32 $0xF4B0, s5;
	s14 =	sadd.s32 $0x20, s13  }
0xba: {  	[hbm4b:s14+s3] =	stream.linear.scatter [tilespmem:s10], [sflag:$0x5], $0x80, $0x38;
	[tilespmem:$0x17BA0] =	vst v63  }
0xbb: {  	s20 =	sshll.u32 @!p1 s20, $0x7;
	s10 =	sadd.s32 $0xF538, s5;
	s14 =	sadd.s32 $0x30, s13  }
0xbc: {  	[hbm4b:s14+s3] =	stream.linear.scatter [tilespmem:s10], [sflag:$0x5], $0x80, $0x38;
	[tilespmem:$0x17BA0] =	vst v63  }
0xbd: {  	p2 =	seq.s32 @!p1 s17, $0x0;
	s10 =	sadd.s32 $0xF5C0, s5;
	s14 =	sadd.s32 $0x40, s13  }
0xbe: {  	[hbm4b:s14+s3] =	stream.linear.scatter [tilespmem:s10], [sflag:$0x5], $0x80, $0x38;
	[tilespmem:$0x17BA0] =	vst v63  }
0xbf: {  	s9 =	simm.s32 @!p1 $0x73A0;
	s10 =	sadd.s32 $0xF648, s5;
	s14 =	sadd.s32 $0x50, s13  }
0xc0: {  	[hbm4b:s14+s3] =	stream.linear.scatter [tilespmem:s10], [sflag:$0x5], $0x80, $0x38;
	[tilespmem:$0x17BA0] =	vst v63  }
0xc1: {  	s6 =	simm.s32 @!p1 $0x80;
	s10 =	sadd.s32 $0xF6D0, s5;
	s14 =	sadd.s32 $0x60, s13  }
0xc2: {  	[hbm4b:s14+s3] =	stream.linear.scatter [tilespmem:s10], [sflag:$0x5], $0x80, $0x38;
	[tilespmem:$0x17BA0] =	vst v63  }
0xc3: {  	s10 =	sadd.s32 $0xF758, s5;
	s14 =	sadd.s32 $0x70, s13;
	s13 =	simm.s32 $0x2  }
0xc4: {  	[hbm4b:s14+s3] =	stream.linear.scatter [tilespmem:s10], [sflag:$0x5], $0x80, $0x38;
	[tilespmem:$0x17BA0] =	vst v63  }
0xc5: {  	s5 =	sadd.s32 @!p1 $0x200, s20;
	v35 =	vmov s13;
	s13 =	simm.s32 $0x5;
	s10 =	simm.s32 $0x1  }
0xc6: {  	s5 =	sand.u32 @!p1 $0xFE00, s5;
	s14 =	simm.s32 $0x3;
	v39 =	vmov s13;
	v35 =	vshrl.u32 v35, $0x3;
	_ =	swait.ge [sflag:s24], $0x2000;
	v34 =	vmov s10  }
0xc7: {  	s10 =	simm.s32 $0x7;
	v36 =	vmov s14;
	s14 =	simm.s32 $0x6;
	v52 =	vshll.u32 v35, v1;
	v55 =	vshrl.u32 v39, $0x3;
	[sflag:s24] =	ssyncset.done $0x0  }
0xc8: {  	p2 =	por p1, !p2;
	s5 =	sadd.s32 @!p1 $0xFA0, s5;
	v38 =	vmov s10;
	v40 =	vmov s14;
	v34 =	vshrl.u32 v34, $0x3;
	[sflag:s24] =	ssyncadd.s32 $0xFFFFE000  }
0xc9: {  	v36 =	vshrl.u32 v36, $0x3;
	v52 =	vbroadcast v52, $0x0;
	v38 =	vshrl.u32 v38, $0x3;
	[tilespmem:s9], [sflag:$0x1] =	stream.indirect.gather @!p1 [spmem:s2], $0x40, s5, s6, $0xb8;
	[tilespmem:$0x17BA0] =	vst v63  }
0xca: {  	v34 =	vshll.u32 v34, v1;
	v53 =	vshll.u32 v36, v1;
	v38 =	vshll.u32 v38, v1;
	_ =	swait.ge @p2 [sflag:s0], $0x2000  }
0xcb: {  	v36 =	vshll.u32 v55, v1;
	v40 =	vshrl.u32 v40, $0x3;
	s9 =	simm.s32 $0x0;
	v38 =	vbroadcast v38, $0x0;
	[sflag:s0] =	ssyncset.done @p2 $0x0  }
0xcc: {  	s13 =	simm.s32 $0x9590;
	v45 =	vbroadcast v34, $0x0;
	v35 =	vbroadcast v53, $0x0;
	v33 =	vmov s9;
	[sflag:s0] =	ssyncadd.s32 @p2 $0xFFFFE000  }
0xcd: {  	v49 =	vadd.s32 v9, v52;
	s9 =	simm.s32 $0x4;
	v33 =	vshrl.u32 v33, $0x3;
	v42 =	vadd.s32 v29, v38;
	v41 =	vld [tilespmem:s13+$0xFFFFFFD0]  }
0xce: {  	v37 =	vmov s9;
	v47 =	vadd.s32 v5, v45;
	v33 =	vshll.u32 v33, v1;
	v46 =	vld [tilespmem:s13+$0xFFFFFE50]  }
0xcf: {  	v56 =	vshll.u32 v40, v1;
	v37 =	vshrl.u32 v37, $0x3;
	v33 =	vbroadcast v33, $0x0;
	v48 =	vld [tilespmem:s13+$0xFFFFFE90]  }
0xd0: {  	v50 =	vadd.s32 v13, v35;
	v54 =	vshll.u32 v37, v1;
	v39 =	vld [tilespmem:s13+$0xFFFFFED0];
	v37 =	vbroadcast v36, $0x0  }
0xd1: {  	v43 =	vld [tilespmem:s13+$0xFFFFFE10];
	v36 =	vbroadcast v56, $0x0;
	v44 =	vadd.s32 v0, v33  }
0xd2: {  	v59 =	vld [tilespmem:s13+$0xFFFFFF50];
	v34 =	vbroadcast v54, $0x0;
	v60 =	vadd.s32 v21, v37;
	[tilespmem:v42+s25+$0x0] =	vst.idx.msk $0xffff, v41  }
0xd3: {  	v61 =	vld [tilespmem:s13+$0xFFFFFF90];
	v62 =	vadd.s32 v25, v36;
	[tilespmem:v47+s25+$0x0] =	vst.idx.msk $0xffff, v46  }
0xd4: {  	v51 =	vld [tilespmem:s13+$0xFFFFFF10];
	v53 =	vadd.s32 v17, v34;
	[tilespmem:v49+s25+$0x0] =	vst.idx.msk $0xffff, v48  }
0xd5: {  	v58 =	vadd.s32 v30, v38;
	[tilespmem:v50+s25+$0x0] =	vst.idx.msk $0xffff, v39;
	v57 =	vld [tilespmem:s13+$0xFFFFFFE0]  }
0xd6: {  	v63 =	vadd.s32 v6, v45;
	v47 =	vld [tilespmem:s13+$0xFFFFFE60];
	[tilespmem:v44+s25+$0x0] =	vst.idx.msk $0xffff, v43  }
0xd7: {  	v55 =	vadd.s32 v10, v52;
	v54 =	vld [tilespmem:s13+$0xFFFFFEA0];
	[tilespmem:v60+s25+$0x0] =	vst.idx.msk $0xffff, v59  }
0xd8: {  	v56 =	vadd.s32 v14, v35;
	v50 =	vld [tilespmem:s13+$0xFFFFFEE0];
	[tilespmem:v62+s25+$0x0] =	vst.idx.msk $0xffff, v61  }
0xd9: {  	v46 =	vadd.s32 v22, v37;
	[tilespmem:v53+s25+$0x0] =	vst.idx.msk $0xffff, v51;
	v44 =	vld [tilespmem:s13+$0xFFFFFF60]  }
0xda: {  	v59 =	vadd.s32 v18, v34;
	[tilespmem:v58+s25+$0x0] =	vst.idx.msk $0xffff, v57;
	v58 =	vld [tilespmem:s13+$0xFFFFFF20]  }
0xdb: {  	v57 =	vadd.s32 v31, v38;
	[tilespmem:v63+s25+$0x0] =	vst.idx.msk $0xffff, v47;
	v40 =	vld [tilespmem:s13+$0xFFFFFFF0]  }
0xdc: {  	v62 =	vadd.s32 v2, v33;
	v61 =	vld [tilespmem:s13+$0xFFFFFE20];
	[tilespmem:v55+s25+$0x0] =	vst.idx.msk $0xffff, v54  }
0xdd: {  	v60 =	vadd.s32 v26, v36;
	v63 =	vld [tilespmem:s13+$0xFFFFFFA0];
	[tilespmem:v56+s25+$0x0] =	vst.idx.msk $0xffff, v50  }
0xde: {  	v51 =	vadd.s32 v7, v45;
	v50 =	vld [tilespmem:s13+$0xFFFFFE70];
	[tilespmem:v46+s25+$0x0] =	vst.idx.msk $0xffff, v44  }
0xdf: {  	v56 =	vadd.s32 v11, v52;
	v55 =	vld [tilespmem:s13+$0xFFFFFEB0];
	[tilespmem:v59+s25+$0x0] =	vst.idx.msk $0xffff, v58  }
0xe0: {  	v58 =	vadd.s32 v15, v35;
	[tilespmem:v57+s25+$0x0] =	vst.idx.msk $0xffff, v40;
	v57 =	vld [tilespmem:s13+$0xFFFFFEF0]  }
0xe1: {  	v38 =	vadd.s32 v32, v38;
	[tilespmem:v62+s25+$0x0] =	vst.idx.msk $0xffff, v61;
	v54 =	vld [tilespmem:s13+$0x0]  }
0xe2: {  	s9 =	simm.s32 $0x9;
	[tilespmem:v60+s25+$0x0] =	vst.idx.msk $0xffff, v63;
	v60 =	vadd.s32 v19, v34;
	v59 =	vld [tilespmem:s13+$0xFFFFFF30]  }
0xe3: {  	v41 =	vadd.s32 v23, v37;
	v53 =	vmov s9;
	s9 =	simm.s32 $0xC;
	[tilespmem:v51+s25+$0x0] =	vst.idx.msk $0xffff, v50;
	v40 =	vld [tilespmem:s13+$0xFFFFFF70]  }
0xe4: {  	s14 =	simm.s32 $0xB;
	s6 =	simm.s32 $0x8;
	v48 =	vadd.s32 v3, v33;
	v43 =	vadd.s32 v27, v36;
	v47 =	vmov s9;
	v42 =	vld [tilespmem:s13+$0xFFFFFFB0];
	[tilespmem:v56+s25+$0x0] =	vst.idx.msk $0xffff, v55  }
0xe5: {  	s10 =	simm.s32 $0xA;
	v52 =	vadd.s32 v12, v52;
	v44 =	vmov s14;
	v46 =	vld [tilespmem:s13+$0xFFFFFE30];
	v63 =	vmov s6;
	[tilespmem:v58+s25+$0x0] =	vst.idx.msk $0xffff, v57  }
0xe6: {  	s14 =	simm.s32 $0xE;
	v39 =	vshrl.u32 v63, $0x3;
	v51 =	vadd.s32 v8, v45;
	v49 =	vld [tilespmem:s13+$0xFFFFFE80];
	[tilespmem:v38+s25+$0x0] =	vst.idx.msk $0xffff, v54;
	v54 =	vmov s10;
	s10 =	simm.s32 $0xD  }
0xe7: {  	s5 =	simm.s32 $0x10;
	s6 =	simm.s32 $0xF;
	v45 =	vshll.u32 v39, v1;
	v39 =	vmov s14;
	v50 =	vld [tilespmem:s13+$0xFFFFFEC0];
	[tilespmem:v60+s25+$0x0] =	vst.idx.msk $0xffff, v59;
	v38 =	vmov s10  }
.LBB2_7:
0xe8: {  	p3 =	slt.u32 s5, $0x78;
	v53 =	vshrl.u32 v53, $0x3;
	v55 =	vmov s6;
	v56 =	vld [tilespmem:s13+$0xFFFFFF00];
	v35 =	vadd.s32 v16, v35;
	[tilespmem:v41+s25+$0x0] =	vst.idx.msk $0xffff, v40  }
0xe9: {  	v40 =	vshrl.u32 v54, $0x3;
	v34 =	vadd.s32 v20, v34;
	v41 =	vshrl.u32 v55, $0x3;
	v54 =	vld [tilespmem:s13+$0xFFFFFF40];
	[tilespmem:v43+s25+$0x0] =	vst.idx.msk $0xffff, v42  }
0xea: {  	v37 =	vadd.s32 v24, v37;
	v42 =	vshrl.u32 v44, $0x3;
	v41 =	vshll.u32 v41, v1;
	[tilespmem:v48+s25+$0x0] =	vst.idx.msk $0xffff, v46;
	v43 =	vld [tilespmem:s13+$0xFFFFFF80]  }
0xeb: {  	v36 =	vadd.s32 v28, v36;
	v44 =	vshrl.u32 v47, $0x3;
	v41 =	vbroadcast v41, $0x0;
	[tilespmem:v51+s25+$0x0] =	vst.idx.msk $0xffff, v49;
	v46 =	vld [tilespmem:s13+$0xFFFFFFC0]  }
0xec: {  	v47 =	vshll.u32 v53, v1;
	v49 =	vadd.s32 v4, v33;
	v33 =	vbroadcast v45, $0x0;
	v48 =	vld [tilespmem:s13+$0xFFFFFE40];
	[tilespmem:v52+s25+$0x0] =	vst.idx.msk $0xffff, v50;
	s13 =	sadd.s32 $0x200, s13  }
0xed: {  	v40 =	vshll.u32 v40, v1;
	v45 =	vbroadcast v47, $0x0;
	v47 =	vld [tilespmem:s13+$0xFFFFFFD0];
	v50 =	vadd.s32 v29, v41;
	[tilespmem:v35+s25+$0x0] =	vst.idx.msk $0xffff, v56  }
0xee: {  	v55 =	vbroadcast v40, $0x0;
	v52 =	vadd.s32 v0, v33;
	v35 =	vshll.u32 v42, v1;
	v51 =	vld [tilespmem:s13+$0xFFFFFE10];
	[tilespmem:v34+s25+$0x0] =	vst.idx.msk $0xffff, v54  }
0xef: {  	v42 =	vadd.s32 v5, v45;
	v35 =	vbroadcast v35, $0x0;
	v34 =	vshll.u32 v44, v1;
	v40 =	vld [tilespmem:s13+$0xFFFFFE50];
	[tilespmem:v37+s25+$0x0] =	vst.idx.msk $0xffff, v43  }
0xf0: {  	v44 =	vadd.s32 v9, v55;
	v34 =	vbroadcast v34, $0x0;
	v37 =	vshrl.u32 v38, $0x3;
	v43 =	vld [tilespmem:s13+$0xFFFFFE90];
	[tilespmem:v36+s25+$0x0] =	vst.idx.msk $0xffff, v46  }
0xf1: {  	v39 =	vshrl.u32 v39, $0x3;
	v46 =	vadd.s32 v13, v35;
	v36 =	vshll.u32 v37, v1;
	v38 =	vld [tilespmem:s13+$0xFFFFFED0];
	[tilespmem:v49+s25+$0x0] =	vst.idx.msk $0xffff, v48  }
0xf2: {  	v49 =	vadd.s32 v17, v34;
	v37 =	vbroadcast v36, $0x0;
	v36 =	vshll.u32 v39, v1;
	v48 =	vld [tilespmem:s13+$0xFFFFFF10];
	[tilespmem:v50+s25+$0x0] =	vst.idx.msk $0xffff, v47  }
0xf3: {  	v36 =	vbroadcast v36, $0x0;
	v47 =	vadd.s32 v30, v41;
	[tilespmem:v52+s25+$0x0] =	vst.idx.msk $0xffff, v51;
	v39 =	vld [tilespmem:s13+$0xFFFFFFE0]  }
0xf4: {  	[tilespmem:v42+s25+$0x0] =	vst.idx.msk $0xffff, v40;
	v40 =	vld [tilespmem:s13+$0xFFFFFF50];
	v42 =	vadd.s32 v21, v37  }
0xf5: {  	[tilespmem:v44+s25+$0x0] =	vst.idx.msk $0xffff, v43;
	v43 =	vld [tilespmem:s13+$0xFFFFFF90];
	v44 =	vadd.s32 v25, v36  }
0xf6: {  	v51 =	vadd.s32 v6, v45;
	v50 =	vld [tilespmem:s13+$0xFFFFFE60];
	[tilespmem:v46+s25+$0x0] =	vst.idx.msk $0xffff, v38  }
0xf7: {  	v46 =	vadd.s32 v10, v55;
	v38 =	vld [tilespmem:s13+$0xFFFFFEA0];
	[tilespmem:v49+s25+$0x0] =	vst.idx.msk $0xffff, v48  }
0xf8: {  	v49 =	vadd.s32 v14, v35;
	v48 =	vld [tilespmem:s13+$0xFFFFFEE0];
	[tilespmem:v47+s25+$0x0] =	vst.idx.msk $0xffff, v39  }
0xf9: {  	[tilespmem:v42+s25+$0x0] =	vst.idx.msk $0xffff, v40;
	v39 =	vld [tilespmem:s13+$0xFFFFFFF0];
	v40 =	vadd.s32 v31, v41  }
0xfa: {  	v47 =	vadd.s32 v18, v34;
	v42 =	vld [tilespmem:s13+$0xFFFFFF20];
	[tilespmem:v44+s25+$0x0] =	vst.idx.msk $0xffff, v43  }
0xfb: {  	v44 =	vadd.s32 v22, v37;
	[tilespmem:v51+s25+$0x0] =	vst.idx.msk $0xffff, v50;
	v43 =	vld [tilespmem:s13+$0xFFFFFF60]  }
0xfc: {  	[tilespmem:v46+s25+$0x0] =	vst.idx.msk $0xffff, v38;
	v38 =	vld [tilespmem:s13+$0xFFFFFFA0];
	v46 =	vadd.s32 v26, v36  }
0xfd: {  	v51 =	vadd.s32 v2, v33;
	v50 =	vld [tilespmem:s13+$0xFFFFFE20];
	[tilespmem:v49+s25+$0x0] =	vst.idx.msk $0xffff, v48  }
0xfe: {  	v49 =	vadd.s32 v7, v45;
	v48 =	vld [tilespmem:s13+$0xFFFFFE70];
	[tilespmem:v40+s25+$0x0] =	vst.idx.msk $0xffff, v39  }
0xff: {  	[tilespmem:v47+s25+$0x0] =	vst.idx.msk $0xffff, v42;
	v39 =	vld [tilespmem:s13+$0x0];
	v47 =	vadd.s32 v32, v41  }
0x100: {  	v56 =	vadd.s32 v11, v55;
	v52 =	vld [tilespmem:s13+$0xFFFFFEB0];
	[tilespmem:v44+s25+$0x0] =	vst.idx.msk $0xffff, v43  }
0x101: {  	v58 =	vadd.s32 v15, v35;
	v57 =	vld [tilespmem:s13+$0xFFFFFEF0];
	[tilespmem:v46+s25+$0x0] =	vst.idx.msk $0xffff, v38  }
0x102: {  	v60 =	vadd.s32 v19, v34;
	[tilespmem:v51+s25+$0x0] =	vst.idx.msk $0xffff, v50;
	v59 =	vld [tilespmem:s13+$0xFFFFFF30]  }
.Ltmp2:
0x103: {  	s6 =	sadd.s32 $0x1, s5;
	v41 =	vadd.s32 v23, v37;
	v38 =	vmov s5;
	[tilespmem:v49+s25+$0x0] =	vst.idx.msk $0xffff, v48;
	v40 =	vld [tilespmem:s13+$0xFFFFFF70];
	(pc) =	sbr.rel @p3 .LBB2_7-.Ltmp2, $4  }
0x104: {  	s9 =	sadd.s32 $0x3, s5;
	v53 =	vmov s6;
	s6 =	sadd.s32 $0x2, s5;
	v43 =	vadd.s32 v27, v36;
	v50 =	vshrl.u32 v38, $0x3;
	v42 =	vld [tilespmem:s13+$0xFFFFFFB0];
	[tilespmem:v47+s25+$0x0] =	vst.idx.msk $0xffff, v39  }
0x105: {  	v54 =	vmov s6;
	s6 =	sadd.s32 $0x4, s5;
	v44 =	vmov s9;
	s9 =	sadd.s32 $0x5, s5;
	v48 =	vadd.s32 v3, v33;
	v46 =	vld [tilespmem:s13+$0xFFFFFE30];
	[tilespmem:v56+s25+$0x0] =	vst.idx.msk $0xffff, v52  }
0x106: {  	v38 =	vmov s9;
	v51 =	vadd.s32 v8, v45;
	v47 =	vmov s6;
	s6 =	sadd.s32 $0x6, s5;
	v49 =	vld [tilespmem:s13+$0xFFFFFE80];
	[tilespmem:v58+s25+$0x0] =	vst.idx.msk $0xffff, v57  }
0x107: {  	v45 =	vshll.u32 v50, v1;
	v39 =	vmov s6;
	s6 =	sadd.s32 $0x7, s5;
	s5 =	sadd.s32 $0x8, s5;
	v52 =	vadd.s32 v12, v55;
	v50 =	vld [tilespmem:s13+$0xFFFFFEC0];
	[tilespmem:v60+s25+$0x0] =	vst.idx.msk $0xffff, v59  }
0x108: {  	_ =	sdelay $0x2  }
0x109: {  	v53 =	vshrl.u32 v53, $0x3  }
0x10a: {  	v55 =	vmov s6;
	v56 =	vld [tilespmem:s13+$0xFFFFFF00];
	v35 =	vadd.s32 v16, v35;
	[tilespmem:v41+s25+$0x0] =	vst.idx.msk $0xffff, v40;
	v57 =	vshrl.u32 v54, $0x3  }
0x10b: {  	v59 =	vld [tilespmem:s13+$0xFFFFFF40];
	v34 =	vadd.s32 v20, v34;
	v60 =	vshrl.u32 v44, $0x3;
	v58 =	vshrl.u32 v55, $0x3;
	[tilespmem:v43+s25+$0x0] =	vst.idx.msk $0xffff, v42  }
0x10c: {  	v37 =	vadd.s32 v24, v37;
	v62 =	vshrl.u32 v47, $0x3;
	v61 =	vld [tilespmem:s13+$0xFFFFFF80];
	v41 =	vshll.u32 v58, v1;
	[tilespmem:v48+s25+$0x0] =	vst.idx.msk $0xffff, v46  }
0x10d: {  	v36 =	vadd.s32 v28, v36;
	v45 =	vbroadcast v45, $0x0;
	v63 =	vld [tilespmem:s13+$0xFFFFFFC0];
	v41 =	vbroadcast v41, $0x0;
	[tilespmem:v51+s25+$0x0] =	vst.idx.msk $0xffff, v49  }
0x10e: {  	v33 =	vadd.s32 v4, v33;
	s5 =	sadd.s32 $0x200, s13;
	v38 =	vshrl.u32 v38, $0x3;
	v55 =	vshll.u32 v53, v1;
	v48 =	vld [tilespmem:s13+$0xFFFFFE40];
	[tilespmem:v52+s25+$0x0] =	vst.idx.msk $0xffff, v50  }
0x10f: {  	v40 =	vshll.u32 v57, v1;
	v47 =	vbroadcast v55, $0x0;
	v49 =	vld [tilespmem:s5+$0xFFFFFFD0];
	v50 =	vadd.s32 v29, v41;
	[tilespmem:v35+s25+$0x0] =	vst.idx.msk $0xffff, v56  }
0x110: {  	v42 =	vshll.u32 v60, v1;
	v40 =	vbroadcast v40, $0x0;
	v35 =	vld [tilespmem:s5+$0xFFFFFE10];
	v56 =	vadd.s32 v0, v45;
	[tilespmem:v34+s25+$0x0] =	vst.idx.msk $0xffff, v59  }
0x111: {  	v57 =	vld [tilespmem:s5+$0xFFFFFE50];
	v44 =	vshll.u32 v62, v1;
	v42 =	vbroadcast v42, $0x0;
	v58 =	vadd.s32 v5, v47;
	[tilespmem:v37+s25+$0x0] =	vst.idx.msk $0xffff, v61  }
0x112: {  	v38 =	vshll.u32 v38, v1;
	v44 =	vbroadcast v44, $0x0;
	v60 =	vadd.s32 v9, v40;
	v59 =	vld [tilespmem:s5+$0xFFFFFE90];
	[tilespmem:v36+s25+$0x0] =	vst.idx.msk $0xffff, v63  }
0x113: {  	v38 =	vbroadcast v38, $0x0;
	v62 =	vadd.s32 v13, v42;
	v61 =	vld [tilespmem:s5+$0xFFFFFED0];
	[tilespmem:v33+s25+$0x0] =	vst.idx.msk $0xffff, v48  }
0x114: {  	v39 =	vshrl.u32 v39, $0x3;
	v63 =	vadd.s32 v17, v44;
	v33 =	vld [tilespmem:s5+$0xFFFFFF10];
	[tilespmem:v50+s25+$0x0] =	vst.idx.msk $0xffff, v49  }
0x115: {  	v39 =	vshll.u32 v39, v1;
	v34 =	vld [tilespmem:s5+$0xFFFFFF50];
	[tilespmem:v56+s25+$0x0] =	vst.idx.msk $0xffff, v35;
	v56 =	vadd.s32 v21, v38  }
0x116: {  	[tilespmem:v58+s25+$0x0] =	vst.idx.msk $0xffff, v57;
	v35 =	vbroadcast v39, $0x0;
	v49 =	vadd.s32 v30, v41;
	v39 =	vld [tilespmem:s5+$0xFFFFFFE0]  }
0x117: {  	[tilespmem:v60+s25+$0x0] =	vst.idx.msk $0xffff, v59;
	v59 =	vld [tilespmem:s5+$0xFFFFFE60];
	v60 =	vadd.s32 v6, v47  }
0x118: {  	v57 =	vld [tilespmem:s5+$0xFFFFFF90];
	[tilespmem:v62+s25+$0x0] =	vst.idx.msk $0xffff, v61;
	v58 =	vadd.s32 v25, v35  }
0x119: {  	v61 =	vld [tilespmem:s5+$0xFFFFFEA0];
	v62 =	vadd.s32 v10, v40;
	[tilespmem:v63+s25+$0x0] =	vst.idx.msk $0xffff, v33  }
0x11a: {  	v33 =	vld [tilespmem:s5+$0xFFFFFEE0];
	v63 =	vadd.s32 v14, v42;
	[tilespmem:v56+s25+$0x0] =	vst.idx.msk $0xffff, v34  }
0x11b: {  	v56 =	vadd.s32 v18, v44;
	[tilespmem:v49+s25+$0x0] =	vst.idx.msk $0xffff, v39;
	v49 =	vld [tilespmem:s5+$0xFFFFFF20]  }
0x11c: {  	[tilespmem:v60+s25+$0x0] =	vst.idx.msk $0xffff, v59;
	v39 =	vadd.s32 v31, v41;
	v34 =	vld [tilespmem:s5+$0xFFFFFFF0]  }
0x11d: {  	[tilespmem:v58+s25+$0x0] =	vst.idx.msk $0xffff, v57;
	v57 =	vld [tilespmem:s5+$0xFFFFFF60];
	v58 =	vadd.s32 v22, v38  }
0x11e: {  	[tilespmem:v62+s25+$0x0] =	vst.idx.msk $0xffff, v61;
	v61 =	vld [tilespmem:s5+$0xFFFFFE20];
	v62 =	vadd.s32 v2, v45  }
0x11f: {  	v60 =	vadd.s32 v26, v35;
	v59 =	vld [tilespmem:s5+$0xFFFFFFA0];
	[tilespmem:v63+s25+$0x0] =	vst.idx.msk $0xffff, v33  }
0x120: {  	v55 =	vadd.s32 v11, v40;
	v54 =	vadd.s32 v32, v41;
	v41 =	vld [tilespmem:s5+$0xFFFFFEB0];
	[tilespmem:v56+s25+$0x0] =	vst.idx.msk $0xffff, v49  }
0x121: {  	v53 =	vadd.s32 v7, v47;
	v63 =	vld [tilespmem:s5+$0xFFFFFE70];
	[tilespmem:v39+s25+$0x0] =	vst.idx.msk $0xffff, v34  }
0x122: {  	v56 =	vld [tilespmem:s5+$0xFFFFFEF0];
	[tilespmem:v58+s25+$0x0] =	vst.idx.msk $0xffff, v57;
	v57 =	vadd.s32 v15, v42  }
0x123: {  	[tilespmem:v62+s25+$0x0] =	vst.idx.msk $0xffff, v61;
	v34 =	vld [tilespmem:s5+$0x0]  }
0x124: {  	v58 =	vld [tilespmem:s5+$0xFFFFFF30];
	[tilespmem:v60+s25+$0x0] =	vst.idx.msk $0xffff, v59;
	v59 =	vadd.s32 v19, v44  }
0x125: {  	v61 =	vadd.s32 v23, v38;
	[tilespmem:v55+s25+$0x0] =	vst.idx.msk $0xffff, v41;
	v60 =	vld [tilespmem:s5+$0xFFFFFF70]  }
0x126: {  	[tilespmem:v53+s25+$0x0] =	vst.idx.msk $0xffff, v63;
	v63 =	vadd.s32 v27, v35;
	v62 =	vld [tilespmem:s5+$0xFFFFFFB0]  }
0x127: {  	v47 =	vadd.s32 v8, v47;
	v55 =	vld [tilespmem:s5+$0xFFFFFE80];
	[tilespmem:v57+s25+$0x0] =	vst.idx.msk $0xffff, v56  }
0x128: {  	v53 =	vld [tilespmem:s5+$0xFFFFFE30];
	[tilespmem:v54+s25+$0x0] =	vst.idx.msk $0xffff, v34;
	v54 =	vadd.s32 v3, v45  }
0x129: {  	v40 =	vadd.s32 v12, v40;
	v56 =	vld [tilespmem:s5+$0xFFFFFEC0];
	[tilespmem:v59+s25+$0x0] =	vst.idx.msk $0xffff, v58  }
0x12a: {  	v42 =	vadd.s32 v16, v42;
	v57 =	vld [tilespmem:s5+$0xFFFFFF00];
	[tilespmem:v61+s25+$0x0] =	vst.idx.msk $0xffff, v60  }
0x12b: {  	v59 =	vadd.s32 v20, v44;
	v58 =	vld [tilespmem:s5+$0xFFFFFF40];
	[tilespmem:v63+s25+$0x0] =	vst.idx.msk $0xffff, v62  }
0x12c: {  	v38 =	vadd.s32 v24, v38;
	v60 =	vld [tilespmem:s5+$0xFFFFFF80];
	[tilespmem:v47+s25+$0x0] =	vst.idx.msk $0xffff, v55  }
0x12d: {  	v35 =	vadd.s32 v28, v35;
	v61 =	vld [tilespmem:s5+$0xFFFFFFC0];
	[tilespmem:v54+s25+$0x0] =	vst.idx.msk $0xffff, v53  }
0x12e: {  	v63 =	vadd.s32 v4, v45;
	[tilespmem:v40+s25+$0x0] =	vst.idx.msk $0xffff, v56;
	v62 =	vld [tilespmem:s5+$0xFFFFFE40]  }
0x12f: {  	[tilespmem:v42+s25+$0x0] =	vst.idx.msk $0xffff, v57  }
0x130: {  	[tilespmem:v59+s25+$0x0] =	vst.idx.msk $0xffff, v58  }
0x131: {  	[tilespmem:v38+s25+$0x0] =	vst.idx.msk $0xffff, v60  }
0x132: {  	[tilespmem:v35+s25+$0x0] =	vst.idx.msk $0xffff, v61  }
0x133: {  	s14 =	simm.s32 $0x115A0;
	s13 =	sadd.s32 s19, s7;
	[tilespmem:v63+s25+$0x0] =	vst.idx.msk $0xffff, v62  }
0x134: {  	[hbm4b:s13+s3] =	stream.linear.scatter [tilespmem:s14], [sflag:$0x6], $0x80, $0x38;
	[tilespmem:$0x17BA0] =	vst v63  }
0x135: {  	s6 =	simm.s32 $0x11628;
	s9 =	sadd.s32 $0x10, s13  }
0x136: {  	[hbm4b:s9+s3] =	stream.linear.scatter [tilespmem:s6], [sflag:$0x6], $0x80, $0x38;
	[tilespmem:$0x17BA0] =	vst v63  }
0x137: {  	s10 =	simm.s32 $0x116B0;
	s14 =	sadd.s32 $0x20, s13  }
0x138: {  	[hbm4b:s14+s3] =	stream.linear.scatter [tilespmem:s10], [sflag:$0x6], $0x80, $0x38;
	[tilespmem:$0x17BA0] =	vst v63  }
0x139: {  	s6 =	simm.s32 $0x11738;
	s9 =	sadd.s32 $0x30, s13  }
0x13a: {  	[hbm4b:s9+s3] =	stream.linear.scatter [tilespmem:s6], [sflag:$0x6], $0x80, $0x38;
	[tilespmem:$0x17BA0] =	vst v63  }
0x13b: {  	s10 =	simm.s32 $0x117C0;
	s14 =	sadd.s32 $0x40, s13  }
0x13c: {  	[hbm4b:s14+s3] =	stream.linear.scatter [tilespmem:s10], [sflag:$0x6], $0x80, $0x38;
	[tilespmem:$0x17BA0] =	vst v63  }
0x13d: {  	s5 =	simm.s32 $0x440;
	s6 =	simm.s32 $0x11848;
	s9 =	sadd.s32 $0x50, s13  }
0x13e: {  	[hbm4b:s9+s3] =	stream.linear.scatter [tilespmem:s6], [sflag:$0x6], $0x80, $0x38;
	[tilespmem:$0x17BA0] =	vst v63  }
0x13f: {  	s10 =	simm.s32 $0x118D0;
	s14 =	sadd.s32 $0x60, s13;
	s6 =	simm.s32 $0x2200  }
0x140: {  	[hbm4b:s14+s3] =	stream.linear.scatter [tilespmem:s10], [sflag:$0x6], $0x80, $0x38;
	[tilespmem:$0x17BA0] =	vst v63  }
0x141: {  	s9 =	simm.s32 $0x11958;
	s10 =	sadd.s32 $0x70, s13;
	s13 =	sadd.s32 $0x1000, s13  }
.LBB2_9:
0x142: {  	[hbm4b:s10+s3] =	stream.linear.scatter [tilespmem:s9], [sflag:$0x6], $0x80, $0x38;
	[tilespmem:$0x17BA0] =	vst v63  }
0x143: {  	s9 =	smov.u32 s5;
	s5 =	smov.u32 s6  }
0x144: {  	s14 =	sadd.s32 $0x1100, s6;
	s5 =	sshra.s32 s5, $0x2;
	s10 =	sadd.s32 $0x115A0, s9  }
0x145: {  	[hbm4b:s13+s3] =	stream.linear.scatter [tilespmem:s10], [sflag:$0x6], $0x80, $0x38;
	[tilespmem:$0x17BA0] =	vst v63  }
0x146: {  	p3 =	sne.s32 s6, $0x7700;
	s6 =	sadd.s32 $0x11628, s9;
	s10 =	sadd.s32 $0x10, s13  }
0x147: {  	[hbm4b:s10+s3] =	stream.linear.scatter [tilespmem:s6], [sflag:$0x6], $0x80, $0x38;
	[tilespmem:$0x17BA0] =	vst v63  }
0x148: {  	s6 =	sadd.s32 $0x116B0, s9;
	s10 =	sadd.s32 $0x20, s13  }
0x149: {  	[hbm4b:s10+s3] =	stream.linear.scatter [tilespmem:s6], [sflag:$0x6], $0x80, $0x38;
	[tilespmem:$0x17BA0] =	vst v63  }
0x14a: {  	s6 =	sadd.s32 $0x11738, s9;
	s10 =	sadd.s32 $0x30, s13  }
0x14b: {  	[hbm4b:s10+s3] =	stream.linear.scatter [tilespmem:s6], [sflag:$0x6], $0x80, $0x38;
	[tilespmem:$0x17BA0] =	vst v63  }
0x14c: {  	s6 =	sadd.s32 $0x117C0, s9;
	s10 =	sadd.s32 $0x40, s13  }
0x14d: {  	[hbm4b:s10+s3] =	stream.linear.scatter [tilespmem:s6], [sflag:$0x6], $0x80, $0x38;
	[tilespmem:$0x17BA0] =	vst v63  }
.Ltmp3:
0x14e: {  	s6 =	sadd.s32 $0x11848, s9;
	s10 =	sadd.s32 $0x50, s13;
	(pc) =	sbr.rel @p3 .LBB2_9-.Ltmp3, $4  }
0x14f: {  	[hbm4b:s10+s3] =	stream.linear.scatter [tilespmem:s6], [sflag:$0x6], $0x80, $0x38;
	[tilespmem:$0x17BA0] =	vst v63  }
0x150: {  	s6 =	sadd.s32 $0x118D0, s9;
	s10 =	sadd.s32 $0x60, s13;
	s9 =	sadd.s32 $0x11958, s9  }
0x151: {  	[hbm4b:s10+s3] =	stream.linear.scatter [tilespmem:s6], [sflag:$0x6], $0x80, $0x38;
	[tilespmem:$0x17BA0] =	vst v63  }
0x152: {  	s10 =	sadd.s32 $0x70, s13;
	s13 =	sadd.s32 $0x1000, s13;
	s6 =	smov.u32 s14  }
0x153: {  	[hbm4b:s10+s3] =	stream.linear.scatter [tilespmem:s9], [sflag:$0x6], $0x80, $0x38;
	[tilespmem:$0x17BA0] =	vst v63  }
0x154: {  	s6 =	sadd.s32 $0x115A0, s5  }
0x155: {  	[hbm4b:s13+s3] =	stream.linear.scatter [tilespmem:s6], [sflag:$0x6], $0x80, $0x38;
	[tilespmem:$0x17BA0] =	vst v63  }
0x156: {  	s10 =	sadd.s32 $0x11628, s5;
	s14 =	sadd.s32 $0x10, s13  }
0x157: {  	[hbm4b:s14+s3] =	stream.linear.scatter [tilespmem:s10], [sflag:$0x6], $0x80, $0x38;
	[tilespmem:$0x17BA0] =	vst v63  }
0x158: {  	s10 =	sadd.s32 $0x116B0, s5;
	s14 =	sadd.s32 $0x20, s13  }
0x159: {  	[hbm4b:s14+s3] =	stream.linear.scatter [tilespmem:s10], [sflag:$0x6], $0x80, $0x38;
	[tilespmem:$0x17BA0] =	vst v63  }
0x15a: {  	s10 =	sadd.s32 $0x11738, s5;
	s14 =	sadd.s32 $0x30, s13  }
0x15b: {  	[hbm4b:s14+s3] =	stream.linear.scatter [tilespmem:s10], [sflag:$0x6], $0x80, $0x38;
	[tilespmem:$0x17BA0] =	vst v63  }
0x15c: {  	s10 =	sadd.s32 $0x117C0, s5;
	s14 =	sadd.s32 $0x40, s13  }
0x15d: {  	[hbm4b:s14+s3] =	stream.linear.scatter [tilespmem:s10], [sflag:$0x6], $0x80, $0x38;
	[tilespmem:$0x17BA0] =	vst v63  }
0x15e: {  	s10 =	sadd.s32 $0x11848, s5;
	s14 =	sadd.s32 $0x50, s13  }
0x15f: {  	[hbm4b:s14+s3] =	stream.linear.scatter [tilespmem:s10], [sflag:$0x6], $0x80, $0x38;
	[tilespmem:$0x17BA0] =	vst v63  }
0x160: {  	s9 =	simm.s32 @!p1 $0x93A0;
	s10 =	sadd.s32 $0x118D0, s5;
	s14 =	sadd.s32 $0x60, s13  }
0x161: {  	[hbm4b:s14+s3] =	stream.linear.scatter [tilespmem:s10], [sflag:$0x6], $0x80, $0x38;
	[tilespmem:$0x17BA0] =	vst v63  }
0x162: {  	s10 =	sadd.s32 $0x11958, s5;
	s14 =	sadd.s32 $0x70, s13;
	s13 =	simm.s32 $0x2  }
0x163: {  	[hbm4b:s14+s3] =	stream.linear.scatter [tilespmem:s10], [sflag:$0x6], $0x80, $0x38;
	[tilespmem:$0x17BA0] =	vst v63  }
0x164: {  	s5 =	sadd.s32 @!p1 $0x280, s20;
	v35 =	vmov s13;
	s13 =	simm.s32 $0x5;
	s10 =	simm.s32 $0x1  }
0x165: {  	s5 =	sand.u32 @!p1 $0xFE80, s5;
	s14 =	simm.s32 $0x3;
	v39 =	vmov s13;
	v35 =	vshrl.u32 v35, $0x3;
	_ =	swait.ge [sflag:s26], $0x2000;
	v34 =	vmov s10  }
0x166: {  	s10 =	simm.s32 $0x7;
	v36 =	vmov s14;
	s14 =	simm.s32 $0x6;
	v52 =	vshll.u32 v35, v1;
	v55 =	vshrl.u32 v39, $0x3;
	[sflag:s26] =	ssyncset.done $0x0  }
0x167: {  	s6 =	simm.s32 @!p1 $0x80;
	s5 =	sadd.s32 @!p1 $0xFA0, s5;
	v38 =	vmov s10;
	v40 =	vmov s14;
	v34 =	vshrl.u32 v34, $0x3;
	[sflag:s26] =	ssyncadd.s32 $0xFFFFE000  }
0x168: {  	v36 =	vshrl.u32 v36, $0x3;
	v52 =	vbroadcast v52, $0x0;
	v38 =	vshrl.u32 v38, $0x3;
	[tilespmem:s9], [sflag:$0x2] =	stream.indirect.gather @!p1 [spmem:s2], $0x40, s5, s6, $0xb8;
	[tilespmem:$0x17BA0] =	vst v63  }
0x169: {  	v34 =	vshll.u32 v34, v1;
	v53 =	vshll.u32 v36, v1;
	v38 =	vshll.u32 v38, v1;
	_ =	swait.ge @p2 [sflag:s11], $0x2000  }
0x16a: {  	v36 =	vshll.u32 v55, v1;
	v40 =	vshrl.u32 v40, $0x3;
	s9 =	simm.s32 $0x0;
	v38 =	vbroadcast v38, $0x0;
	[sflag:s11] =	ssyncset.done @p2 $0x0  }
0x16b: {  	s13 =	simm.s32 $0xB590;
	v45 =	vbroadcast v34, $0x0;
	v35 =	vbroadcast v53, $0x0;
	v33 =	vmov s9;
	[sflag:s11] =	ssyncadd.s32 @p2 $0xFFFFE000  }
0x16c: {  	v49 =	vadd.s32 v9, v52;
	s9 =	simm.s32 $0x4;
	v33 =	vshrl.u32 v33, $0x3;
	v42 =	vadd.s32 v29, v38;
	v41 =	vld [tilespmem:s13+$0xFFFFFFD0]  }
0x16d: {  	v37 =	vmov s9;
	v47 =	vadd.s32 v5, v45;
	v33 =	vshll.u32 v33, v1;
	v46 =	vld [tilespmem:s13+$0xFFFFFE50]  }
0x16e: {  	v56 =	vshll.u32 v40, v1;
	v37 =	vshrl.u32 v37, $0x3;
	v33 =	vbroadcast v33, $0x0;
	v48 =	vld [tilespmem:s13+$0xFFFFFE90]  }
0x16f: {  	v50 =	vadd.s32 v13, v35;
	v54 =	vshll.u32 v37, v1;
	v39 =	vld [tilespmem:s13+$0xFFFFFED0];
	v37 =	vbroadcast v36, $0x0  }
0x170: {  	v43 =	vld [tilespmem:s13+$0xFFFFFE10];
	v36 =	vbroadcast v56, $0x0;
	v44 =	vadd.s32 v0, v33  }
0x171: {  	v59 =	vld [tilespmem:s13+$0xFFFFFF50];
	v34 =	vbroadcast v54, $0x0;
	v60 =	vadd.s32 v21, v37;
	[tilespmem:v42+s28+$0x0] =	vst.idx.msk $0xffff, v41  }
0x172: {  	v61 =	vld [tilespmem:s13+$0xFFFFFF90];
	v62 =	vadd.s32 v25, v36;
	[tilespmem:v47+s28+$0x0] =	vst.idx.msk $0xffff, v46  }
0x173: {  	v51 =	vld [tilespmem:s13+$0xFFFFFF10];
	v53 =	vadd.s32 v17, v34;
	[tilespmem:v49+s28+$0x0] =	vst.idx.msk $0xffff, v48  }
0x174: {  	v58 =	vadd.s32 v30, v38;
	[tilespmem:v50+s28+$0x0] =	vst.idx.msk $0xffff, v39;
	v57 =	vld [tilespmem:s13+$0xFFFFFFE0]  }
0x175: {  	v63 =	vadd.s32 v6, v45;
	v47 =	vld [tilespmem:s13+$0xFFFFFE60];
	[tilespmem:v44+s28+$0x0] =	vst.idx.msk $0xffff, v43  }
0x176: {  	v55 =	vadd.s32 v10, v52;
	v54 =	vld [tilespmem:s13+$0xFFFFFEA0];
	[tilespmem:v60+s28+$0x0] =	vst.idx.msk $0xffff, v59  }
0x177: {  	v56 =	vadd.s32 v14, v35;
	v50 =	vld [tilespmem:s13+$0xFFFFFEE0];
	[tilespmem:v62+s28+$0x0] =	vst.idx.msk $0xffff, v61  }
0x178: {  	v46 =	vadd.s32 v22, v37;
	[tilespmem:v53+s28+$0x0] =	vst.idx.msk $0xffff, v51;
	v44 =	vld [tilespmem:s13+$0xFFFFFF60]  }
0x179: {  	v59 =	vadd.s32 v18, v34;
	[tilespmem:v58+s28+$0x0] =	vst.idx.msk $0xffff, v57;
	v58 =	vld [tilespmem:s13+$0xFFFFFF20]  }
0x17a: {  	v57 =	vadd.s32 v31, v38;
	[tilespmem:v63+s28+$0x0] =	vst.idx.msk $0xffff, v47;
	v40 =	vld [tilespmem:s13+$0xFFFFFFF0]  }
0x17b: {  	v62 =	vadd.s32 v2, v33;
	v61 =	vld [tilespmem:s13+$0xFFFFFE20];
	[tilespmem:v55+s28+$0x0] =	vst.idx.msk $0xffff, v54  }
0x17c: {  	v60 =	vadd.s32 v26, v36;
	v63 =	vld [tilespmem:s13+$0xFFFFFFA0];
	[tilespmem:v56+s28+$0x0] =	vst.idx.msk $0xffff, v50  }
0x17d: {  	v51 =	vadd.s32 v7, v45;
	v50 =	vld [tilespmem:s13+$0xFFFFFE70];
	[tilespmem:v46+s28+$0x0] =	vst.idx.msk $0xffff, v44  }
0x17e: {  	v56 =	vadd.s32 v11, v52;
	v55 =	vld [tilespmem:s13+$0xFFFFFEB0];
	[tilespmem:v59+s28+$0x0] =	vst.idx.msk $0xffff, v58  }
0x17f: {  	v58 =	vadd.s32 v15, v35;
	[tilespmem:v57+s28+$0x0] =	vst.idx.msk $0xffff, v40;
	v57 =	vld [tilespmem:s13+$0xFFFFFEF0]  }
0x180: {  	v38 =	vadd.s32 v32, v38;
	[tilespmem:v62+s28+$0x0] =	vst.idx.msk $0xffff, v61;
	v54 =	vld [tilespmem:s13+$0x0]  }
0x181: {  	s9 =	simm.s32 $0x9;
	[tilespmem:v60+s28+$0x0] =	vst.idx.msk $0xffff, v63;
	v60 =	vadd.s32 v19, v34;
	v59 =	vld [tilespmem:s13+$0xFFFFFF30]  }
0x182: {  	v41 =	vadd.s32 v23, v37;
	v53 =	vmov s9;
	s9 =	simm.s32 $0xC;
	[tilespmem:v51+s28+$0x0] =	vst.idx.msk $0xffff, v50;
	v40 =	vld [tilespmem:s13+$0xFFFFFF70]  }
0x183: {  	s14 =	simm.s32 $0xB;
	s6 =	simm.s32 $0x8;
	v48 =	vadd.s32 v3, v33;
	v43 =	vadd.s32 v27, v36;
	v47 =	vmov s9;
	v42 =	vld [tilespmem:s13+$0xFFFFFFB0];
	[tilespmem:v56+s28+$0x0] =	vst.idx.msk $0xffff, v55  }
0x184: {  	s10 =	simm.s32 $0xA;
	v52 =	vadd.s32 v12, v52;
	v44 =	vmov s14;
	v46 =	vld [tilespmem:s13+$0xFFFFFE30];
	v63 =	vmov s6;
	[tilespmem:v58+s28+$0x0] =	vst.idx.msk $0xffff, v57  }
0x185: {  	s14 =	simm.s32 $0xE;
	v39 =	vshrl.u32 v63, $0x3;
	v51 =	vadd.s32 v8, v45;
	v49 =	vld [tilespmem:s13+$0xFFFFFE80];
	[tilespmem:v38+s28+$0x0] =	vst.idx.msk $0xffff, v54;
	v54 =	vmov s10;
	s10 =	simm.s32 $0xD  }
0x186: {  	s5 =	simm.s32 $0x10;
	s6 =	simm.s32 $0xF;
	v45 =	vshll.u32 v39, v1;
	v39 =	vmov s14;
	v50 =	vld [tilespmem:s13+$0xFFFFFEC0];
	[tilespmem:v60+s28+$0x0] =	vst.idx.msk $0xffff, v59;
	v38 =	vmov s10  }
.LBB2_11:
0x187: {  	p3 =	slt.u32 s5, $0x78;
	v53 =	vshrl.u32 v53, $0x3;
	v55 =	vmov s6;
	v56 =	vld [tilespmem:s13+$0xFFFFFF00];
	v35 =	vadd.s32 v16, v35;
	[tilespmem:v41+s28+$0x0] =	vst.idx.msk $0xffff, v40  }
0x188: {  	v40 =	vshrl.u32 v54, $0x3;
	v34 =	vadd.s32 v20, v34;
	v41 =	vshrl.u32 v55, $0x3;
	v54 =	vld [tilespmem:s13+$0xFFFFFF40];
	[tilespmem:v43+s28+$0x0] =	vst.idx.msk $0xffff, v42  }
0x189: {  	v37 =	vadd.s32 v24, v37;
	v42 =	vshrl.u32 v44, $0x3;
	v41 =	vshll.u32 v41, v1;
	[tilespmem:v48+s28+$0x0] =	vst.idx.msk $0xffff, v46;
	v43 =	vld [tilespmem:s13+$0xFFFFFF80]  }
0x18a: {  	v36 =	vadd.s32 v28, v36;
	v44 =	vshrl.u32 v47, $0x3;
	v41 =	vbroadcast v41, $0x0;
	[tilespmem:v51+s28+$0x0] =	vst.idx.msk $0xffff, v49;
	v46 =	vld [tilespmem:s13+$0xFFFFFFC0]  }
0x18b: {  	v47 =	vshll.u32 v53, v1;
	v49 =	vadd.s32 v4, v33;
	v33 =	vbroadcast v45, $0x0;
	v48 =	vld [tilespmem:s13+$0xFFFFFE40];
	[tilespmem:v52+s28+$0x0] =	vst.idx.msk $0xffff, v50;
	s13 =	sadd.s32 $0x200, s13  }
0x18c: {  	v40 =	vshll.u32 v40, v1;
	v45 =	vbroadcast v47, $0x0;
	v47 =	vld [tilespmem:s13+$0xFFFFFFD0];
	v50 =	vadd.s32 v29, v41;
	[tilespmem:v35+s28+$0x0] =	vst.idx.msk $0xffff, v56  }
0x18d: {  	v55 =	vbroadcast v40, $0x0;
	v52 =	vadd.s32 v0, v33;
	v35 =	vshll.u32 v42, v1;
	v51 =	vld [tilespmem:s13+$0xFFFFFE10];
	[tilespmem:v34+s28+$0x0] =	vst.idx.msk $0xffff, v54  }
0x18e: {  	v42 =	vadd.s32 v5, v45;
	v35 =	vbroadcast v35, $0x0;
	v34 =	vshll.u32 v44, v1;
	v40 =	vld [tilespmem:s13+$0xFFFFFE50];
	[tilespmem:v37+s28+$0x0] =	vst.idx.msk $0xffff, v43  }
0x18f: {  	v44 =	vadd.s32 v9, v55;
	v34 =	vbroadcast v34, $0x0;
	v37 =	vshrl.u32 v38, $0x3;
	v43 =	vld [tilespmem:s13+$0xFFFFFE90];
	[tilespmem:v36+s28+$0x0] =	vst.idx.msk $0xffff, v46  }
0x190: {  	v39 =	vshrl.u32 v39, $0x3;
	v46 =	vadd.s32 v13, v35;
	v36 =	vshll.u32 v37, v1;
	v38 =	vld [tilespmem:s13+$0xFFFFFED0];
	[tilespmem:v49+s28+$0x0] =	vst.idx.msk $0xffff, v48  }
0x191: {  	v49 =	vadd.s32 v17, v34;
	v37 =	vbroadcast v36, $0x0;
	v36 =	vshll.u32 v39, v1;
	v48 =	vld [tilespmem:s13+$0xFFFFFF10];
	[tilespmem:v50+s28+$0x0] =	vst.idx.msk $0xffff, v47  }
0x192: {  	v36 =	vbroadcast v36, $0x0;
	v47 =	vadd.s32 v30, v41;
	[tilespmem:v52+s28+$0x0] =	vst.idx.msk $0xffff, v51;
	v39 =	vld [tilespmem:s13+$0xFFFFFFE0]  }
0x193: {  	[tilespmem:v42+s28+$0x0] =	vst.idx.msk $0xffff, v40;
	v40 =	vld [tilespmem:s13+$0xFFFFFF50];
	v42 =	vadd.s32 v21, v37  }
0x194: {  	[tilespmem:v44+s28+$0x0] =	vst.idx.msk $0xffff, v43;
	v43 =	vld [tilespmem:s13+$0xFFFFFF90];
	v44 =	vadd.s32 v25, v36  }
0x195: {  	v51 =	vadd.s32 v6, v45;
	v50 =	vld [tilespmem:s13+$0xFFFFFE60];
	[tilespmem:v46+s28+$0x0] =	vst.idx.msk $0xffff, v38  }
0x196: {  	v46 =	vadd.s32 v10, v55;
	v38 =	vld [tilespmem:s13+$0xFFFFFEA0];
	[tilespmem:v49+s28+$0x0] =	vst.idx.msk $0xffff, v48  }
0x197: {  	v49 =	vadd.s32 v14, v35;
	v48 =	vld [tilespmem:s13+$0xFFFFFEE0];
	[tilespmem:v47+s28+$0x0] =	vst.idx.msk $0xffff, v39  }
0x198: {  	[tilespmem:v42+s28+$0x0] =	vst.idx.msk $0xffff, v40;
	v39 =	vld [tilespmem:s13+$0xFFFFFFF0];
	v40 =	vadd.s32 v31, v41  }
0x199: {  	v47 =	vadd.s32 v18, v34;
	v42 =	vld [tilespmem:s13+$0xFFFFFF20];
	[tilespmem:v44+s28+$0x0] =	vst.idx.msk $0xffff, v43  }
0x19a: {  	v44 =	vadd.s32 v22, v37;
	[tilespmem:v51+s28+$0x0] =	vst.idx.msk $0xffff, v50;
	v43 =	vld [tilespmem:s13+$0xFFFFFF60]  }
0x19b: {  	[tilespmem:v46+s28+$0x0] =	vst.idx.msk $0xffff, v38;
	v38 =	vld [tilespmem:s13+$0xFFFFFFA0];
	v46 =	vadd.s32 v26, v36  }
0x19c: {  	v51 =	vadd.s32 v2, v33;
	v50 =	vld [tilespmem:s13+$0xFFFFFE20];
	[tilespmem:v49+s28+$0x0] =	vst.idx.msk $0xffff, v48  }
0x19d: {  	v49 =	vadd.s32 v7, v45;
	v48 =	vld [tilespmem:s13+$0xFFFFFE70];
	[tilespmem:v40+s28+$0x0] =	vst.idx.msk $0xffff, v39  }
0x19e: {  	[tilespmem:v47+s28+$0x0] =	vst.idx.msk $0xffff, v42;
	v39 =	vld [tilespmem:s13+$0x0];
	v47 =	vadd.s32 v32, v41  }
0x19f: {  	v56 =	vadd.s32 v11, v55;
	v52 =	vld [tilespmem:s13+$0xFFFFFEB0];
	[tilespmem:v44+s28+$0x0] =	vst.idx.msk $0xffff, v43  }
0x1a0: {  	v58 =	vadd.s32 v15, v35;
	v57 =	vld [tilespmem:s13+$0xFFFFFEF0];
	[tilespmem:v46+s28+$0x0] =	vst.idx.msk $0xffff, v38  }
0x1a1: {  	v60 =	vadd.s32 v19, v34;
	[tilespmem:v51+s28+$0x0] =	vst.idx.msk $0xffff, v50;
	v59 =	vld [tilespmem:s13+$0xFFFFFF30]  }
.Ltmp4:
0x1a2: {  	s6 =	sadd.s32 $0x1, s5;
	v41 =	vadd.s32 v23, v37;
	v38 =	vmov s5;
	[tilespmem:v49+s28+$0x0] =	vst.idx.msk $0xffff, v48;
	v40 =	vld [tilespmem:s13+$0xFFFFFF70];
	(pc) =	sbr.rel @p3 .LBB2_11-.Ltmp4, $4  }
0x1a3: {  	s9 =	sadd.s32 $0x3, s5;
	v53 =	vmov s6;
	s6 =	sadd.s32 $0x2, s5;
	v43 =	vadd.s32 v27, v36;
	v50 =	vshrl.u32 v38, $0x3;
	v42 =	vld [tilespmem:s13+$0xFFFFFFB0];
	[tilespmem:v47+s28+$0x0] =	vst.idx.msk $0xffff, v39  }
0x1a4: {  	v54 =	vmov s6;
	s6 =	sadd.s32 $0x4, s5;
	v44 =	vmov s9;
	s9 =	sadd.s32 $0x5, s5;
	v48 =	vadd.s32 v3, v33;
	v46 =	vld [tilespmem:s13+$0xFFFFFE30];
	[tilespmem:v56+s28+$0x0] =	vst.idx.msk $0xffff, v52  }
0x1a5: {  	v38 =	vmov s9;
	v51 =	vadd.s32 v8, v45;
	v47 =	vmov s6;
	s6 =	sadd.s32 $0x6, s5;
	v49 =	vld [tilespmem:s13+$0xFFFFFE80];
	[tilespmem:v58+s28+$0x0] =	vst.idx.msk $0xffff, v57  }
0x1a6: {  	v45 =	vshll.u32 v50, v1;
	v39 =	vmov s6;
	s6 =	sadd.s32 $0x7, s5;
	s5 =	sadd.s32 $0x8, s5;
	v52 =	vadd.s32 v12, v55;
	v50 =	vld [tilespmem:s13+$0xFFFFFEC0];
	[tilespmem:v60+s28+$0x0] =	vst.idx.msk $0xffff, v59  }
0x1a7: {  	_ =	sdelay $0x2  }
0x1a8: {  	v53 =	vshrl.u32 v53, $0x3  }
0x1a9: {  	v55 =	vmov s6;
	v56 =	vld [tilespmem:s13+$0xFFFFFF00];
	v35 =	vadd.s32 v16, v35;
	[tilespmem:v41+s28+$0x0] =	vst.idx.msk $0xffff, v40;
	v57 =	vshrl.u32 v54, $0x3  }
0x1aa: {  	v59 =	vld [tilespmem:s13+$0xFFFFFF40];
	v34 =	vadd.s32 v20, v34;
	v60 =	vshrl.u32 v44, $0x3;
	v58 =	vshrl.u32 v55, $0x3;
	[tilespmem:v43+s28+$0x0] =	vst.idx.msk $0xffff, v42  }
0x1ab: {  	v37 =	vadd.s32 v24, v37;
	v62 =	vshrl.u32 v47, $0x3;
	v61 =	vld [tilespmem:s13+$0xFFFFFF80];
	v41 =	vshll.u32 v58, v1;
	[tilespmem:v48+s28+$0x0] =	vst.idx.msk $0xffff, v46  }
0x1ac: {  	v36 =	vadd.s32 v28, v36;
	v45 =	vbroadcast v45, $0x0;
	v63 =	vld [tilespmem:s13+$0xFFFFFFC0];
	v41 =	vbroadcast v41, $0x0;
	[tilespmem:v51+s28+$0x0] =	vst.idx.msk $0xffff, v49  }
0x1ad: {  	v33 =	vadd.s32 v4, v33;
	s5 =	sadd.s32 $0x200, s13;
	v38 =	vshrl.u32 v38, $0x3;
	v55 =	vshll.u32 v53, v1;
	v48 =	vld [tilespmem:s13+$0xFFFFFE40];
	[tilespmem:v52+s28+$0x0] =	vst.idx.msk $0xffff, v50  }
0x1ae: {  	v40 =	vshll.u32 v57, v1;
	v47 =	vbroadcast v55, $0x0;
	v49 =	vld [tilespmem:s5+$0xFFFFFFD0];
	v50 =	vadd.s32 v29, v41;
	[tilespmem:v35+s28+$0x0] =	vst.idx.msk $0xffff, v56  }
0x1af: {  	v42 =	vshll.u32 v60, v1;
	v40 =	vbroadcast v40, $0x0;
	v35 =	vld [tilespmem:s5+$0xFFFFFE10];
	v56 =	vadd.s32 v0, v45;
	[tilespmem:v34+s28+$0x0] =	vst.idx.msk $0xffff, v59  }
0x1b0: {  	v57 =	vld [tilespmem:s5+$0xFFFFFE50];
	v44 =	vshll.u32 v62, v1;
	v42 =	vbroadcast v42, $0x0;
	v58 =	vadd.s32 v5, v47;
	[tilespmem:v37+s28+$0x0] =	vst.idx.msk $0xffff, v61  }
0x1b1: {  	v38 =	vshll.u32 v38, v1;
	v44 =	vbroadcast v44, $0x0;
	v60 =	vadd.s32 v9, v40;
	v59 =	vld [tilespmem:s5+$0xFFFFFE90];
	[tilespmem:v36+s28+$0x0] =	vst.idx.msk $0xffff, v63  }
0x1b2: {  	v38 =	vbroadcast v38, $0x0;
	v62 =	vadd.s32 v13, v42;
	v61 =	vld [tilespmem:s5+$0xFFFFFED0];
	[tilespmem:v33+s28+$0x0] =	vst.idx.msk $0xffff, v48  }
0x1b3: {  	v39 =	vshrl.u32 v39, $0x3;
	v63 =	vadd.s32 v17, v44;
	v33 =	vld [tilespmem:s5+$0xFFFFFF10];
	[tilespmem:v50+s28+$0x0] =	vst.idx.msk $0xffff, v49  }
0x1b4: {  	v39 =	vshll.u32 v39, v1;
	v34 =	vld [tilespmem:s5+$0xFFFFFF50];
	[tilespmem:v56+s28+$0x0] =	vst.idx.msk $0xffff, v35;
	v56 =	vadd.s32 v21, v38  }
0x1b5: {  	[tilespmem:v58+s28+$0x0] =	vst.idx.msk $0xffff, v57;
	v35 =	vbroadcast v39, $0x0;
	v49 =	vadd.s32 v30, v41;
	v39 =	vld [tilespmem:s5+$0xFFFFFFE0]  }
0x1b6: {  	[tilespmem:v60+s28+$0x0] =	vst.idx.msk $0xffff, v59;
	v59 =	vld [tilespmem:s5+$0xFFFFFE60];
	v60 =	vadd.s32 v6, v47  }
0x1b7: {  	v57 =	vld [tilespmem:s5+$0xFFFFFF90];
	[tilespmem:v62+s28+$0x0] =	vst.idx.msk $0xffff, v61;
	v58 =	vadd.s32 v25, v35  }
0x1b8: {  	v61 =	vld [tilespmem:s5+$0xFFFFFEA0];
	v62 =	vadd.s32 v10, v40;
	[tilespmem:v63+s28+$0x0] =	vst.idx.msk $0xffff, v33  }
0x1b9: {  	v33 =	vld [tilespmem:s5+$0xFFFFFEE0];
	v63 =	vadd.s32 v14, v42;
	[tilespmem:v56+s28+$0x0] =	vst.idx.msk $0xffff, v34  }
0x1ba: {  	v56 =	vadd.s32 v18, v44;
	[tilespmem:v49+s28+$0x0] =	vst.idx.msk $0xffff, v39;
	v49 =	vld [tilespmem:s5+$0xFFFFFF20]  }
0x1bb: {  	[tilespmem:v60+s28+$0x0] =	vst.idx.msk $0xffff, v59;
	v39 =	vadd.s32 v31, v41;
	v34 =	vld [tilespmem:s5+$0xFFFFFFF0]  }
0x1bc: {  	[tilespmem:v58+s28+$0x0] =	vst.idx.msk $0xffff, v57;
	v57 =	vld [tilespmem:s5+$0xFFFFFF60];
	v58 =	vadd.s32 v22, v38  }
0x1bd: {  	[tilespmem:v62+s28+$0x0] =	vst.idx.msk $0xffff, v61;
	v61 =	vld [tilespmem:s5+$0xFFFFFE20];
	v62 =	vadd.s32 v2, v45  }
0x1be: {  	v60 =	vadd.s32 v26, v35;
	v59 =	vld [tilespmem:s5+$0xFFFFFFA0];
	[tilespmem:v63+s28+$0x0] =	vst.idx.msk $0xffff, v33  }
0x1bf: {  	v55 =	vadd.s32 v11, v40;
	v54 =	vadd.s32 v32, v41;
	v41 =	vld [tilespmem:s5+$0xFFFFFEB0];
	[tilespmem:v56+s28+$0x0] =	vst.idx.msk $0xffff, v49  }
0x1c0: {  	v53 =	vadd.s32 v7, v47;
	v63 =	vld [tilespmem:s5+$0xFFFFFE70];
	[tilespmem:v39+s28+$0x0] =	vst.idx.msk $0xffff, v34  }
0x1c1: {  	v56 =	vld [tilespmem:s5+$0xFFFFFEF0];
	[tilespmem:v58+s28+$0x0] =	vst.idx.msk $0xffff, v57;
	v57 =	vadd.s32 v15, v42  }
0x1c2: {  	[tilespmem:v62+s28+$0x0] =	vst.idx.msk $0xffff, v61;
	v34 =	vld [tilespmem:s5+$0x0]  }
0x1c3: {  	v58 =	vld [tilespmem:s5+$0xFFFFFF30];
	[tilespmem:v60+s28+$0x0] =	vst.idx.msk $0xffff, v59;
	v59 =	vadd.s32 v19, v44  }
0x1c4: {  	v61 =	vadd.s32 v23, v38;
	[tilespmem:v55+s28+$0x0] =	vst.idx.msk $0xffff, v41;
	v60 =	vld [tilespmem:s5+$0xFFFFFF70]  }
0x1c5: {  	[tilespmem:v53+s28+$0x0] =	vst.idx.msk $0xffff, v63;
	v63 =	vadd.s32 v27, v35;
	v62 =	vld [tilespmem:s5+$0xFFFFFFB0]  }
0x1c6: {  	v47 =	vadd.s32 v8, v47;
	v55 =	vld [tilespmem:s5+$0xFFFFFE80];
	[tilespmem:v57+s28+$0x0] =	vst.idx.msk $0xffff, v56  }
0x1c7: {  	v53 =	vld [tilespmem:s5+$0xFFFFFE30];
	[tilespmem:v54+s28+$0x0] =	vst.idx.msk $0xffff, v34;
	v54 =	vadd.s32 v3, v45  }
0x1c8: {  	v40 =	vadd.s32 v12, v40;
	v56 =	vld [tilespmem:s5+$0xFFFFFEC0];
	[tilespmem:v59+s28+$0x0] =	vst.idx.msk $0xffff, v58  }
0x1c9: {  	v42 =	vadd.s32 v16, v42;
	v57 =	vld [tilespmem:s5+$0xFFFFFF00];
	[tilespmem:v61+s28+$0x0] =	vst.idx.msk $0xffff, v60  }
0x1ca: {  	v59 =	vadd.s32 v20, v44;
	v58 =	vld [tilespmem:s5+$0xFFFFFF40];
	[tilespmem:v63+s28+$0x0] =	vst.idx.msk $0xffff, v62  }
0x1cb: {  	v38 =	vadd.s32 v24, v38;
	v60 =	vld [tilespmem:s5+$0xFFFFFF80];
	[tilespmem:v47+s28+$0x0] =	vst.idx.msk $0xffff, v55  }
0x1cc: {  	v35 =	vadd.s32 v28, v35;
	v61 =	vld [tilespmem:s5+$0xFFFFFFC0];
	[tilespmem:v54+s28+$0x0] =	vst.idx.msk $0xffff, v53  }
0x1cd: {  	v63 =	vadd.s32 v4, v45;
	[tilespmem:v40+s28+$0x0] =	vst.idx.msk $0xffff, v56;
	v62 =	vld [tilespmem:s5+$0xFFFFFE40]  }
0x1ce: {  	[tilespmem:v42+s28+$0x0] =	vst.idx.msk $0xffff, v57  }
0x1cf: {  	[tilespmem:v59+s28+$0x0] =	vst.idx.msk $0xffff, v58  }
0x1d0: {  	[tilespmem:v38+s28+$0x0] =	vst.idx.msk $0xffff, v60  }
0x1d1: {  	[tilespmem:v35+s28+$0x0] =	vst.idx.msk $0xffff, v61  }
0x1d2: {  	s6 =	simm.s32 $0x137A0;
	s13 =	sadd.s32 s19, s8;
	[tilespmem:v63+s28+$0x0] =	vst.idx.msk $0xffff, v62  }
0x1d3: {  	[hbm4b:s13+s3] =	stream.linear.scatter [tilespmem:s6], [sflag:$0x7], $0x80, $0x38;
	[tilespmem:$0x17BA0] =	vst v63  }
0x1d4: {  	s9 =	simm.s32 $0x13828;
	s10 =	sadd.s32 $0x10, s13  }
0x1d5: {  	[hbm4b:s10+s3] =	stream.linear.scatter [tilespmem:s9], [sflag:$0x7], $0x80, $0x38;
	[tilespmem:$0x17BA0] =	vst v63  }
0x1d6: {  	s14 =	simm.s32 $0x138B0;
	s19 =	sadd.s32 $0x20, s13;
	s5 =	simm.s32 $0x440  }
0x1d7: {  	[hbm4b:s19+s3] =	stream.linear.scatter [tilespmem:s14], [sflag:$0x7], $0x80, $0x38;
	[tilespmem:$0x17BA0] =	vst v63  }
0x1d8: {  	s6 =	simm.s32 $0x2200;
	s9 =	simm.s32 $0x13938;
	s10 =	sadd.s32 $0x30, s13  }
0x1d9: {  	[hbm4b:s10+s3] =	stream.linear.scatter [tilespmem:s9], [sflag:$0x7], $0x80, $0x38;
	[tilespmem:$0x17BA0] =	vst v63  }
0x1da: {  	s14 =	simm.s32 $0x139C0;
	s19 =	sadd.s32 $0x40, s13;
	s9 =	simm.s32 $0x13A48  }
0x1db: {  	[hbm4b:s19+s3] =	stream.linear.scatter [tilespmem:s14], [sflag:$0x7], $0x80, $0x38;
	[tilespmem:$0x17BA0] =	vst v63  }
0x1dc: {  	s10 =	sadd.s32 $0x50, s13;
	s14 =	simm.s32 $0x13AD0;
	s19 =	sadd.s32 $0x60, s13  }
0x1dd: {  	[hbm4b:s10+s3] =	stream.linear.scatter [tilespmem:s9], [sflag:$0x7], $0x80, $0x38;
	[tilespmem:$0x17BA0] =	vst v63  }
0x1de: {  	s9 =	simm.s32 $0x13B58;
	s10 =	sadd.s32 $0x70, s13;
	s13 =	sadd.s32 $0x1000, s13  }
0x1df: {  	[hbm4b:s19+s3] =	stream.linear.scatter [tilespmem:s14], [sflag:$0x7], $0x80, $0x38;
	[tilespmem:$0x17BA0] =	vst v63  }
.LBB2_13:
0x1e0: {  	[hbm4b:s10+s3] =	stream.linear.scatter [tilespmem:s9], [sflag:$0x7], $0x80, $0x38;
	[tilespmem:$0x17BA0] =	vst v63  }
0x1e1: {  	s9 =	smov.u32 s5;
	s5 =	smov.u32 s6  }
0x1e2: {  	s14 =	sadd.s32 $0x1100, s6;
	s5 =	sshra.s32 s5, $0x2;
	s10 =	sadd.s32 $0x137A0, s9  }
0x1e3: {  	[hbm4b:s13+s3] =	stream.linear.scatter [tilespmem:s10], [sflag:$0x7], $0x80, $0x38;
	[tilespmem:$0x17BA0] =	vst v63  }
0x1e4: {  	p3 =	sne.s32 s6, $0x7700;
	s6 =	sadd.s32 $0x13828, s9;
	s10 =	sadd.s32 $0x10, s13  }
0x1e5: {  	[hbm4b:s10+s3] =	stream.linear.scatter [tilespmem:s6], [sflag:$0x7], $0x80, $0x38;
	[tilespmem:$0x17BA0] =	vst v63  }
0x1e6: {  	s6 =	sadd.s32 $0x138B0, s9;
	s10 =	sadd.s32 $0x20, s13  }
0x1e7: {  	[hbm4b:s10+s3] =	stream.linear.scatter [tilespmem:s6], [sflag:$0x7], $0x80, $0x38;
	[tilespmem:$0x17BA0] =	vst v63  }
0x1e8: {  	s6 =	sadd.s32 $0x13938, s9;
	s10 =	sadd.s32 $0x30, s13  }
0x1e9: {  	[hbm4b:s10+s3] =	stream.linear.scatter [tilespmem:s6], [sflag:$0x7], $0x80, $0x38;
	[tilespmem:$0x17BA0] =	vst v63  }
0x1ea: {  	s6 =	sadd.s32 $0x139C0, s9;
	s10 =	sadd.s32 $0x40, s13  }
0x1eb: {  	[hbm4b:s10+s3] =	stream.linear.scatter [tilespmem:s6], [sflag:$0x7], $0x80, $0x38;
	[tilespmem:$0x17BA0] =	vst v63  }
.Ltmp5:
0x1ec: {  	s6 =	sadd.s32 $0x13A48, s9;
	s10 =	sadd.s32 $0x50, s13;
	(pc) =	sbr.rel @p3 .LBB2_13-.Ltmp5, $4  }
0x1ed: {  	[hbm4b:s10+s3] =	stream.linear.scatter [tilespmem:s6], [sflag:$0x7], $0x80, $0x38;
	[tilespmem:$0x17BA0] =	vst v63  }
0x1ee: {  	s6 =	sadd.s32 $0x13AD0, s9;
	s10 =	sadd.s32 $0x60, s13;
	s9 =	sadd.s32 $0x13B58, s9  }
0x1ef: {  	[hbm4b:s10+s3] =	stream.linear.scatter [tilespmem:s6], [sflag:$0x7], $0x80, $0x38;
	[tilespmem:$0x17BA0] =	vst v63  }
0x1f0: {  	s10 =	sadd.s32 $0x70, s13;
	s13 =	sadd.s32 $0x1000, s13;
	s6 =	smov.u32 s14  }
0x1f1: {  	[hbm4b:s10+s3] =	stream.linear.scatter [tilespmem:s9], [sflag:$0x7], $0x80, $0x38;
	[tilespmem:$0x17BA0] =	vst v63  }
0x1f2: {  	s6 =	sadd.s32 $0x137A0, s5  }
0x1f3: {  	[hbm4b:s13+s3] =	stream.linear.scatter [tilespmem:s6], [sflag:$0x7], $0x80, $0x38;
	[tilespmem:$0x17BA0] =	vst v63  }
0x1f4: {  	s9 =	sadd.s32 $0x13828, s5;
	s10 =	sadd.s32 $0x10, s13  }
0x1f5: {  	[hbm4b:s10+s3] =	stream.linear.scatter [tilespmem:s9], [sflag:$0x7], $0x80, $0x38;
	[tilespmem:$0x17BA0] =	vst v63  }
0x1f6: {  	s14 =	sadd.s32 $0x138B0, s5;
	s19 =	sadd.s32 $0x20, s13;
	s6 =	simm.s32 @!p1 $0x80  }
0x1f7: {  	[hbm4b:s19+s3] =	stream.linear.scatter [tilespmem:s14], [sflag:$0x7], $0x80, $0x38;
	[tilespmem:$0x17BA0] =	vst v63  }
0x1f8: {  	s9 =	sadd.s32 $0x13938, s5;
	s10 =	sadd.s32 $0x30, s13;
	s14 =	sadd.s32 $0x139C0, s5  }
0x1f9: {  	[hbm4b:s10+s3] =	stream.linear.scatter [tilespmem:s9], [sflag:$0x7], $0x80, $0x38;
	[tilespmem:$0x17BA0] =	vst v63  }
0x1fa: {  	s19 =	sadd.s32 $0x40, s13;
	s9 =	sadd.s32 $0x13A48, s5;
	s10 =	sadd.s32 $0x50, s13  }
0x1fb: {  	[hbm4b:s19+s3] =	stream.linear.scatter [tilespmem:s14], [sflag:$0x7], $0x80, $0x38;
	[tilespmem:$0x17BA0] =	vst v63  }
0x1fc: {  	s14 =	sadd.s32 $0x13AD0, s5;
	s19 =	sadd.s32 $0x60, s13;
	s13 =	sadd.s32 $0x70, s13  }
0x1fd: {  	[hbm4b:s10+s3] =	stream.linear.scatter [tilespmem:s9], [sflag:$0x7], $0x80, $0x38;
	[tilespmem:$0x17BA0] =	vst v63  }
0x1fe: {  	s10 =	sadd.s32 $0x13B58, s5;
	s5 =	sadd.s32 @!p1 $0x300, s20;
	s9 =	simm.s32 @!p1 $0xB3A0  }
0x1ff: {  	[hbm4b:s19+s3] =	stream.linear.scatter [tilespmem:s14], [sflag:$0x7], $0x80, $0x38;
	[tilespmem:$0x17BA0] =	vst v63  }
0x200: {  	s20 =	simm.s32 $0x2;
	s14 =	simm.s32 $0x0;
	s19 =	simm.s32 $0x1  }
0x201: {  	v35 =	vmov s20;
	[hbm4b:s13+s3] =	stream.linear.scatter [tilespmem:s10], [sflag:$0x7], $0x80, $0x38;
	[tilespmem:$0x17BA0] =	vst v63  }
0x202: {  	s5 =	sand.u32 @!p1 $0xFF00, s5;
	v35 =	vshrl.u32 v35, $0x3;
	v33 =	vmov s14;
	v34 =	vmov s19;
	s14 =	simm.s32 $0x5;
	_ =	swait.ge [sflag:s29], $0x2000  }
0x203: {  	s19 =	simm.s32 $0x6;
	v52 =	vshll.u32 v35, v1;
	v33 =	vshrl.u32 v33, $0x3;
	s13 =	simm.s32 $0x7;
	v39 =	vmov s14;
	[sflag:s29] =	ssyncset.done $0x0  }
0x204: {  	s5 =	sadd.s32 @!p1 $0xFA0, s5;
	s10 =	simm.s32 $0x4;
	v40 =	vmov s19;
	v34 =	vshrl.u32 v34, $0x3;
	v38 =	vmov s13;
	[sflag:s29] =	ssyncadd.s32 $0xFFFFE000  }
0x205: {  	v52 =	vbroadcast v52, $0x0;
	v37 =	vmov s10;
	v38 =	vshrl.u32 v38, $0x3;
	[tilespmem:s9], [sflag:$0x3] =	stream.indirect.gather @!p1 [spmem:s2], $0x40, s5, s6, $0xb8;
	[tilespmem:$0x17BA0] =	vst v63  }
0x206: {  	v33 =	vshll.u32 v33, v1;
	v34 =	vshll.u32 v34, v1;
	v38 =	vshll.u32 v38, v1;
	_ =	swait.ge @p2 [sflag:s12], $0x2000  }
0x207: {  	v55 =	vshrl.u32 v39, $0x3;
	v40 =	vshrl.u32 v40, $0x3;
	v38 =	vbroadcast v38, $0x0;
	[sflag:s12] =	ssyncset.done @p2 $0x0  }
0x208: {  	s13 =	simm.s32 $0xD590;
	v37 =	vshrl.u32 v37, $0x3;
	v33 =	vbroadcast v33, $0x0;
	v45 =	vbroadcast v34, $0x0;
	s9 =	simm.s32 $0x3;
	[sflag:s12] =	ssyncadd.s32 @p2 $0xFFFFE000  }
0x209: {  	v49 =	vadd.s32 v9, v52;
	v36 =	vmov s9;
	v42 =	vadd.s32 v29, v38;
	v41 =	vld [tilespmem:s13+$0xFFFFFFD0]  }
0x20a: {  	v54 =	vshll.u32 v37, v1;
	v44 =	vadd.s32 v0, v33;
	v36 =	vshrl.u32 v36, $0x3;
	v43 =	vld [tilespmem:s13+$0xFFFFFE10]  }
0x20b: {  	v47 =	vadd.s32 v5, v45;
	v34 =	vbroadcast v54, $0x0;
	v53 =	vshll.u32 v36, v1;
	v46 =	vld [tilespmem:s13+$0xFFFFFE50]  }
0x20c: {  	v56 =	vshll.u32 v40, v1;
	v36 =	vshll.u32 v55, v1;
	v35 =	vbroadcast v53, $0x0;
	v48 =	vld [tilespmem:s13+$0xFFFFFE90]  }
0x20d: {  	v51 =	vld [tilespmem:s13+$0xFFFFFF10];
	v53 =	vadd.s32 v17, v34;
	v37 =	vbroadcast v36, $0x0;
	v36 =	vbroadcast v56, $0x0  }
0x20e: {  	v39 =	vld [tilespmem:s13+$0xFFFFFED0];
	v50 =	vadd.s32 v13, v35;
	[tilespmem:v42+s30+$0x0] =	vst.idx.msk $0xffff, v41  }
0x20f: {  	v61 =	vld [tilespmem:s13+$0xFFFFFF90];
	v62 =	vadd.s32 v25, v36;
	[tilespmem:v44+s30+$0x0] =	vst.idx.msk $0xffff, v43  }
0x210: {  	v59 =	vld [tilespmem:s13+$0xFFFFFF50];
	v60 =	vadd.s32 v21, v37;
	[tilespmem:v47+s30+$0x0] =	vst.idx.msk $0xffff, v46  }
0x211: {  	v58 =	vadd.s32 v30, v38;
	[tilespmem:v49+s30+$0x0] =	vst.idx.msk $0xffff, v48;
	v57 =	vld [tilespmem:s13+$0xFFFFFFE0]  }
0x212: {  	v63 =	vadd.s32 v6, v45;
	[tilespmem:v53+s30+$0x0] =	vst.idx.msk $0xffff, v51;
	v47 =	vld [tilespmem:s13+$0xFFFFFE60]  }
0x213: {  	v55 =	vadd.s32 v10, v52;
	v54 =	vld [tilespmem:s13+$0xFFFFFEA0];
	[tilespmem:v50+s30+$0x0] =	vst.idx.msk $0xffff, v39  }
0x214: {  	[tilespmem:v62+s30+$0x0] =	vst.idx.msk $0xffff, v61;
	v61 =	vld [tilespmem:s13+$0xFFFFFE20];
	v62 =	vadd.s32 v2, v33  }
0x215: {  	v56 =	vadd.s32 v14, v35;
	[tilespmem:v60+s30+$0x0] =	vst.idx.msk $0xffff, v59;
	v50 =	vld [tilespmem:s13+$0xFFFFFEE0]  }
0x216: {  	v59 =	vadd.s32 v18, v34;
	[tilespmem:v58+s30+$0x0] =	vst.idx.msk $0xffff, v57;
	v58 =	vld [tilespmem:s13+$0xFFFFFF20]  }
0x217: {  	v57 =	vadd.s32 v31, v38;
	[tilespmem:v63+s30+$0x0] =	vst.idx.msk $0xffff, v47;
	v40 =	vld [tilespmem:s13+$0xFFFFFFF0]  }
0x218: {  	v60 =	vadd.s32 v26, v36;
	[tilespmem:v55+s30+$0x0] =	vst.idx.msk $0xffff, v54;
	v63 =	vld [tilespmem:s13+$0xFFFFFFA0]  }
0x219: {  	v46 =	vadd.s32 v22, v37;
	v44 =	vld [tilespmem:s13+$0xFFFFFF60];
	[tilespmem:v62+s30+$0x0] =	vst.idx.msk $0xffff, v61  }
0x21a: {  	v51 =	vadd.s32 v7, v45;
	[tilespmem:v56+s30+$0x0] =	vst.idx.msk $0xffff, v50;
	v50 =	vld [tilespmem:s13+$0xFFFFFE70]  }
0x21b: {  	v55 =	vld [tilespmem:s13+$0xFFFFFEB0];
	v56 =	vadd.s32 v11, v52;
	[tilespmem:v59+s30+$0x0] =	vst.idx.msk $0xffff, v58  }
0x21c: {  	v58 =	vadd.s32 v15, v35;
	[tilespmem:v57+s30+$0x0] =	vst.idx.msk $0xffff, v40;
	v57 =	vld [tilespmem:s13+$0xFFFFFEF0]  }
0x21d: {  	[tilespmem:v60+s30+$0x0] =	vst.idx.msk $0xffff, v63;
	v60 =	vadd.s32 v19, v34;
	v59 =	vld [tilespmem:s13+$0xFFFFFF30]  }
0x21e: {  	s6 =	simm.s32 $0x9;
	v38 =	vadd.s32 v32, v38;
	[tilespmem:v46+s30+$0x0] =	vst.idx.msk $0xffff, v44;
	v54 =	vld [tilespmem:s13+$0x0]  }
0x21f: {  	s20 =	simm.s32 $0x8;
	v41 =	vadd.s32 v23, v37;
	v53 =	vmov s6;
	v40 =	vld [tilespmem:s13+$0xFFFFFF70];
	[tilespmem:v51+s30+$0x0] =	vst.idx.msk $0xffff, v50  }
0x220: {  	s14 =	simm.s32 $0xC;
	s10 =	simm.s32 $0xB;
	v43 =	vadd.s32 v27, v36;
	v48 =	vadd.s32 v3, v33;
	v63 =	vmov s20;
	v42 =	vld [tilespmem:s13+$0xFFFFFFB0];
	[tilespmem:v56+s30+$0x0] =	vst.idx.msk $0xffff, v55  }
0x221: {  	v47 =	vmov s14;
	v44 =	vmov s10;
	v46 =	vld [tilespmem:s13+$0xFFFFFE30];
	s20 =	simm.s32 $0xE;
	v39 =	vshrl.u32 v63, $0x3;
	[tilespmem:v58+s30+$0x0] =	vst.idx.msk $0xffff, v57  }
0x222: {  	s19 =	simm.s32 $0xD;
	s9 =	simm.s32 $0xA;
	v51 =	vadd.s32 v8, v45;
	v45 =	vshll.u32 v39, v1;
	v39 =	vmov s20;
	v49 =	vld [tilespmem:s13+$0xFFFFFE80];
	[tilespmem:v60+s30+$0x0] =	vst.idx.msk $0xffff, v59  }
0x223: {  	s5 =	simm.s32 $0x10;
	s6 =	simm.s32 $0xF;
	v52 =	vadd.s32 v12, v52;
	v50 =	vld [tilespmem:s13+$0xFFFFFEC0];
	[tilespmem:v38+s30+$0x0] =	vst.idx.msk $0xffff, v54;
	v54 =	vmov s9;
	v38 =	vmov s19  }
.LBB2_15:
0x224: {  	p1 =	slt.u32 s5, $0x78;
	v53 =	vshrl.u32 v53, $0x3;
	v55 =	vmov s6;
	v56 =	vld [tilespmem:s13+$0xFFFFFF00];
	v35 =	vadd.s32 v16, v35;
	[tilespmem:v41+s30+$0x0] =	vst.idx.msk $0xffff, v40  }
0x225: {  	v40 =	vshrl.u32 v54, $0x3;
	v34 =	vadd.s32 v20, v34;
	v41 =	vshrl.u32 v55, $0x3;
	v54 =	vld [tilespmem:s13+$0xFFFFFF40];
	[tilespmem:v43+s30+$0x0] =	vst.idx.msk $0xffff, v42  }
0x226: {  	v37 =	vadd.s32 v24, v37;
	v42 =	vshrl.u32 v44, $0x3;
	v41 =	vshll.u32 v41, v1;
	[tilespmem:v48+s30+$0x0] =	vst.idx.msk $0xffff, v46;
	v43 =	vld [tilespmem:s13+$0xFFFFFF80]  }
0x227: {  	v36 =	vadd.s32 v28, v36;
	v44 =	vshrl.u32 v47, $0x3;
	v41 =	vbroadcast v41, $0x0;
	[tilespmem:v51+s30+$0x0] =	vst.idx.msk $0xffff, v49;
	v46 =	vld [tilespmem:s13+$0xFFFFFFC0]  }
0x228: {  	v47 =	vshll.u32 v53, v1;
	v49 =	vadd.s32 v4, v33;
	v33 =	vbroadcast v45, $0x0;
	v48 =	vld [tilespmem:s13+$0xFFFFFE40];
	[tilespmem:v52+s30+$0x0] =	vst.idx.msk $0xffff, v50;
	s13 =	sadd.s32 $0x200, s13  }
0x229: {  	v40 =	vshll.u32 v40, v1;
	v45 =	vbroadcast v47, $0x0;
	v47 =	vld [tilespmem:s13+$0xFFFFFFD0];
	v50 =	vadd.s32 v29, v41;
	[tilespmem:v35+s30+$0x0] =	vst.idx.msk $0xffff, v56  }
0x22a: {  	v55 =	vbroadcast v40, $0x0;
	v52 =	vadd.s32 v0, v33;
	v35 =	vshll.u32 v42, v1;
	v51 =	vld [tilespmem:s13+$0xFFFFFE10];
	[tilespmem:v34+s30+$0x0] =	vst.idx.msk $0xffff, v54  }
0x22b: {  	v42 =	vadd.s32 v5, v45;
	v35 =	vbroadcast v35, $0x0;
	v34 =	vshll.u32 v44, v1;
	v40 =	vld [tilespmem:s13+$0xFFFFFE50];
	[tilespmem:v37+s30+$0x0] =	vst.idx.msk $0xffff, v43  }
0x22c: {  	v44 =	vadd.s32 v9, v55;
	v34 =	vbroadcast v34, $0x0;
	v37 =	vshrl.u32 v38, $0x3;
	v43 =	vld [tilespmem:s13+$0xFFFFFE90];
	[tilespmem:v36+s30+$0x0] =	vst.idx.msk $0xffff, v46  }
0x22d: {  	v39 =	vshrl.u32 v39, $0x3;
	v46 =	vadd.s32 v13, v35;
	v36 =	vshll.u32 v37, v1;
	v38 =	vld [tilespmem:s13+$0xFFFFFED0];
	[tilespmem:v49+s30+$0x0] =	vst.idx.msk $0xffff, v48  }
0x22e: {  	v49 =	vadd.s32 v17, v34;
	v37 =	vbroadcast v36, $0x0;
	v36 =	vshll.u32 v39, v1;
	v48 =	vld [tilespmem:s13+$0xFFFFFF10];
	[tilespmem:v50+s30+$0x0] =	vst.idx.msk $0xffff, v47  }
0x22f: {  	v36 =	vbroadcast v36, $0x0;
	v47 =	vadd.s32 v30, v41;
	[tilespmem:v52+s30+$0x0] =	vst.idx.msk $0xffff, v51;
	v39 =	vld [tilespmem:s13+$0xFFFFFFE0]  }
0x230: {  	[tilespmem:v42+s30+$0x0] =	vst.idx.msk $0xffff, v40;
	v40 =	vld [tilespmem:s13+$0xFFFFFF50];
	v42 =	vadd.s32 v21, v37  }
0x231: {  	[tilespmem:v44+s30+$0x0] =	vst.idx.msk $0xffff, v43;
	v43 =	vld [tilespmem:s13+$0xFFFFFF90];
	v44 =	vadd.s32 v25, v36  }
0x232: {  	v51 =	vadd.s32 v6, v45;
	v50 =	vld [tilespmem:s13+$0xFFFFFE60];
	[tilespmem:v46+s30+$0x0] =	vst.idx.msk $0xffff, v38  }
0x233: {  	v46 =	vadd.s32 v10, v55;
	v38 =	vld [tilespmem:s13+$0xFFFFFEA0];
	[tilespmem:v49+s30+$0x0] =	vst.idx.msk $0xffff, v48  }
0x234: {  	v49 =	vadd.s32 v14, v35;
	v48 =	vld [tilespmem:s13+$0xFFFFFEE0];
	[tilespmem:v47+s30+$0x0] =	vst.idx.msk $0xffff, v39  }
0x235: {  	[tilespmem:v42+s30+$0x0] =	vst.idx.msk $0xffff, v40;
	v39 =	vld [tilespmem:s13+$0xFFFFFFF0];
	v40 =	vadd.s32 v31, v41  }
0x236: {  	v47 =	vadd.s32 v18, v34;
	v42 =	vld [tilespmem:s13+$0xFFFFFF20];
	[tilespmem:v44+s30+$0x0] =	vst.idx.msk $0xffff, v43  }
0x237: {  	v44 =	vadd.s32 v22, v37;
	[tilespmem:v51+s30+$0x0] =	vst.idx.msk $0xffff, v50;
	v43 =	vld [tilespmem:s13+$0xFFFFFF60]  }
0x238: {  	[tilespmem:v46+s30+$0x0] =	vst.idx.msk $0xffff, v38;
	v38 =	vld [tilespmem:s13+$0xFFFFFFA0];
	v46 =	vadd.s32 v26, v36  }
0x239: {  	v51 =	vadd.s32 v2, v33;
	v50 =	vld [tilespmem:s13+$0xFFFFFE20];
	[tilespmem:v49+s30+$0x0] =	vst.idx.msk $0xffff, v48  }
0x23a: {  	v49 =	vadd.s32 v7, v45;
	v48 =	vld [tilespmem:s13+$0xFFFFFE70];
	[tilespmem:v40+s30+$0x0] =	vst.idx.msk $0xffff, v39  }
0x23b: {  	[tilespmem:v47+s30+$0x0] =	vst.idx.msk $0xffff, v42;
	v39 =	vld [tilespmem:s13+$0x0];
	v47 =	vadd.s32 v32, v41  }
0x23c: {  	v56 =	vadd.s32 v11, v55;
	v52 =	vld [tilespmem:s13+$0xFFFFFEB0];
	[tilespmem:v44+s30+$0x0] =	vst.idx.msk $0xffff, v43  }
0x23d: {  	v58 =	vadd.s32 v15, v35;
	v57 =	vld [tilespmem:s13+$0xFFFFFEF0];
	[tilespmem:v46+s30+$0x0] =	vst.idx.msk $0xffff, v38  }
0x23e: {  	v60 =	vadd.s32 v19, v34;
	[tilespmem:v51+s30+$0x0] =	vst.idx.msk $0xffff, v50;
	v59 =	vld [tilespmem:s13+$0xFFFFFF30]  }
.Ltmp6:
0x23f: {  	s6 =	sadd.s32 $0x1, s5;
	v41 =	vadd.s32 v23, v37;
	v38 =	vmov s5;
	[tilespmem:v49+s30+$0x0] =	vst.idx.msk $0xffff, v48;
	v40 =	vld [tilespmem:s13+$0xFFFFFF70];
	(pc) =	sbr.rel @p1 .LBB2_15-.Ltmp6, $4  }
0x240: {  	s9 =	sadd.s32 $0x3, s5;
	v53 =	vmov s6;
	s6 =	sadd.s32 $0x2, s5;
	v43 =	vadd.s32 v27, v36;
	v50 =	vshrl.u32 v38, $0x3;
	v42 =	vld [tilespmem:s13+$0xFFFFFFB0];
	[tilespmem:v47+s30+$0x0] =	vst.idx.msk $0xffff, v39  }
0x241: {  	v54 =	vmov s6;
	s6 =	sadd.s32 $0x4, s5;
	v44 =	vmov s9;
	s9 =	sadd.s32 $0x5, s5;
	v48 =	vadd.s32 v3, v33;
	v46 =	vld [tilespmem:s13+$0xFFFFFE30];
	[tilespmem:v56+s30+$0x0] =	vst.idx.msk $0xffff, v52  }
0x242: {  	v38 =	vmov s9;
	v51 =	vadd.s32 v8, v45;
	v47 =	vmov s6;
	s6 =	sadd.s32 $0x6, s5;
	v49 =	vld [tilespmem:s13+$0xFFFFFE80];
	[tilespmem:v58+s30+$0x0] =	vst.idx.msk $0xffff, v57  }
0x243: {  	v45 =	vshll.u32 v50, v1;
	v39 =	vmov s6;
	s6 =	sadd.s32 $0x7, s5;
	s5 =	sadd.s32 $0x8, s5;
	v52 =	vadd.s32 v12, v55;
	v50 =	vld [tilespmem:s13+$0xFFFFFEC0];
	[tilespmem:v60+s30+$0x0] =	vst.idx.msk $0xffff, v59  }
0x244: {  	_ =	sdelay $0x2  }
0x245: {  	v53 =	vshrl.u32 v53, $0x3  }
0x246: {  	v55 =	vmov s6;
	v56 =	vld [tilespmem:s13+$0xFFFFFF00];
	v35 =	vadd.s32 v16, v35;
	[tilespmem:v41+s30+$0x0] =	vst.idx.msk $0xffff, v40;
	v57 =	vshrl.u32 v54, $0x3  }
0x247: {  	v59 =	vld [tilespmem:s13+$0xFFFFFF40];
	v34 =	vadd.s32 v20, v34;
	v60 =	vshrl.u32 v44, $0x3;
	v58 =	vshrl.u32 v55, $0x3;
	[tilespmem:v43+s30+$0x0] =	vst.idx.msk $0xffff, v42  }
0x248: {  	v37 =	vadd.s32 v24, v37;
	v62 =	vshrl.u32 v47, $0x3;
	v61 =	vld [tilespmem:s13+$0xFFFFFF80];
	v41 =	vshll.u32 v58, v1;
	[tilespmem:v48+s30+$0x0] =	vst.idx.msk $0xffff, v46  }
0x249: {  	v36 =	vadd.s32 v28, v36;
	v45 =	vbroadcast v45, $0x0;
	v63 =	vld [tilespmem:s13+$0xFFFFFFC0];
	v41 =	vbroadcast v41, $0x0;
	[tilespmem:v51+s30+$0x0] =	vst.idx.msk $0xffff, v49  }
0x24a: {  	v33 =	vadd.s32 v4, v33;
	s5 =	sadd.s32 $0x200, s13;
	v38 =	vshrl.u32 v38, $0x3;
	v55 =	vshll.u32 v53, v1;
	v48 =	vld [tilespmem:s13+$0xFFFFFE40];
	[tilespmem:v52+s30+$0x0] =	vst.idx.msk $0xffff, v50  }
0x24b: {  	v40 =	vshll.u32 v57, v1;
	v47 =	vbroadcast v55, $0x0;
	v49 =	vld [tilespmem:s5+$0xFFFFFFD0];
	v50 =	vadd.s32 v29, v41;
	[tilespmem:v35+s30+$0x0] =	vst.idx.msk $0xffff, v56  }
0x24c: {  	v42 =	vshll.u32 v60, v1;
	v40 =	vbroadcast v40, $0x0;
	v35 =	vld [tilespmem:s5+$0xFFFFFE10];
	v56 =	vadd.s32 v0, v45;
	[tilespmem:v34+s30+$0x0] =	vst.idx.msk $0xffff, v59  }
0x24d: {  	v57 =	vld [tilespmem:s5+$0xFFFFFE50];
	v44 =	vshll.u32 v62, v1;
	v42 =	vbroadcast v42, $0x0;
	v58 =	vadd.s32 v5, v47;
	[tilespmem:v37+s30+$0x0] =	vst.idx.msk $0xffff, v61  }
0x24e: {  	v38 =	vshll.u32 v38, v1;
	v44 =	vbroadcast v44, $0x0;
	v60 =	vadd.s32 v9, v40;
	v59 =	vld [tilespmem:s5+$0xFFFFFE90];
	[tilespmem:v36+s30+$0x0] =	vst.idx.msk $0xffff, v63  }
0x24f: {  	v38 =	vbroadcast v38, $0x0;
	v62 =	vadd.s32 v13, v42;
	v61 =	vld [tilespmem:s5+$0xFFFFFED0];
	[tilespmem:v33+s30+$0x0] =	vst.idx.msk $0xffff, v48  }
0x250: {  	v39 =	vshrl.u32 v39, $0x3;
	v63 =	vadd.s32 v17, v44;
	v33 =	vld [tilespmem:s5+$0xFFFFFF10];
	[tilespmem:v50+s30+$0x0] =	vst.idx.msk $0xffff, v49  }
0x251: {  	v39 =	vshll.u32 v39, v1;
	v34 =	vld [tilespmem:s5+$0xFFFFFF50];
	[tilespmem:v56+s30+$0x0] =	vst.idx.msk $0xffff, v35;
	v56 =	vadd.s32 v21, v38  }
0x252: {  	[tilespmem:v58+s30+$0x0] =	vst.idx.msk $0xffff, v57;
	v35 =	vbroadcast v39, $0x0;
	v49 =	vadd.s32 v30, v41;
	v39 =	vld [tilespmem:s5+$0xFFFFFFE0]  }
0x253: {  	[tilespmem:v60+s30+$0x0] =	vst.idx.msk $0xffff, v59;
	v59 =	vld [tilespmem:s5+$0xFFFFFE60];
	v60 =	vadd.s32 v6, v47  }
0x254: {  	v57 =	vld [tilespmem:s5+$0xFFFFFF90];
	[tilespmem:v62+s30+$0x0] =	vst.idx.msk $0xffff, v61;
	v58 =	vadd.s32 v25, v35  }
0x255: {  	v61 =	vld [tilespmem:s5+$0xFFFFFEA0];
	v62 =	vadd.s32 v10, v40;
	[tilespmem:v63+s30+$0x0] =	vst.idx.msk $0xffff, v33  }
0x256: {  	v33 =	vld [tilespmem:s5+$0xFFFFFEE0];
	v63 =	vadd.s32 v14, v42;
	[tilespmem:v56+s30+$0x0] =	vst.idx.msk $0xffff, v34  }
0x257: {  	v56 =	vadd.s32 v18, v44;
	[tilespmem:v49+s30+$0x0] =	vst.idx.msk $0xffff, v39;
	v49 =	vld [tilespmem:s5+$0xFFFFFF20]  }
0x258: {  	[tilespmem:v60+s30+$0x0] =	vst.idx.msk $0xffff, v59;
	v39 =	vadd.s32 v31, v41;
	v34 =	vld [tilespmem:s5+$0xFFFFFFF0]  }
0x259: {  	[tilespmem:v58+s30+$0x0] =	vst.idx.msk $0xffff, v57;
	v57 =	vld [tilespmem:s5+$0xFFFFFF60];
	v58 =	vadd.s32 v22, v38  }
0x25a: {  	[tilespmem:v62+s30+$0x0] =	vst.idx.msk $0xffff, v61;
	v61 =	vld [tilespmem:s5+$0xFFFFFE20];
	v62 =	vadd.s32 v2, v45  }
0x25b: {  	v60 =	vadd.s32 v26, v35;
	v59 =	vld [tilespmem:s5+$0xFFFFFFA0];
	[tilespmem:v63+s30+$0x0] =	vst.idx.msk $0xffff, v33  }
0x25c: {  	v55 =	vadd.s32 v11, v40;
	v54 =	vadd.s32 v32, v41;
	v41 =	vld [tilespmem:s5+$0xFFFFFEB0];
	[tilespmem:v56+s30+$0x0] =	vst.idx.msk $0xffff, v49  }
0x25d: {  	v53 =	vadd.s32 v7, v47;
	v63 =	vld [tilespmem:s5+$0xFFFFFE70];
	[tilespmem:v39+s30+$0x0] =	vst.idx.msk $0xffff, v34  }
0x25e: {  	v56 =	vld [tilespmem:s5+$0xFFFFFEF0];
	[tilespmem:v58+s30+$0x0] =	vst.idx.msk $0xffff, v57;
	v57 =	vadd.s32 v15, v42  }
0x25f: {  	[tilespmem:v62+s30+$0x0] =	vst.idx.msk $0xffff, v61;
	v34 =	vld [tilespmem:s5+$0x0]  }
0x260: {  	v58 =	vld [tilespmem:s5+$0xFFFFFF30];
	[tilespmem:v60+s30+$0x0] =	vst.idx.msk $0xffff, v59;
	v59 =	vadd.s32 v19, v44  }
0x261: {  	v61 =	vadd.s32 v23, v38;
	[tilespmem:v55+s30+$0x0] =	vst.idx.msk $0xffff, v41;
	v60 =	vld [tilespmem:s5+$0xFFFFFF70]  }
0x262: {  	[tilespmem:v53+s30+$0x0] =	vst.idx.msk $0xffff, v63;
	v63 =	vadd.s32 v27, v35;
	v62 =	vld [tilespmem:s5+$0xFFFFFFB0]  }
0x263: {  	v47 =	vadd.s32 v8, v47;
	v55 =	vld [tilespmem:s5+$0xFFFFFE80];
	[tilespmem:v57+s30+$0x0] =	vst.idx.msk $0xffff, v56  }
0x264: {  	v53 =	vld [tilespmem:s5+$0xFFFFFE30];
	[tilespmem:v54+s30+$0x0] =	vst.idx.msk $0xffff, v34;
	v54 =	vadd.s32 v3, v45  }
0x265: {  	v40 =	vadd.s32 v12, v40;
	v56 =	vld [tilespmem:s5+$0xFFFFFEC0];
	[tilespmem:v59+s30+$0x0] =	vst.idx.msk $0xffff, v58  }
0x266: {  	v42 =	vadd.s32 v16, v42;
	v57 =	vld [tilespmem:s5+$0xFFFFFF00];
	[tilespmem:v61+s30+$0x0] =	vst.idx.msk $0xffff, v60  }
0x267: {  	v59 =	vadd.s32 v20, v44;
	v58 =	vld [tilespmem:s5+$0xFFFFFF40];
	[tilespmem:v63+s30+$0x0] =	vst.idx.msk $0xffff, v62  }
0x268: {  	v38 =	vadd.s32 v24, v38;
	v60 =	vld [tilespmem:s5+$0xFFFFFF80];
	[tilespmem:v47+s30+$0x0] =	vst.idx.msk $0xffff, v55  }
0x269: {  	v35 =	vadd.s32 v28, v35;
	v61 =	vld [tilespmem:s5+$0xFFFFFFC0];
	[tilespmem:v54+s30+$0x0] =	vst.idx.msk $0xffff, v53  }
0x26a: {  	v63 =	vadd.s32 v4, v45;
	[tilespmem:v40+s30+$0x0] =	vst.idx.msk $0xffff, v56;
	v62 =	vld [tilespmem:s5+$0xFFFFFE40]  }
0x26b: {  	[tilespmem:v42+s30+$0x0] =	vst.idx.msk $0xffff, v57  }
0x26c: {  	s20 =	sshll.u32 s18, $0x12;
	[tilespmem:v59+s30+$0x0] =	vst.idx.msk $0xffff, v58  }
0x26d: {  	[tilespmem:v38+s30+$0x0] =	vst.idx.msk $0xffff, v60;
	s5 =	sor.u32 s4, s20  }
0x26e: {  	[tilespmem:v35+s30+$0x0] =	vst.idx.msk $0xffff, v61;
	s5 =	sshrl.u32 s5, $0x3  }
0x26f: {  	s6 =	simm.s32 $0x159A0;
	s13 =	sadd.s32 s1, s5;
	[tilespmem:v63+s30+$0x0] =	vst.idx.msk $0xffff, v62  }
0x270: {  	[hbm4b:s13+s3] =	stream.linear.scatter [tilespmem:s6], [sflag:$0x8], $0x80, $0x38;
	[tilespmem:$0x17BA0] =	vst v63  }
0x271: {  	s9 =	simm.s32 $0x15A28;
	s10 =	sadd.s32 $0x10, s13  }
0x272: {  	[hbm4b:s10+s3] =	stream.linear.scatter [tilespmem:s9], [sflag:$0x8], $0x80, $0x38;
	[tilespmem:$0x17BA0] =	vst v63  }
0x273: {  	s14 =	simm.s32 $0x15AB0;
	s19 =	simm.s32 $0x15B38;
	s18 =	sadd.s32 $0x20, s13  }
0x274: {  	[hbm4b:s18+s3] =	stream.linear.scatter [tilespmem:s14], [sflag:$0x8], $0x80, $0x38;
	[tilespmem:$0x17BA0] =	vst v63  }
0x275: {  	s5 =	simm.s32 $0x440;
	s20 =	sadd.s32 $0x30, s13;
	s6 =	simm.s32 $0x2200  }
0x276: {  	[hbm4b:s20+s3] =	stream.linear.scatter [tilespmem:s19], [sflag:$0x8], $0x80, $0x38;
	[tilespmem:$0x17BA0] =	vst v63  }
0x277: {  	s9 =	simm.s32 $0x15BC0;
	s10 =	sadd.s32 $0x40, s13;
	s14 =	simm.s32 $0x15C48  }
0x278: {  	[hbm4b:s10+s3] =	stream.linear.scatter [tilespmem:s9], [sflag:$0x8], $0x80, $0x38;
	[tilespmem:$0x17BA0] =	vst v63  }
0x279: {  	s18 =	sadd.s32 $0x50, s13;
	s19 =	simm.s32 $0x15CD0;
	s20 =	sadd.s32 $0x60, s13  }
0x27a: {  	[hbm4b:s18+s3] =	stream.linear.scatter [tilespmem:s14], [sflag:$0x8], $0x80, $0x38;
	[tilespmem:$0x17BA0] =	vst v63  }
0x27b: {  	s9 =	simm.s32 $0x15D58;
	s10 =	sadd.s32 $0x70, s13;
	s13 =	sadd.s32 $0x1000, s13  }
0x27c: {  	[hbm4b:s20+s3] =	stream.linear.scatter [tilespmem:s19], [sflag:$0x8], $0x80, $0x38;
	[tilespmem:$0x17BA0] =	vst v63  }
.LBB2_17:
0x27d: {  	[hbm4b:s10+s3] =	stream.linear.scatter [tilespmem:s9], [sflag:$0x8], $0x80, $0x38;
	[tilespmem:$0x17BA0] =	vst v63  }
0x27e: {  	s9 =	smov.u32 s5;
	s5 =	smov.u32 s6  }
0x27f: {  	s14 =	sadd.s32 $0x1100, s6;
	s5 =	sshra.s32 s5, $0x2;
	s10 =	sadd.s32 $0x159A0, s9  }
0x280: {  	[hbm4b:s13+s3] =	stream.linear.scatter [tilespmem:s10], [sflag:$0x8], $0x80, $0x38;
	[tilespmem:$0x17BA0] =	vst v63  }
0x281: {  	p1 =	sne.s32 s6, $0x7700;
	s6 =	sadd.s32 $0x15A28, s9;
	s10 =	sadd.s32 $0x10, s13  }
0x282: {  	[hbm4b:s10+s3] =	stream.linear.scatter [tilespmem:s6], [sflag:$0x8], $0x80, $0x38;
	[tilespmem:$0x17BA0] =	vst v63  }
0x283: {  	s6 =	sadd.s32 $0x15AB0, s9;
	s10 =	sadd.s32 $0x20, s13  }
0x284: {  	[hbm4b:s10+s3] =	stream.linear.scatter [tilespmem:s6], [sflag:$0x8], $0x80, $0x38;
	[tilespmem:$0x17BA0] =	vst v63  }
0x285: {  	s6 =	sadd.s32 $0x15B38, s9;
	s10 =	sadd.s32 $0x30, s13  }
0x286: {  	[hbm4b:s10+s3] =	stream.linear.scatter [tilespmem:s6], [sflag:$0x8], $0x80, $0x38;
	[tilespmem:$0x17BA0] =	vst v63  }
0x287: {  	s6 =	sadd.s32 $0x15BC0, s9;
	s10 =	sadd.s32 $0x40, s13  }
0x288: {  	[hbm4b:s10+s3] =	stream.linear.scatter [tilespmem:s6], [sflag:$0x8], $0x80, $0x38;
	[tilespmem:$0x17BA0] =	vst v63  }
.Ltmp7:
0x289: {  	s6 =	sadd.s32 $0x15C48, s9;
	s10 =	sadd.s32 $0x50, s13;
	(pc) =	sbr.rel @p1 .LBB2_17-.Ltmp7, $4  }
0x28a: {  	[hbm4b:s10+s3] =	stream.linear.scatter [tilespmem:s6], [sflag:$0x8], $0x80, $0x38;
	[tilespmem:$0x17BA0] =	vst v63  }
0x28b: {  	s6 =	sadd.s32 $0x15CD0, s9;
	s10 =	sadd.s32 $0x60, s13;
	s9 =	sadd.s32 $0x15D58, s9  }
0x28c: {  	[hbm4b:s10+s3] =	stream.linear.scatter [tilespmem:s6], [sflag:$0x8], $0x80, $0x38;
	[tilespmem:$0x17BA0] =	vst v63  }
0x28d: {  	s10 =	sadd.s32 $0x70, s13;
	s13 =	sadd.s32 $0x1000, s13;
	s6 =	smov.u32 s14  }
0x28e: {  	[hbm4b:s10+s3] =	stream.linear.scatter [tilespmem:s9], [sflag:$0x8], $0x80, $0x38;
	[tilespmem:$0x17BA0] =	vst v63  }
0x28f: {  	s6 =	sadd.s32 $0x159A0, s5  }
0x290: {  	[hbm4b:s13+s3] =	stream.linear.scatter [tilespmem:s6], [sflag:$0x8], $0x80, $0x38;
	[tilespmem:$0x17BA0] =	vst v63  }
0x291: {  	s19 =	sadd.s32 $0x15A28, s5;
	s20 =	sadd.s32 $0x10, s13  }
0x292: {  	[hbm4b:s20+s3] =	stream.linear.scatter [tilespmem:s19], [sflag:$0x8], $0x80, $0x38;
	[tilespmem:$0x17BA0] =	vst v63  }
0x293: {  	s9 =	sadd.s32 $0x15AB0, s5;
	s10 =	sadd.s32 $0x20, s13  }
0x294: {  	[hbm4b:s10+s3] =	stream.linear.scatter [tilespmem:s9], [sflag:$0x8], $0x80, $0x38;
	[tilespmem:$0x17BA0] =	vst v63  }
0x295: {  	s14 =	sadd.s32 $0x15B38, s5;
	s18 =	sadd.s32 $0x30, s13  }
0x296: {  	[hbm4b:s18+s3] =	stream.linear.scatter [tilespmem:s14], [sflag:$0x8], $0x80, $0x38;
	[tilespmem:$0x17BA0] =	vst v63  }
0x297: {  	s17 =	sadd.s32 $0x1, s17;
	s19 =	sadd.s32 $0x15BC0, s5;
	s20 =	sadd.s32 $0x40, s13  }
0x298: {  	[hbm4b:s20+s3] =	stream.linear.scatter [tilespmem:s19], [sflag:$0x8], $0x80, $0x38;
	[tilespmem:$0x17BA0] =	vst v63  }
0x299: {  	p1 =	sne.s32 s17, $0x32;
	s9 =	sadd.s32 $0x15C48, s5;
	s10 =	sadd.s32 $0x50, s13  }
0x29a: {  	[hbm4b:s10+s3] =	stream.linear.scatter [tilespmem:s9], [sflag:$0x8], $0x80, $0x38;
	[tilespmem:$0x17BA0] =	vst v63  }
.Ltmp8:
0x29b: {  	_ = 	snop;
	(pc) =	sbr.rel @p1 .LBB2_2-.Ltmp8, $4  }
0x29c: {  	s14 =	sadd.s32 $0x15CD0, s5;
	s18 =	sadd.s32 $0x60, s13  }
0x29d: {  	[hbm4b:s18+s3] =	stream.linear.scatter [tilespmem:s14], [sflag:$0x8], $0x80, $0x38;
	[tilespmem:$0x17BA0] =	vst v63  }
0x29e: {  	s19 =	sadd.s32 $0x15D58, s5;
	s20 =	sadd.s32 $0x70, s13  }
0x29f: {  	[hbm4b:s20+s3] =	stream.linear.scatter [tilespmem:s19], [sflag:$0x8], $0x80, $0x38;
	[tilespmem:$0x17BA0] =	vst v63  }
0x2a0: {  	_ =	swait.ge [sflag:s31], $0x2000  }
0x2a1: {  	[sflag:s31] =	ssyncset.done $0x0  }
0x2a2: {  	[sflag:s31] =	ssyncadd.s32 $0xFFFFE000  }
0x2a3: {  	_ =	swait.ge [sflag:s0], $0x2000  }
0x2a4: {  	[sflag:s0] =	ssyncset.done $0x0  }
0x2a5: {  	[sflag:s0] =	ssyncadd.s32 $0xFFFFE000  }
0x2a6: {  	_ =	swait.ge [sflag:s11], $0x2000  }
0x2a7: {  	[sflag:s11] =	ssyncset.done $0x0  }
0x2a8: {  	[sflag:s11] =	ssyncadd.s32 $0xFFFFE000  }
0x2a9: {  	_ =	swait.ge [sflag:s12], $0x2000  }
0x2aa: {  	s16 =	sadd.s32 $0x1, s16;
	s5 =	rddreg [dreg:$0x7]  }
0x2ab: {  	p1 =	sne.s32 s16, s5  }
.Ltmp9:
0x2ac: {  	_ = 	snop;
	(pc) =	sbr.rel @p1 .LBB2_1-.Ltmp9, $3  }
0x2ad: {  	_ =	sdelay $0x1  }
0x2ae: {  	[sflag:s12] =	ssyncset.done $0x0  }
0x2af: {  	[sflag:s12] =	ssyncadd.s32 $0xFFFFE000  }
0x2b0: {  	_ =	sfence.sel $0x180000  }
0x2b1: {  	[bflag:$0x0] =	sbarrier.arrive $0xFFFF  }
0x2b2: {  	_ =	strace $0x90000047  }
0x2b3: {  	[bflag:$0x2] =	sbarrier.arrive $0xFFFF  }
0x2b4: {  	s0 =	rddreg [dreg:$0x4]  }
0x2b5: {  	s0 =	sadd.s32 @!p0 $0x100000, s0  }
0x2b6: {  	[sflag:s0] =	ssyncadd.tile.s32 @!p0 $0x1;
	_ =	shalt  }
.Lfunc_end2:
_tile_overlayer_lowered:
.L_overlay_start_2:
0x2b7: {  	(tag) =	ssettag $0x2  }
0x2b8: {  	s0 =	rddreg [dreg:$0x0];
	s2 =	stileid.u32  }
0x2b9: {  	s1 =	rddreg [dreg:$0x1];
	p0 =	sne.s32 s2, $0x0  }
0x2ba: {  	s3 =	rddreg [dreg:$0x2];
	[bflag:$0x3] =	sbarrier.arrive $0xFFFF;
	s2 =	simm.s32 @!p0 $0x1C09  }
0x2bb: {  	[timem:s3], [sflag:s2] =	dma.local @!p0 [hbm:s0], s1  }
0x2bc: {  	s0 =	simm.s32 @!p0 $0x9  }
0x2bd: {  	_ =	swait.ge @!p0 [sflag:s0], s1  }
0x2be: {  	s1 =	ssub.s32 @!p0 $0x0, s1;
	[sflag:s0] =	ssyncset.done @!p0 $0x0  }
0x2bf: {  	[sflag:s0] =	ssyncadd.s32 @!p0 s1  }
0x2c0: {  	[bflag:$0x3] =	sbarrier.arrive $0xFFFF  }
0x2c1: {  	_ =	shalt  }

</sc_bundles>
